<compile_context>
chip_gen: v7x
topology: tpu7x:2x2x1
jax: 0.10.2.dev20260603
libtpu: 0.0.44.dev20260713+nightly
codegen_flags: <defaults>
</compile_context>

<pallas_src>
import functools

import jax
import jax.numpy as jnp
from jax import lax
from jax.experimental import pallas as pl
from jax.experimental.pallas import tpu as pltpu
from jax.experimental.pallas import tpu_sc as plsc

B = 16384
N = 256
L = 16
NCHUNK = N // L
PAD = L + 1

SPLIT = 14336
TC_ROWS = SPLIT
BLOCK_ROWS = 7168
NUM_BLOCKS = TC_ROWS // BLOCK_ROWS

_info = plsc.get_sparse_core_info()
NC, NS = _info.num_cores, _info.num_subcores
NW = NC * NS
SC_ROWS = B - SPLIT
ROWS_W = SC_ROWS // NW
CH = min(64, ROWS_W)
NCH = ROWS_W // CH

_BIG = 2**30


def _wtac_sc_body(x_hbm, lab_hbm, out_hbm, xb0, xb1, labv, outv, tbuf, ibuf,
                  sem0, sem1, osem):
    wid = lax.axis_index("s") * NC + lax.axis_index("c")
    base = SPLIT + wid * ROWS_W
    pltpu.sync_copy(lab_hbm, labv)
    bufs = (xb0, xb1)
    sems = (sem0, sem1)
    copies = [None] * NCH
    copies[0] = pltpu.async_copy(
        x_hbm.at[pl.ds(base, CH), :], xb0, sems[0]
    )
    lane = lax.iota(jnp.int32, L)
    idxs = [lane + jnp.int32(k * L) for k in range(NCHUNK)]
    lane_pad = lane * jnp.int32(PAD)

    for ch in range(NCH):
        if ch + 1 < NCH:
            copies[ch + 1] = pltpu.async_copy(
                x_hbm.at[pl.ds(base + (ch + 1) * CH, CH), :],
                bufs[(ch + 1) % 2],
                sems[(ch + 1) % 2],
            )
        copies[ch].wait()
        xch = bufs[ch % 2]

        def group_step(g, carry, xch=xch):
            for rr in range(L):
                row = g * L + rr
                best = xch[row, pl.ds(0, L)]
                bidx = idxs[0]
                for k in range(1, NCHUNK):
                    v = xch[row, pl.ds(k * L, L)]
                    upd = v < best
                    best = jnp.minimum(best, v)
                    bidx = jnp.where(upd, idxs[k], bidx)
                tbuf[pl.ds(rr * PAD, L)] = best
                ibuf[pl.ds(rr * PAD, L)] = bidx
            cols = [
                plsc.load_gather(tbuf, [lane_pad + jnp.int32(c)])
                for c in range(L)
            ]
            rowmin = cols[0]
            for c in range(1, L):
                rowmin = jnp.minimum(rowmin, cols[c])
            wacc = jnp.full((L,), _BIG, jnp.int32)
            for c in range(L):
                icol = plsc.load_gather(ibuf, [lane_pad + jnp.int32(c)])
                cand = jnp.where(cols[c] == rowmin, icol, jnp.int32(_BIG))
                wacc = jnp.minimum(wacc, cand)
            labs = plsc.load_gather(labv, [wacc])
            outv[pl.ds(g * L, L)] = labs
            return carry

        lax.fori_loop(0, CH // L, group_step, 0)
        pltpu.async_copy(
            outv, out_hbm.at[pl.ds(wid * ROWS_W + ch * CH, CH)], osem
        ).wait()


def _wtac_sc(x, prototype_labels):
    run = functools.partial(
        pl.kernel,
        mesh=plsc.VectorSubcoreMesh(core_axis_name="c", subcore_axis_name="s"),
        out_type=jax.ShapeDtypeStruct((SC_ROWS,), jnp.float32),
        compiler_params=pltpu.CompilerParams(needs_layout_passes=False),
        scratch_types=[
            pltpu.VMEM((CH, N), jnp.float32),
            pltpu.VMEM((CH, N), jnp.float32),
            pltpu.VMEM((N,), jnp.float32),
            pltpu.VMEM((CH,), jnp.float32),
            pltpu.VMEM((L * PAD,), jnp.float32),
            pltpu.VMEM((L * PAD,), jnp.int32),
            pltpu.SemaphoreType.DMA,
            pltpu.SemaphoreType.DMA,
            pltpu.SemaphoreType.DMA,
        ],
    )(_wtac_sc_body)
    return run(x, prototype_labels)


def _wtac_tc_block(x_ref, lab_ref, out_ref):
    x = x_ref[...]
    m = jnp.min(x, axis=1, keepdims=True)
    colf = jax.lax.broadcasted_iota(jnp.int32, (BLOCK_ROWS, N), 1).astype(
        jnp.float32
    )
    cand = jnp.where(x == m, colf, jnp.float32(2.0**30))
    win = jnp.min(cand, axis=1, keepdims=True)
    onehot = (cand == win).astype(jnp.float32)
    lab = lab_ref[...]
    y = jax.lax.dot_general(
        lab, onehot, (((1,), (1,)), ((), ())),
        preferred_element_type=jnp.float32,
    )
    out_ref[...] = y.reshape(BLOCK_ROWS)


def _wtac_tc(x, prototype_labels):
    lab2d = prototype_labels.reshape(1, N)
    return pl.pallas_call(
        _wtac_tc_block,
        grid=(NUM_BLOCKS,),
        in_specs=[
            pl.BlockSpec((BLOCK_ROWS, N), lambda i: (i, 0)),
            pl.BlockSpec((1, N), lambda i: (0, 0)),
        ],
        out_specs=pl.BlockSpec((BLOCK_ROWS,), lambda i: (i,)),
        out_shape=jax.ShapeDtypeStruct((TC_ROWS,), jnp.float32),
    )(x, lab2d)


def kernel(x, prototype_labels):
    y_sc = _wtac_sc(x, prototype_labels)
    y_tc = _wtac_tc(x, prototype_labels)
    return jnp.concatenate([y_tc, y_sc])

# --- scband reference (transcript-rebuilt; emitter-appended) ---
"""Pipeline reference for scband-wtac-49881750176068 (READ-ONLY COPY).

The authoritative reference and input builder live on the scoring server;
editing this copy changes nothing except your own understanding.
"""

import jax, jax.numpy as jnp
import numpy as np

B = 16384
N_PROTO = 256

def setup_inputs(seed: int = 0) -> dict:
    key = jax.random.key(seed)
    kx, _ = jax.random.split(key)
    # x holds (non-negative) distances from each sample to each prototype
    x = jax.random.uniform(kx, (B, N_PROTO), dtype=jnp.float32) * 10.0
    # learned/configured prototype labels (init kwarg of the keras layer):
    # 256 prototypes cycling over 10 class labels; float dtype so the gather
    # output is a float array (faithful to tf.gather semantics on the label tensor)
    prototype_labels = jnp.asarray(np.arange(N_PROTO) % 10, dtype=jnp.float32)
    return {"x": x, "prototype_labels": prototype_labels}


def reference(x, prototype_labels):
    # Winner-Takes-All Competition: label of the closest prototype (min distance)
    neg_distances = jnp.negative(x)
    _, winning_indices = jax.lax.top_k(neg_distances, 1)  # [B, 1]
    winning_labels = jnp.take(prototype_labels, winning_indices, axis=0)  # [B, 1]
    y = jnp.squeeze(winning_labels, axis=-1)  # [B]
    return y

if __name__ == "__main__":
    import jax
    _d = setup_inputs()
    print(jax.jit(kernel)(*tuple(_d.values())))

</pallas_src>

<mosaic_0001>
#map = affine_map<(d0, d1) -> (0, 0)>
#map1 = affine_map<(d0, d1) -> (0)>
module attributes {stable_mosaic.version = 14 : i64} {
  func.func @_wtac_sc_body(%arg0: i32, %arg1: i32, %arg2: memref<16384x256xf32, #tpu.memory_space<hbm>>, %arg3: memref<256xf32, #tpu.memory_space<hbm>>, %arg4: memref<2048xf32, #tpu.memory_space<hbm>>, %arg5: memref<64x256xf32, #tpu.memory_space<vmem>>, %arg6: memref<64x256xf32, #tpu.memory_space<vmem>>, %arg7: memref<256xf32, #tpu.memory_space<vmem>>, %arg8: memref<64xf32, #tpu.memory_space<vmem>>, %arg9: memref<272xf32, #tpu.memory_space<vmem>>, %arg10: memref<272xi32, #tpu.memory_space<vmem>>, %arg11: memref<!tpu.dma_semaphore, #tpu.memory_space<semaphore_mem>>, %arg12: memref<!tpu.dma_semaphore, #tpu.memory_space<semaphore_mem>>, %arg13: memref<!tpu.dma_semaphore, #tpu.memory_space<semaphore_mem>>) attributes {dimension_semantics = [#tpu.dimension_semantics<core_parallel>, #tpu.dimension_semantics<subcore_parallel>], iteration_bounds = array<i64: 2, 16>, scalar_prefetch = 0 : i64, scratch_operands = 9 : i64, tpu.core_type = #tpu.core_type<sc_vector_subcore>, window_params = [{transform_indices = #map}, {transform_indices = #map1}, {transform_indices = #map1}]} {
    %mul3A = arith.constant 2 : i32
    %mul3A_0 = arith.muli %arg1, %mul3A : i32
    %add3A = arith.addi %mul3A_0, %arg0 : i32
    %mul3A_1 = arith.constant 64 : i32
    %mul3A_2 = arith.muli %add3A, %mul3A_1 : i32
    %add3A_3 = arith.constant 14336 : i32
    %add3A_4 = arith.addi %add3A_3, %mul3A_2 : i32
    "tpu.region"() ({
      %run_scoped3A = tpu.sem_alloc : memref<!tpu.dma_semaphore, #tpu.memory_space<semaphore_mem>>
      tpu.enqueue_dma source(%arg3 : memref<256xf32, #tpu.memory_space<hbm>>) target(%arg7 : memref<256xf32, #tpu.memory_space<vmem>>) target_semaphore(%run_scoped3A : memref<!tpu.dma_semaphore, #tpu.memory_space<semaphore_mem>>)
      tpu.wait_dma2 semaphore(%run_scoped3A : memref<!tpu.dma_semaphore, #tpu.memory_space<semaphore_mem>>) src(%arg3 : memref<256xf32, #tpu.memory_space<hbm>>) dst(%arg7 : memref<256xf32, #tpu.memory_space<vmem>>)
      tpu.yield
    }) : () -> ()
    %dma_start3A = arith.constant 0 : i32
    %dma_start3A_5 = tpu.memref_slice %arg2[%add3A_4, %dma_start3A] : memref<16384x256xf32, #tpu.memory_space<hbm>> -> memref<64x256xf32, #tpu.memory_space<hbm>>
    %dma_start3A_6 = arith.constant 0 : i32
    %dma_start3A_7 = tpu.memref_slice %arg2[%add3A_4, %dma_start3A_6] : memref<16384x256xf32, #tpu.memory_space<hbm>> -> memref<64x256xf32, #tpu.memory_space<hbm>>
    tpu.enqueue_dma source(%dma_start3A_7 : memref<64x256xf32, #tpu.memory_space<hbm>>) target(%arg5 : memref<64x256xf32, #tpu.memory_space<vmem>>) target_semaphore(%arg11 : memref<!tpu.dma_semaphore, #tpu.memory_space<semaphore_mem>>)
    %iota3A = tpu.iota {dimensions = array<i32: 0>} : vector<16xi32>
    %add3A_8 = arith.constant 0 : i32
    %add3A_9 = vector.broadcast %add3A_8 : i32 to vector<16xi32>
    %add3A_10 = arith.addi %iota3A, %add3A_9 : vector<16xi32>
    %add3A_11 = arith.constant 16 : i32
    %add3A_12 = vector.broadcast %add3A_11 : i32 to vector<16xi32>
    %add3A_13 = arith.addi %iota3A, %add3A_12 : vector<16xi32>
    %add3A_14 = arith.constant 32 : i32
    %add3A_15 = vector.broadcast %add3A_14 : i32 to vector<16xi32>
    %add3A_16 = arith.addi %iota3A, %add3A_15 : vector<16xi32>
    %add3A_17 = arith.constant 48 : i32
    %add3A_18 = vector.broadcast %add3A_17 : i32 to vector<16xi32>
    %add3A_19 = arith.addi %iota3A, %add3A_18 : vector<16xi32>
    %add3A_20 = arith.constant 64 : i32
    %add3A_21 = vector.broadcast %add3A_20 : i32 to vector<16xi32>
    %add3A_22 = arith.addi %iota3A, %add3A_21 : vector<16xi32>
    %add3A_23 = arith.constant 80 : i32
    %add3A_24 = vector.broadcast %add3A_23 : i32 to vector<16xi32>
    %add3A_25 = arith.addi %iota3A, %add3A_24 : vector<16xi32>
    %add3A_26 = arith.constant 96 : i32
    %add3A_27 = vector.broadcast %add3A_26 : i32 to vector<16xi32>
    %add3A_28 = arith.addi %iota3A, %add3A_27 : vector<16xi32>
    %add3A_29 = arith.constant 112 : i32
    %add3A_30 = vector.broadcast %add3A_29 : i32 to vector<16xi32>
    %add3A_31 = arith.addi %iota3A, %add3A_30 : vector<16xi32>
    %add3A_32 = arith.constant 128 : i32
    %add3A_33 = vector.broadcast %add3A_32 : i32 to vector<16xi32>
    %add3A_34 = arith.addi %iota3A, %add3A_33 : vector<16xi32>
    %add3A_35 = arith.constant 144 : i32
    %add3A_36 = vector.broadcast %add3A_35 : i32 to vector<16xi32>
    %add3A_37 = arith.addi %iota3A, %add3A_36 : vector<16xi32>
    %add3A_38 = arith.constant 160 : i32
    %add3A_39 = vector.broadcast %add3A_38 : i32 to vector<16xi32>
    %add3A_40 = arith.addi %iota3A, %add3A_39 : vector<16xi32>
    %add3A_41 = arith.constant 176 : i32
    %add3A_42 = vector.broadcast %add3A_41 : i32 to vector<16xi32>
    %add3A_43 = arith.addi %iota3A, %add3A_42 : vector<16xi32>
    %add3A_44 = arith.constant 192 : i32
    %add3A_45 = vector.broadcast %add3A_44 : i32 to vector<16xi32>
    %add3A_46 = arith.addi %iota3A, %add3A_45 : vector<16xi32>
    %add3A_47 = arith.constant 208 : i32
    %add3A_48 = vector.broadcast %add3A_47 : i32 to vector<16xi32>
    %add3A_49 = arith.addi %iota3A, %add3A_48 : vector<16xi32>
    %add3A_50 = arith.constant 224 : i32
    %add3A_51 = vector.broadcast %add3A_50 : i32 to vector<16xi32>
    %add3A_52 = arith.addi %iota3A, %add3A_51 : vector<16xi32>
    %add3A_53 = arith.constant 240 : i32
    %add3A_54 = vector.broadcast %add3A_53 : i32 to vector<16xi32>
    %add3A_55 = arith.addi %iota3A, %add3A_54 : vector<16xi32>
    %mul3A_56 = arith.constant 17 : i32
    %mul3A_57 = vector.broadcast %mul3A_56 : i32 to vector<16xi32>
    %mul3A_58 = arith.muli %iota3A, %mul3A_57 : vector<16xi32>
    %dma_wait3A = arith.constant 0 : i32
    %dma_wait3A_59 = tpu.memref_slice %arg2[%add3A_4, %dma_wait3A] : memref<16384x256xf32, #tpu.memory_space<hbm>> -> memref<64x256xf32, #tpu.memory_space<hbm>>
    %dma_wait3A_60 = arith.constant 0 : i32
    %dma_wait3A_61 = tpu.memref_slice %arg2[%add3A_4, %dma_wait3A_60] : memref<16384x256xf32, #tpu.memory_space<hbm>> -> memref<64x256xf32, #tpu.memory_space<hbm>>
    tpu.wait_dma2 semaphore(%arg11 : memref<!tpu.dma_semaphore, #tpu.memory_space<semaphore_mem>>) src(%dma_wait3A_61 : memref<64x256xf32, #tpu.memory_space<hbm>>) dst(%arg5 : memref<64x256xf32, #tpu.memory_space<vmem>>)
    %scan3A = arith.constant 0 : i32
    %scan3A_62 = arith.constant 0 : i32
    %scan3A_63 = arith.constant 4 : i32
    %scan3A_64 = arith.addi %scan3A_62, %scan3A_63 : i32
    %scan3A_65 = arith.constant 1 : i32
    scf.for %scan3A_75 = %scan3A_62 to %scan3A_64 step %scan3A_65  : i32 {
      %mul3A_76 = arith.constant 16 : i32
      %mul3A_77 = arith.muli %scan3A_75, %mul3A_76 : i32
      %add3A_78 = arith.constant 0 : i32
      %add3A_79 = arith.addi %mul3A_77, %add3A_78 : i32
      %get3A = arith.index_cast %add3A_79 : i32 to index
      %get3A_80 = arith.constant 0 : index
      %get3A_81 = tpu.vector_load %arg5[%get3A, %get3A_80] {strides = array<i32>} : memref<64x256xf32, #tpu.memory_space<vmem>>, vector<16xf32>,
      %get3A_82 = arith.index_cast %add3A_79 : i32 to index
      %get3A_83 = arith.constant 16 : index
      %get3A_84 = tpu.vector_load %arg5[%get3A_82, %get3A_83] {strides = array<i32>} : memref<64x256xf32, #tpu.memory_space<vmem>>, vector<16xf32>,
      %lt3A = arith.cmpf olt, %get3A_84, %get3A_81 : vector<16xf32>
      %min3A = arith.minimumf %get3A_81, %get3A_84 : vector<16xf32>
      %select_n3A = arith.select %lt3A, %add3A_13, %add3A_10 : vector<16xi1>, vector<16xi32>
      %get3A_85 = arith.index_cast %add3A_79 : i32 to index
      %get3A_86 = arith.constant 32 : index
      %get3A_87 = tpu.vector_load %arg5[%get3A_85, %get3A_86] {strides = array<i32>} : memref<64x256xf32, #tpu.memory_space<vmem>>, vector<16xf32>,
      %lt3A_88 = arith.cmpf olt, %get3A_87, %min3A : vector<16xf32>
      %min3A_89 = arith.minimumf %min3A, %get3A_87 : vector<16xf32>
      %select_n3A_90 = arith.select %lt3A_88, %add3A_16, %select_n3A : vector<16xi1>, vector<16xi32>
      %get3A_91 = arith.index_cast %add3A_79 : i32 to index
      %get3A_92 = arith.constant 48 : index
      %get3A_93 = tpu.vector_load %arg5[%get3A_91, %get3A_92] {strides = array<i32>} : memref<64x256xf32, #tpu.memory_space<vmem>>, vector<16xf32>,
      %lt3A_94 = arith.cmpf olt, %get3A_93, %min3A_89 : vector<16xf32>
      %min3A_95 = arith.minimumf %min3A_89, %get3A_93 : vector<16xf32>
      %select_n3A_96 = arith.select %lt3A_94, %add3A_19, %select_n3A_90 : vector<16xi1>, vector<16xi32>
      %get3A_97 = arith.index_cast %add3A_79 : i32 to index
      %get3A_98 = arith.constant 64 : index
      %get3A_99 = tpu.vector_load %arg5[%get3A_97, %get3A_98] {strides = array<i32>} : memref<64x256xf32, #tpu.memory_space<vmem>>, vector<16xf32>,
      %lt3A_100 = arith.cmpf olt, %get3A_99, %min3A_95 : vector<16xf32>
      %min3A_101 = arith.minimumf %min3A_95, %get3A_99 : vector<16xf32>
      %select_n3A_102 = arith.select %lt3A_100, %add3A_22, %select_n3A_96 : vector<16xi1>, vector<16xi32>
      %get3A_103 = arith.index_cast %add3A_79 : i32 to index
      %get3A_104 = arith.constant 80 : index
      %get3A_105 = tpu.vector_load %arg5[%get3A_103, %get3A_104] {strides = array<i32>} : memref<64x256xf32, #tpu.memory_space<vmem>>, vector<16xf32>,
      %lt3A_106 = arith.cmpf olt, %get3A_105, %min3A_101 : vector<16xf32>
      %min3A_107 = arith.minimumf %min3A_101, %get3A_105 : vector<16xf32>
      %select_n3A_108 = arith.select %lt3A_106, %add3A_25, %select_n3A_102 : vector<16xi1>, vector<16xi32>
      %get3A_109 = arith.index_cast %add3A_79 : i32 to index
      %get3A_110 = arith.constant 96 : index
      %get3A_111 = tpu.vector_load %arg5[%get3A_109, %get3A_110] {strides = array<i32>} : memref<64x256xf32, #tpu.memory_space<vmem>>, vector<16xf32>,
      %lt3A_112 = arith.cmpf olt, %get3A_111, %min3A_107 : vector<16xf32>
      %min3A_113 = arith.minimumf %min3A_107, %get3A_111 : vector<16xf32>
      %select_n3A_114 = arith.select %lt3A_112, %add3A_28, %select_n3A_108 : vector<16xi1>, vector<16xi32>
      %get3A_115 = arith.index_cast %add3A_79 : i32 to index
      %get3A_116 = arith.constant 112 : index
      %get3A_117 = tpu.vector_load %arg5[%get3A_115, %get3A_116] {strides = array<i32>} : memref<64x256xf32, #tpu.memory_space<vmem>>, vector<16xf32>,
      %lt3A_118 = arith.cmpf olt, %get3A_117, %min3A_113 : vector<16xf32>
      %min3A_119 = arith.minimumf %min3A_113, %get3A_117 : vector<16xf32>
      %select_n3A_120 = arith.select %lt3A_118, %add3A_31, %select_n3A_114 : vector<16xi1>, vector<16xi32>
      %get3A_121 = arith.index_cast %add3A_79 : i32 to index
      %get3A_122 = arith.constant 128 : index
      %get3A_123 = tpu.vector_load %arg5[%get3A_121, %get3A_122] {strides = array<i32>} : memref<64x256xf32, #tpu.memory_space<vmem>>, vector<16xf32>,
      %lt3A_124 = arith.cmpf olt, %get3A_123, %min3A_119 : vector<16xf32>
      %min3A_125 = arith.minimumf %min3A_119, %get3A_123 : vector<16xf32>
      %select_n3A_126 = arith.select %lt3A_124, %add3A_34, %select_n3A_120 : vector<16xi1>, vector<16xi32>
      %get3A_127 = arith.index_cast %add3A_79 : i32 to index
      %get3A_128 = arith.constant 144 : index
      %get3A_129 = tpu.vector_load %arg5[%get3A_127, %get3A_128] {strides = array<i32>} : memref<64x256xf32, #tpu.memory_space<vmem>>, vector<16xf32>,
      %lt3A_130 = arith.cmpf olt, %get3A_129, %min3A_125 : vector<16xf32>
      %min3A_131 = arith.minimumf %min3A_125, %get3A_129 : vector<16xf32>
      %select_n3A_132 = arith.select %lt3A_130, %add3A_37, %select_n3A_126 : vector<16xi1>, vector<16xi32>
      %get3A_133 = arith.index_cast %add3A_79 : i32 to index
      %get3A_134 = arith.constant 160 : index
      %get3A_135 = tpu.vector_load %arg5[%get3A_133, %get3A_134] {strides = array<i32>} : memref<64x256xf32, #tpu.memory_space<vmem>>, vector<16xf32>,
      %lt3A_136 = arith.cmpf olt, %get3A_135, %min3A_131 : vector<16xf32>
      %min3A_137 = arith.minimumf %min3A_131, %get3A_135 : vector<16xf32>
      %select_n3A_138 = arith.select %lt3A_136, %add3A_40, %select_n3A_132 : vector<16xi1>, vector<16xi32>
      %get3A_139 = arith.index_cast %add3A_79 : i32 to index
      %get3A_140 = arith.constant 176 : index
      %get3A_141 = tpu.vector_load %arg5[%get3A_139, %get3A_140] {strides = array<i32>} : memref<64x256xf32, #tpu.memory_space<vmem>>, vector<16xf32>,
      %lt3A_142 = arith.cmpf olt, %get3A_141, %min3A_137 : vector<16xf32>
      %min3A_143 = arith.minimumf %min3A_137, %get3A_141 : vector<16xf32>
      %select_n3A_144 = arith.select %lt3A_142, %add3A_43, %select_n3A_138 : vector<16xi1>, vector<16xi32>
      %get3A_145 = arith.index_cast %add3A_79 : i32 to index
      %get3A_146 = arith.constant 192 : index
      %get3A_147 = tpu.vector_load %arg5[%get3A_145, %get3A_146] {strides = array<i32>} : memref<64x256xf32, #tpu.memory_space<vmem>>, vector<16xf32>,
      %lt3A_148 = arith.cmpf olt, %get3A_147, %min3A_143 : vector<16xf32>
      %min3A_149 = arith.minimumf %min3A_143, %get3A_147 : vector<16xf32>
      %select_n3A_150 = arith.select %lt3A_148, %add3A_46, %select_n3A_144 : vector<16xi1>, vector<16xi32>
      %get3A_151 = arith.index_cast %add3A_79 : i32 to index
      %get3A_152 = arith.constant 208 : index
      %get3A_153 = tpu.vector_load %arg5[%get3A_151, %get3A_152] {strides = array<i32>} : memref<64x256xf32, #tpu.memory_space<vmem>>, vector<16xf32>,
      %lt3A_154 = arith.cmpf olt, %get3A_153, %min3A_149 : vector<16xf32>
      %min3A_155 = arith.minimumf %min3A_149, %get3A_153 : vector<16xf32>
      %select_n3A_156 = arith.select %lt3A_154, %add3A_49, %select_n3A_150 : vector<16xi1>, vector<16xi32>
      %get3A_157 = arith.index_cast %add3A_79 : i32 to index
      %get3A_158 = arith.constant 224 : index
      %get3A_159 = tpu.vector_load %arg5[%get3A_157, %get3A_158] {strides = array<i32>} : memref<64x256xf32, #tpu.memory_space<vmem>>, vector<16xf32>,
      %lt3A_160 = arith.cmpf olt, %get3A_159, %min3A_155 : vector<16xf32>
      %min3A_161 = arith.minimumf %min3A_155, %get3A_159 : vector<16xf32>
      %select_n3A_162 = arith.select %lt3A_160, %add3A_52, %select_n3A_156 : vector<16xi1>, vector<16xi32>
      %get3A_163 = arith.index_cast %add3A_79 : i32 to index
      %get3A_164 = arith.constant 240 : index
      %get3A_165 = tpu.vector_load %arg5[%get3A_163, %get3A_164] {strides = array<i32>} : memref<64x256xf32, #tpu.memory_space<vmem>>, vector<16xf32>,
      %lt3A_166 = arith.cmpf olt, %get3A_165, %min3A_161 : vector<16xf32>
      %min3A_167 = arith.minimumf %min3A_161, %get3A_165 : vector<16xf32>
      %select_n3A_168 = arith.select %lt3A_166, %add3A_55, %select_n3A_162 : vector<16xi1>, vector<16xi32>
      %swap3A = arith.constant 0 : index
      %swap3A_169 = tpu.vector_load %arg9[%swap3A] {strides = array<i32>} : memref<272xf32, #tpu.memory_space<vmem>>, vector<16xf32>,
      tpu.vector_store %arg9[%swap3A], %min3A_167 {strides = array<i32>} : memref<272xf32, #tpu.memory_space<vmem>>, vector<16xf32>,
      %swap3A_170 = arith.constant 0 : index
      %swap3A_171 = tpu.vector_load %arg10[%swap3A_170] {strides = array<i32>} : memref<272xi32, #tpu.memory_space<vmem>>, vector<16xi32>,
      tpu.vector_store %arg10[%swap3A_170], %select_n3A_168 {strides = array<i32>} : memref<272xi32, #tpu.memory_space<vmem>>, vector<16xi32>,
      %mul3A_172 = arith.constant 16 : i32
      %mul3A_173 = arith.muli %scan3A_75, %mul3A_172 : i32
      %add3A_174 = arith.constant 1 : i32
      %add3A_175 = arith.addi %mul3A_173, %add3A_174 : i32
      %get3A_176 = arith.index_cast %add3A_175 : i32 to index
      %get3A_177 = arith.constant 0 : index
      %get3A_178 = tpu.vector_load %arg5[%get3A_176, %get3A_177] {strides = array<i32>} : memref<64x256xf32, #tpu.memory_space<vmem>>, vector<16xf32>,
      %get3A_179 = arith.index_cast %add3A_175 : i32 to index
      %get3A_180 = arith.constant 16 : index
      %get3A_181 = tpu.vector_load %arg5[%get3A_179, %get3A_180] {strides = array<i32>} : memref<64x256xf32, #tpu.memory_space<vmem>>, vector<16xf32>,
      %lt3A_182 = arith.cmpf olt, %get3A_181, %get3A_178 : vector<16xf32>
      %min3A_183 = arith.minimumf %get3A_178, %get3A_181 : vector<16xf32>
      %select_n3A_184 = arith.select %lt3A_182, %add3A_13, %add3A_10 : vector<16xi1>, vector<16xi32>
      %get3A_185 = arith.index_cast %add3A_175 : i32 to index
      %get3A_186 = arith.constant 32 : index
      %get3A_187 = tpu.vector_load %arg5[%get3A_185, %get3A_186] {strides = array<i32>} : memref<64x256xf32, #tpu.memory_space<vmem>>, vector<16xf32>,
      %lt3A_188 = arith.cmpf olt, %get3A_187, %min3A_183 : vector<16xf32>
      %min3A_189 = arith.minimumf %min3A_183, %get3A_187 : vector<16xf32>
      %select_n3A_190 = arith.select %lt3A_188, %add3A_16, %select_n3A_184 : vector<16xi1>, vector<16xi32>
      %get3A_191 = arith.index_cast %add3A_175 : i32 to index
      %get3A_192 = arith.constant 48 : index
      %get3A_193 = tpu.vector_load %arg5[%get3A_191, %get3A_192] {strides = array<i32>} : memref<64x256xf32, #tpu.memory_space<vmem>>, vector<16xf32>,
      %lt3A_194 = arith.cmpf olt, %get3A_193, %min3A_189 : vector<16xf32>
      %min3A_195 = arith.minimumf %min3A_189, %get3A_193 : vector<16xf32>
      %select_n3A_196 = arith.select %lt3A_194, %add3A_19, %select_n3A_190 : vector<16xi1>, vector<16xi32>
      %get3A_197 = arith.index_cast %add3A_175 : i32 to index
      %get3A_198 = arith.constant 64 : index
      %get3A_199 = tpu.vector_load %arg5[%get3A_197, %get3A_198] {strides = array<i32>} : memref<64x256xf32, #tpu.memory_space<vmem>>, vector<16xf32>,
      %lt3A_200 = arith.cmpf olt, %get3A_199, %min3A_195 : vector<16xf32>
      %min3A_201 = arith.minimumf %min3A_195, %get3A_199 : vector<16xf32>
      %select_n3A_202 = arith.select %lt3A_200, %add3A_22, %select_n3A_196 : vector<16xi1>, vector<16xi32>
      %get3A_203 = arith.index_cast %add3A_175 : i32 to index
      %get3A_204 = arith.constant 80 : index
      %get3A_205 = tpu.vector_load %arg5[%get3A_203, %get3A_204] {strides = array<i32>} : memref<64x256xf32, #tpu.memory_space<vmem>>, vector<16xf32>,
      %lt3A_206 = arith.cmpf olt, %get3A_205, %min3A_201 : vector<16xf32>
      %min3A_207 = arith.minimumf %min3A_201, %get3A_205 : vector<16xf32>
      %select_n3A_208 = arith.select %lt3A_206, %add3A_25, %select_n3A_202 : vector<16xi1>, vector<16xi32>
      %get3A_209 = arith.index_cast %add3A_175 : i32 to index
      %get3A_210 = arith.constant 96 : index
      %get3A_211 = tpu.vector_load %arg5[%get3A_209, %get3A_210] {strides = array<i32>} : memref<64x256xf32, #tpu.memory_space<vmem>>, vector<16xf32>,
      %lt3A_212 = arith.cmpf olt, %get3A_211, %min3A_207 : vector<16xf32>
      %min3A_213 = arith.minimumf %min3A_207, %get3A_211 : vector<16xf32>
      %select_n3A_214 = arith.select %lt3A_212, %add3A_28, %select_n3A_208 : vector<16xi1>, vector<16xi32>
      %get3A_215 = arith.index_cast %add3A_175 : i32 to index
      %get3A_216 = arith.constant 112 : index
      %get3A_217 = tpu.vector_load %arg5[%get3A_215, %get3A_216] {strides = array<i32>} : memref<64x256xf32, #tpu.memory_space<vmem>>, vector<16xf32>,
      %lt3A_218 = arith.cmpf olt, %get3A_217, %min3A_213 : vector<16xf32>
      %min3A_219 = arith.minimumf %min3A_213, %get3A_217 : vector<16xf32>
      %select_n3A_220 = arith.select %lt3A_218, %add3A_31, %select_n3A_214 : vector<16xi1>, vector<16xi32>
      %get3A_221 = arith.index_cast %add3A_175 : i32 to index
      %get3A_222 = arith.constant 128 : index
      %get3A_223 = tpu.vector_load %arg5[%get3A_221, %get3A_222] {strides = array<i32>} : memref<64x256xf32, #tpu.memory_space<vmem>>, vector<16xf32>,
      %lt3A_224 = arith.cmpf olt, %get3A_223, %min3A_219 : vector<16xf32>
      %min3A_225 = arith.minimumf %min3A_219, %get3A_223 : vector<16xf32>
      %select_n3A_226 = arith.select %lt3A_224, %add3A_34, %select_n3A_220 : vector<16xi1>, vector<16xi32>
      %get3A_227 = arith.index_cast %add3A_175 : i32 to index
      %get3A_228 = arith.constant 144 : index
      %get3A_229 = tpu.vector_load %arg5[%get3A_227, %get3A_228] {strides = array<i32>} : memref<64x256xf32, #tpu.memory_space<vmem>>, vector<16xf32>,
      %lt3A_230 = arith.cmpf olt, %get3A_229, %min3A_225 : vector<16xf32>
      %min3A_231 = arith.minimumf %min3A_225, %get3A_229 : vector<16xf32>
      %select_n3A_232 = arith.select %lt3A_230, %add3A_37, %select_n3A_226 : vector<16xi1>, vector<16xi32>
      %get3A_233 = arith.index_cast %add3A_175 : i32 to index
      %get3A_234 = arith.constant 160 : index
      %get3A_235 = tpu.vector_load %arg5[%get3A_233, %get3A_234] {strides = array<i32>} : memref<64x256xf32, #tpu.memory_space<vmem>>, vector<16xf32>,
      %lt3A_236 = arith.cmpf olt, %get3A_235, %min3A_231 : vector<16xf32>
      %min3A_237 = arith.minimumf %min3A_231, %get3A_235 : vector<16xf32>
      %select_n3A_238 = arith.select %lt3A_236, %add3A_40, %select_n3A_232 : vector<16xi1>, vector<16xi32>
      %get3A_239 = arith.index_cast %add3A_175 : i32 to index
      %get3A_240 = arith.constant 176 : index
      %get3A_241 = tpu.vector_load %arg5[%get3A_239, %get3A_240] {strides = array<i32>} : memref<64x256xf32, #tpu.memory_space<vmem>>, vector<16xf32>,
      %lt3A_242 = arith.cmpf olt, %get3A_241, %min3A_237 : vector<16xf32>
      %min3A_243 = arith.minimumf %min3A_237, %get3A_241 : vector<16xf32>
      %select_n3A_244 = arith.select %lt3A_242, %add3A_43, %select_n3A_238 : vector<16xi1>, vector<16xi32>
      %get3A_245 = arith.index_cast %add3A_175 : i32 to index
      %get3A_246 = arith.constant 192 : index
      %get3A_247 = tpu.vector_load %arg5[%get3A_245, %get3A_246] {strides = array<i32>} : memref<64x256xf32, #tpu.memory_space<vmem>>, vector<16xf32>,
      %lt3A_248 = arith.cmpf olt, %get3A_247, %min3A_243 : vector<16xf32>
      %min3A_249 = arith.minimumf %min3A_243, %get3A_247 : vector<16xf32>
      %select_n3A_250 = arith.select %lt3A_248, %add3A_46, %select_n3A_244 : vector<16xi1>, vector<16xi32>
      %get3A_251 = arith.index_cast %add3A_175 : i32 to index
      %get3A_252 = arith.constant 208 : index
      %get3A_253 = tpu.vector_load %arg5[%get3A_251, %get3A_252] {strides = array<i32>} : memref<64x256xf32, #tpu.memory_space<vmem>>, vector<16xf32>,
      %lt3A_254 = arith.cmpf olt, %get3A_253, %min3A_249 : vector<16xf32>
      %min3A_255 = arith.minimumf %min3A_249, %get3A_253 : vector<16xf32>
      %select_n3A_256 = arith.select %lt3A_254, %add3A_49, %select_n3A_250 : vector<16xi1>, vector<16xi32>
      %get3A_257 = arith.index_cast %add3A_175 : i32 to index
      %get3A_258 = arith.constant 224 : index
      %get3A_259 = tpu.vector_load %arg5[%get3A_257, %get3A_258] {strides = array<i32>} : memref<64x256xf32, #tpu.memory_space<vmem>>, vector<16xf32>,
      %lt3A_260 = arith.cmpf olt, %get3A_259, %min3A_255 : vector<16xf32>
      %min3A_261 = arith.minimumf %min3A_255, %get3A_259 : vector<16xf32>
      %select_n3A_262 = arith.select %lt3A_260, %add3A_52, %select_n3A_256 : vector<16xi1>, vector<16xi32>
      %get3A_263 = arith.index_cast %add3A_175 : i32 to index
      %get3A_264 = arith.constant 240 : index
      %get3A_265 = tpu.vector_load %arg5[%get3A_263, %get3A_264] {strides = array<i32>} : memref<64x256xf32, #tpu.memory_space<vmem>>, vector<16xf32>,
      %lt3A_266 = arith.cmpf olt, %get3A_265, %min3A_261 : vector<16xf32>
      %min3A_267 = arith.minimumf %min3A_261, %get3A_265 : vector<16xf32>
      %select_n3A_268 = arith.select %lt3A_266, %add3A_55, %select_n3A_262 : vector<16xi1>, vector<16xi32>
      %swap3A_269 = arith.constant 17 : index
      %swap3A_270 = tpu.vector_load %arg9[%swap3A_269] {strides = array<i32>} : memref<272xf32, #tpu.memory_space<vmem>>, vector<16xf32>,
      tpu.vector_store %arg9[%swap3A_269], %min3A_267 {strides = array<i32>} : memref<272xf32, #tpu.memory_space<vmem>>, vector<16xf32>,
      %swap3A_271 = arith.constant 17 : index
      %swap3A_272 = tpu.vector_load %arg10[%swap3A_271] {strides = array<i32>} : memref<272xi32, #tpu.memory_space<vmem>>, vector<16xi32>,
      tpu.vector_store %arg10[%swap3A_271], %select_n3A_268 {strides = array<i32>} : memref<272xi32, #tpu.memory_space<vmem>>, vector<16xi32>,
      %mul3A_273 = arith.constant 16 : i32
      %mul3A_274 = arith.muli %scan3A_75, %mul3A_273 : i32
      %add3A_275 = arith.constant 2 : i32
      %add3A_276 = arith.addi %mul3A_274, %add3A_275 : i32
      %get3A_277 = arith.index_cast %add3A_276 : i32 to index
      %get3A_278 = arith.constant 0 : index
      %get3A_279 = tpu.vector_load %arg5[%get3A_277, %get3A_278] {strides = array<i32>} : memref<64x256xf32, #tpu.memory_space<vmem>>, vector<16xf32>,
      %get3A_280 = arith.index_cast %add3A_276 : i32 to index
      %get3A_281 = arith.constant 16 : index
      %get3A_282 = tpu.vector_load %arg5[%get3A_280, %get3A_281] {strides = array<i32>} : memref<64x256xf32, #tpu.memory_space<vmem>>, vector<16xf32>,
      %lt3A_283 = arith.cmpf olt, %get3A_282, %get3A_279 : vector<16xf32>
      %min3A_284 = arith.minimumf %get3A_279, %get3A_282 : vector<16xf32>
      %select_n3A_285 = arith.select %lt3A_283, %add3A_13, %add3A_10 : vector<16xi1>, vector<16xi32>
      %get3A_286 = arith.index_cast %add3A_276 : i32 to index
      %get3A_287 = arith.constant 32 : index
      %get3A_288 = tpu.vector_load %arg5[%get3A_286, %get3A_287] {strides = array<i32>} : memref<64x256xf32, #tpu.memory_space<vmem>>, vector<16xf32>,
      %lt3A_289 = arith.cmpf olt, %get3A_288, %min3A_284 : vector<16xf32>
      %min3A_290 = arith.minimumf %min3A_284, %get3A_288 : vector<16xf32>
      %select_n3A_291 = arith.select %lt3A_289, %add3A_16, %select_n3A_285 : vector<16xi1>, vector<16xi32>
      %get3A_292 = arith.index_cast %add3A_276 : i32 to index
      %get3A_293 = arith.constant 48 : index
      %get3A_294 = tpu.vector_load %arg5[%get3A_292, %get3A_293] {strides = array<i32>} : memref<64x256xf32, #tpu.memory_space<vmem>>, vector<16xf32>,
      %lt3A_295 = arith.cmpf olt, %get3A_294, %min3A_290 : vector<16xf32>
      %min3A_296 = arith.minimumf %min3A_290, %get3A_294 : vector<16xf32>
      %select_n3A_297 = arith.select %lt3A_295, %add3A_19, %select_n3A_291 : vector<16xi1>, vector<16xi32>
      %get3A_298 = arith.index_cast %add3A_276 : i32 to index
      %get3A_299 = arith.constant 64 : index
      %get3A_300 = tpu.vector_load %arg5[%get3A_298, %get3A_299] {strides = array<i32>} : memref<64x256xf32, #tpu.memory_space<vmem>>, vector<16xf32>,
      %lt3A_301 = arith.cmpf olt, %get3A_300, %min3A_296 : vector<16xf32>
      %min3A_302 = arith.minimumf %min3A_296, %get3A_300 : vector<16xf32>
      %select_n3A_303 = arith.select %lt3A_301, %add3A_22, %select_n3A_297 : vector<16xi1>, vector<16xi32>
      %get3A_304 = arith.index_cast %add3A_276 : i32 to index
      %get3A_305 = arith.constant 80 : index
      %get3A_306 = tpu.vector_load %arg5[%get3A_304, %get3A_305] {strides = array<i32>} : memref<64x256xf32, #tpu.memory_space<vmem>>, vector<16xf32>,
      %lt3A_307 = arith.cmpf olt, %get3A_306, %min3A_302 : vector<16xf32>
      %min3A_308 = arith.minimumf %min3A_302, %get3A_306 : vector<16xf32>
      %select_n3A_309 = arith.select %lt3A_307, %add3A_25, %select_n3A_303 : vector<16xi1>, vector<16xi32>
      %get3A_310 = arith.index_cast %add3A_276 : i32 to index
      %get3A_311 = arith.constant 96 : index
      %get3A_312 = tpu.vector_load %arg5[%get3A_310, %get3A_311] {strides = array<i32>} : memref<64x256xf32, #tpu.memory_space<vmem>>, vector<16xf32>,
      %lt3A_313 = arith.cmpf olt, %get3A_312, %min3A_308 : vector<16xf32>
      %min3A_314 = arith.minimumf %min3A_308, %get3A_312 : vector<16xf32>
      %select_n3A_315 = arith.select %lt3A_313, %add3A_28, %select_n3A_309 : vector<16xi1>, vector<16xi32>
      %get3A_316 = arith.index_cast %add3A_276 : i32 to index
      %get3A_317 = arith.constant 112 : index
      %get3A_318 = tpu.vector_load %arg5[%get3A_316, %get3A_317] {strides = array<i32>} : memref<64x256xf32, #tpu.memory_space<vmem>>, vector<16xf32>,
      %lt3A_319 = arith.cmpf olt, %get3A_318, %min3A_314 : vector<16xf32>
      %min3A_320 = arith.minimumf %min3A_314, %get3A_318 : vector<16xf32>
      %select_n3A_321 = arith.select %lt3A_319, %add3A_31, %select_n3A_315 : vector<16xi1>, vector<16xi32>
      %get3A_322 = arith.index_cast %add3A_276 : i32 to index
      %get3A_323 = arith.constant 128 : index
      %get3A_324 = tpu.vector_load %arg5[%get3A_322, %get3A_323] {strides = array<i32>} : memref<64x256xf32, #tpu.memory_space<vmem>>, vector<16xf32>,
      %lt3A_325 = arith.cmpf olt, %get3A_324, %min3A_320 : vector<16xf32>
      %min3A_326 = arith.minimumf %min3A_320, %get3A_324 : vector<16xf32>
      %select_n3A_327 = arith.select %lt3A_325, %add3A_34, %select_n3A_321 : vector<16xi1>, vector<16xi32>
      %get3A_328 = arith.index_cast %add3A_276 : i32 to index
      %get3A_329 = arith.constant 144 : index
      %get3A_330 = tpu.vector_load %arg5[%get3A_328, %get3A_329] {strides = array<i32>} : memref<64x256xf32, #tpu.memory_space<vmem>>, vector<16xf32>,
      %lt3A_331 = arith.cmpf olt, %get3A_330, %min3A_326 : vector<16xf32>
      %min3A_332 = arith.minimumf %min3A_326, %get3A_330 : vector<16xf32>
      %select_n3A_333 = arith.select %lt3A_331, %add3A_37, %select_n3A_327 : vector<16xi1>, vector<16xi32>
      %get3A_334 = arith.index_cast %add3A_276 : i32 to index
      %get3A_335 = arith.constant 160 : index
      %get3A_336 = tpu.vector_load %arg5[%get3A_334, %get3A_335] {strides = array<i32>} : memref<64x256xf32, #tpu.memory_space<vmem>>, vector<16xf32>,
      %lt3A_337 = arith.cmpf olt, %get3A_336, %min3A_332 : vector<16xf32>
      %min3A_338 = arith.minimumf %min3A_332, %get3A_336 : vector<16xf32>
      %select_n3A_339 = arith.select %lt3A_337, %add3A_40, %select_n3A_333 : vector<16xi1>, vector<16xi32>
      %get3A_340 = arith.index_cast %add3A_276 : i32 to index
      %get3A_341 = arith.constant 176 : index
      %get3A_342 = tpu.vector_load %arg5[%get3A_340, %get3A_341] {strides = array<i32>} : memref<64x256xf32, #tpu.memory_space<vmem>>, vector<16xf32>,
      %lt3A_343 = arith.cmpf olt, %get3A_342, %min3A_338 : vector<16xf32>
      %min3A_344 = arith.minimumf %min3A_338, %get3A_342 : vector<16xf32>
      %select_n3A_345 = arith.select %lt3A_343, %add3A_43, %select_n3A_339 : vector<16xi1>, vector<16xi32>
      %get3A_346 = arith.index_cast %add3A_276 : i32 to index
      %get3A_347 = arith.constant 192 : index
      %get3A_348 = tpu.vector_load %arg5[%get3A_346, %get3A_347] {strides = array<i32>} : memref<64x256xf32, #tpu.memory_space<vmem>>, vector<16xf32>,
      %lt3A_349 = arith.cmpf olt, %get3A_348, %min3A_344 : vector<16xf32>
      %min3A_350 = arith.minimumf %min3A_344, %get3A_348 : vector<16xf32>
      %select_n3A_351 = arith.select %lt3A_349, %add3A_46, %select_n3A_345 : vector<16xi1>, vector<16xi32>
      %get3A_352 = arith.index_cast %add3A_276 : i32 to index
      %get3A_353 = arith.constant 208 : index
      %get3A_354 = tpu.vector_load %arg5[%get3A_352, %get3A_353] {strides = array<i32>} : memref<64x256xf32, #tpu.memory_space<vmem>>, vector<16xf32>,
      %lt3A_355 = arith.cmpf olt, %get3A_354, %min3A_350 : vector<16xf32>
      %min3A_356 = arith.minimumf %min3A_350, %get3A_354 : vector<16xf32>
      %select_n3A_357 = arith.select %lt3A_355, %add3A_49, %select_n3A_351 : vector<16xi1>, vector<16xi32>
      %get3A_358 = arith.index_cast %add3A_276 : i32 to index
      %get3A_359 = arith.constant 224 : index
      %get3A_360 = tpu.vector_load %arg5[%get3A_358, %get3A_359] {strides = array<i32>} : memref<64x256xf32, #tpu.memory_space<vmem>>, vector<16xf32>,
      %lt3A_361 = arith.cmpf olt, %get3A_360, %min3A_356 : vector<16xf32>
      %min3A_362 = arith.minimumf %min3A_356, %get3A_360 : vector<16xf32>
      %select_n3A_363 = arith.select %lt3A_361, %add3A_52, %select_n3A_357 : vector<16xi1>, vector<16xi32>
      %get3A_364 = arith.index_cast %add3A_276 : i32 to index
      %get3A_365 = arith.constant 240 : index
      %get3A_366 = tpu.vector_load %arg5[%get3A_364, %get3A_365] {strides = array<i32>} : memref<64x256xf32, #tpu.memory_space<vmem>>, vector<16xf32>,
      %lt3A_367 = arith.cmpf olt, %get3A_366, %min3A_362 : vector<16xf32>
      %min3A_368 = arith.minimumf %min3A_362, %get3A_366 : vector<16xf32>
      %select_n3A_369 = arith.select %lt3A_367, %add3A_55, %select_n3A_363 : vector<16xi1>, vector<16xi32>
      %swap3A_370 = arith.constant 34 : index
      %swap3A_371 = tpu.vector_load %arg9[%swap3A_370] {strides = array<i32>} : memref<272xf32, #tpu.memory_space<vmem>>, vector<16xf32>,
      tpu.vector_store %arg9[%swap3A_370], %min3A_368 {strides = array<i32>} : memref<272xf32, #tpu.memory_space<vmem>>, vector<16xf32>,
      %swap3A_372 = arith.constant 34 : index
      %swap3A_373 = tpu.vector_load %arg10[%swap3A_372] {strides = array<i32>} : memref<272xi32, #tpu.memory_space<vmem>>, vector<16xi32>,
      tpu.vector_store %arg10[%swap3A_372], %select_n3A_369 {strides = array<i32>} : memref<272xi32, #tpu.memory_space<vmem>>, vector<16xi32>,
      %mul3A_374 = arith.constant 16 : i32
      %mul3A_375 = arith.muli %scan3A_75, %mul3A_374 : i32
      %add3A_376 = arith.constant 3 : i32
      %add3A_377 = arith.addi %mul3A_375, %add3A_376 : i32
      %get3A_378 = arith.index_cast %add3A_377 : i32 to index
      %get3A_379 = arith.constant 0 : index
      %get3A_380 = tpu.vector_load %arg5[%get3A_378, %get3A_379] {strides = array<i32>} : memref<64x256xf32, #tpu.memory_space<vmem>>, vector<16xf32>,
      %get3A_381 = arith.index_cast %add3A_377 : i32 to index
      %get3A_382 = arith.constant 16 : index
      %get3A_383 = tpu.vector_load %arg5[%get3A_381, %get3A_382] {strides = array<i32>} : memref<64x256xf32, #tpu.memory_space<vmem>>, vector<16xf32>,
      %lt3A_384 = arith.cmpf olt, %get3A_383, %get3A_380 : vector<16xf32>
      %min3A_385 = arith.minimumf %get3A_380, %get3A_383 : vector<16xf32>
      %select_n3A_386 = arith.select %lt3A_384, %add3A_13, %add3A_10 : vector<16xi1>, vector<16xi32>
      %get3A_387 = arith.index_cast %add3A_377 : i32 to index
      %get3A_388 = arith.constant 32 : index
      %get3A_389 = tpu.vector_load %arg5[%get3A_387, %get3A_388] {strides = array<i32>} : memref<64x256xf32, #tpu.memory_space<vmem>>, vector<16xf32>,
      %lt3A_390 = arith.cmpf olt, %get3A_389, %min3A_385 : vector<16xf32>
      %min3A_391 = arith.minimumf %min3A_385, %get3A_389 : vector<16xf32>
      %select_n3A_392 = arith.select %lt3A_390, %add3A_16, %select_n3A_386 : vector<16xi1>, vector<16xi32>
      %get3A_393 = arith.index_cast %add3A_377 : i32 to index
      %get3A_394 = arith.constant 48 : index
      %get3A_395 = tpu.vector_load %arg5[%get3A_393, %get3A_394] {strides = array<i32>} : memref<64x256xf32, #tpu.memory_space<vmem>>, vector<16xf32>,
      %lt3A_396 = arith.cmpf olt, %get3A_395, %min3A_391 : vector<16xf32>
      %min3A_397 = arith.minimumf %min3A_391, %get3A_395 : vector<16xf32>
      %select_n3A_398 = arith.select %lt3A_396, %add3A_19, %select_n3A_392 : vector<16xi1>, vector<16xi32>
      %get3A_399 = arith.index_cast %add3A_377 : i32 to index
      %get3A_400 = arith.constant 64 : index
      %get3A_401 = tpu.vector_load %arg5[%get3A_399, %get3A_400] {strides = array<i32>} : memref<64x256xf32, #tpu.memory_space<vmem>>, vector<16xf32>,
      %lt3A_402 = arith.cmpf olt, %get3A_401, %min3A_397 : vector<16xf32>
      %min3A_403 = arith.minimumf %min3A_397, %get3A_401 : vector<16xf32>
      %select_n3A_404 = arith.select %lt3A_402, %add3A_22, %select_n3A_398 : vector<16xi1>, vector<16xi32>
      %get3A_405 = arith.index_cast %add3A_377 : i32 to index
      %get3A_406 = arith.constant 80 : index
      %get3A_407 = tpu.vector_load %arg5[%get3A_405, %get3A_406] {strides = array<i32>} : memref<64x256xf32, #tpu.memory_space<vmem>>, vector<16xf32>,
      %lt3A_408 = arith.cmpf olt, %get3A_407, %min3A_403 : vector<16xf32>
      %min3A_409 = arith.minimumf %min3A_403, %get3A_407 : vector<16xf32>
      %select_n3A_410 = arith.select %lt3A_408, %add3A_25, %select_n3A_404 : vector<16xi1>, vector<16xi32>
      %get3A_411 = arith.index_cast %add3A_377 : i32 to index
      %get3A_412 = arith.constant 96 : index
      %get3A_413 = tpu.vector_load %arg5[%get3A_411, %get3A_412] {strides = array<i32>} : memref<64x256xf32, #tpu.memory_space<vmem>>, vector<16xf32>,
      %lt3A_414 = arith.cmpf olt, %get3A_413, %min3A_409 : vector<16xf32>
      %min3A_415 = arith.minimumf %min3A_409, %get3A_413 : vector<16xf32>
      %select_n3A_416 = arith.select %lt3A_414, %add3A_28, %select_n3A_410 : vector<16xi1>, vector<16xi32>
      %get3A_417 = arith.index_cast %add3A_377 : i32 to index
      %get3A_418 = arith.constant 112 : index
      %get3A_419 = tpu.vector_load %arg5[%get3A_417, %get3A_418] {strides = array<i32>} : memref<64x256xf32, #tpu.memory_space<vmem>>, vector<16xf32>,
      %lt3A_420 = arith.cmpf olt, %get3A_419, %min3A_415 : vector<16xf32>
      %min3A_421 = arith.minimumf %min3A_415, %get3A_419 : vector<16xf32>
      %select_n3A_422 = arith.select %lt3A_420, %add3A_31, %select_n3A_416 : vector<16xi1>, vector<16xi32>
      %get3A_423 = arith.index_cast %add3A_377 : i32 to index
      %get3A_424 = arith.constant 128 : index
      %get3A_425 = tpu.vector_load %arg5[%get3A_423, %get3A_424] {strides = array<i32>} : memref<64x256xf32, #tpu.memory_space<vmem>>, vector<16xf32>,
      %lt3A_426 = arith.cmpf olt, %get3A_425, %min3A_421 : vector<16xf32>
      %min3A_427 = arith.minimumf %min3A_421, %get3A_425 : vector<16xf32>
      %select_n3A_428 = arith.select %lt3A_426, %add3A_34, %select_n3A_422 : vector<16xi1>, vector<16xi32>
      %get3A_429 = arith.index_cast %add3A_377 : i32 to index
      %get3A_430 = arith.constant 144 : index
      %get3A_431 = tpu.vector_load %arg5[%get3A_429, %get3A_430] {strides = array<i32>} : memref<64x256xf32, #tpu.memory_space<vmem>>, vector<16xf32>,
      %lt3A_432 = arith.cmpf olt, %get3A_431, %min3A_427 : vector<16xf32>
      %min3A_433 = arith.minimumf %min3A_427, %get3A_431 : vector<16xf32>
      %select_n3A_434 = arith.select %lt3A_432, %add3A_37, %select_n3A_428 : vector<16xi1>, vector<16xi32>
      %get3A_435 = arith.index_cast %add3A_377 : i32 to index
      %get3A_436 = arith.constant 160 : index
      %get3A_437 = tpu.vector_load %arg5[%get3A_435, %get3A_436] {strides = array<i32>} : memref<64x256xf32, #tpu.memory_space<vmem>>, vector<16xf32>,
      %lt3A_438 = arith.cmpf olt, %get3A_437, %min3A_433 : vector<16xf32>
      %min3A_439 = arith.minimumf %min3A_433, %get3A_437 : vector<16xf32>
      %select_n3A_440 = arith.select %lt3A_438, %add3A_40, %select_n3A_434 : vector<16xi1>, vector<16xi32>
      %get3A_441 = arith.index_cast %add3A_377 : i32 to index
      %get3A_442 = arith.constant 176 : index
      %get3A_443 = tpu.vector_load %arg5[%get3A_441, %get3A_442] {strides = array<i32>} : memref<64x256xf32, #tpu.memory_space<vmem>>, vector<16xf32>,
      %lt3A_444 = arith.cmpf olt, %get3A_443, %min3A_439 : vector<16xf32>
      %min3A_445 = arith.minimumf %min3A_439, %get3A_443 : vector<16xf32>
      %select_n3A_446 = arith.select %lt3A_444, %add3A_43, %select_n3A_440 : vector<16xi1>, vector<16xi32>
      %get3A_447 = arith.index_cast %add3A_377 : i32 to index
      %get3A_448 = arith.constant 192 : index
      %get3A_449 = tpu.vector_load %arg5[%get3A_447, %get3A_448] {strides = array<i32>} : memref<64x256xf32, #tpu.memory_space<vmem>>, vector<16xf32>,
      %lt3A_450 = arith.cmpf olt, %get3A_449, %min3A_445 : vector<16xf32>
      %min3A_451 = arith.minimumf %min3A_445, %get3A_449 : vector<16xf32>
      %select_n3A_452 = arith.select %lt3A_450, %add3A_46, %select_n3A_446 : vector<16xi1>, vector<16xi32>
      %get3A_453 = arith.index_cast %add3A_377 : i32 to index
      %get3A_454 = arith.constant 208 : index
      %get3A_455 = tpu.vector_load %arg5[%get3A_453, %get3A_454] {strides = array<i32>} : memref<64x256xf32, #tpu.memory_space<vmem>>, vector<16xf32>,
      %lt3A_456 = arith.cmpf olt, %get3A_455, %min3A_451 : vector<16xf32>
      %min3A_457 = arith.minimumf %min3A_451, %get3A_455 : vector<16xf32>
      %select_n3A_458 = arith.select %lt3A_456, %add3A_49, %select_n3A_452 : vector<16xi1>, vector<16xi32>
      %get3A_459 = arith.index_cast %add3A_377 : i32 to index
      %get3A_460 = arith.constant 224 : index
      %get3A_461 = tpu.vector_load %arg5[%get3A_459, %get3A_460] {strides = array<i32>} : memref<64x256xf32, #tpu.memory_space<vmem>>, vector<16xf32>,
      %lt3A_462 = arith.cmpf olt, %get3A_461, %min3A_457 : vector<16xf32>
      %min3A_463 = arith.minimumf %min3A_457, %get3A_461 : vector<16xf32>
      %select_n3A_464 = arith.select %lt3A_462, %add3A_52, %select_n3A_458 : vector<16xi1>, vector<16xi32>
      %get3A_465 = arith.index_cast %add3A_377 : i32 to index
      %get3A_466 = arith.constant 240 : index
      %get3A_467 = tpu.vector_load %arg5[%get3A_465, %get3A_466] {strides = array<i32>} : memref<64x256xf32, #tpu.memory_space<vmem>>, vector<16xf32>,
      %lt3A_468 = arith.cmpf olt, %get3A_467, %min3A_463 : vector<16xf32>
      %min3A_469 = arith.minimumf %min3A_463, %get3A_467 : vector<16xf32>
      %select_n3A_470 = arith.select %lt3A_468, %add3A_55, %select_n3A_464 : vector<16xi1>, vector<16xi32>
      %swap3A_471 = arith.constant 51 : index
      %swap3A_472 = tpu.vector_load %arg9[%swap3A_471] {strides = array<i32>} : memref<272xf32, #tpu.memory_space<vmem>>, vector<16xf32>,
      tpu.vector_store %arg9[%swap3A_471], %min3A_469 {strides = array<i32>} : memref<272xf32, #tpu.memory_space<vmem>>, vector<16xf32>,
      %swap3A_473 = arith.constant 51 : index
      %swap3A_474 = tpu.vector_load %arg10[%swap3A_473] {strides = array<i32>} : memref<272xi32, #tpu.memory_space<vmem>>, vector<16xi32>,
      tpu.vector_store %arg10[%swap3A_473], %select_n3A_470 {strides = array<i32>} : memref<272xi32, #tpu.memory_space<vmem>>, vector<16xi32>,
      %mul3A_475 = arith.constant 16 : i32
      %mul3A_476 = arith.muli %scan3A_75, %mul3A_475 : i32
      %add3A_477 = arith.constant 4 : i32
      %add3A_478 = arith.addi %mul3A_476, %add3A_477 : i32
      %get3A_479 = arith.index_cast %add3A_478 : i32 to index
      %get3A_480 = arith.constant 0 : index
      %get3A_481 = tpu.vector_load %arg5[%get3A_479, %get3A_480] {strides = array<i32>} : memref<64x256xf32, #tpu.memory_space<vmem>>, vector<16xf32>,
      %get3A_482 = arith.index_cast %add3A_478 : i32 to index
      %get3A_483 = arith.constant 16 : index
      %get3A_484 = tpu.vector_load %arg5[%get3A_482, %get3A_483] {strides = array<i32>} : memref<64x256xf32, #tpu.memory_space<vmem>>, vector<16xf32>,
      %lt3A_485 = arith.cmpf olt, %get3A_484, %get3A_481 : vector<16xf32>
      %min3A_486 = arith.minimumf %get3A_481, %get3A_484 : vector<16xf32>
      %select_n3A_487 = arith.select %lt3A_485, %add3A_13, %add3A_10 : vector<16xi1>, vector<16xi32>
      %get3A_488 = arith.index_cast %add3A_478 : i32 to index
      %get3A_489 = arith.constant 32 : index
      %get3A_490 = tpu.vector_load %arg5[%get3A_488, %get3A_489] {strides = array<i32>} : memref<64x256xf32, #tpu.memory_space<vmem>>, vector<16xf32>,
      %lt3A_491 = arith.cmpf olt, %get3A_490, %min3A_486 : vector<16xf32>
      %min3A_492 = arith.minimumf %min3A_486, %get3A_490 : vector<16xf32>
      %select_n3A_493 = arith.select %lt3A_491, %add3A_16, %select_n3A_487 : vector<16xi1>, vector<16xi32>
      %get3A_494 = arith.index_cast %add3A_478 : i32 to index
      %get3A_495 = arith.constant 48 : index
      %get3A_496 = tpu.vector_load %arg5[%get3A_494, %get3A_495] {strides = array<i32>} : memref<64x256xf32, #tpu.memory_space<vmem>>, vector<16xf32>,
      %lt3A_497 = arith.cmpf olt, %get3A_496, %min3A_492 : vector<16xf32>
      %min3A_498 = arith.minimumf %min3A_492, %get3A_496 : vector<16xf32>
      %select_n3A_499 = arith.select %lt3A_497, %add3A_19, %select_n3A_493 : vector<16xi1>, vector<16xi32>
      %get3A_500 = arith.index_cast %add3A_478 : i32 to index
      %get3A_501 = arith.constant 64 : index
      %get3A_502 = tpu.vector_load %arg5[%get3A_500, %get3A_501] {strides = array<i32>} : memref<64x256xf32, #tpu.memory_space<vmem>>, vector<16xf32>,
      %lt3A_503 = arith.cmpf olt, %get3A_502, %min3A_498 : vector<16xf32>
      %min3A_504 = arith.minimumf %min3A_498, %get3A_502 : vector<16xf32>
      %select_n3A_505 = arith.select %lt3A_503, %add3A_22, %select_n3A_499 : vector<16xi1>, vector<16xi32>
      %get3A_506 = arith.index_cast %add3A_478 : i32 to index
      %get3A_507 = arith.constant 80 : index
      %get3A_508 = tpu.vector_load %arg5[%get3A_506, %get3A_507] {strides = array<i32>} : memref<64x256xf32, #tpu.memory_space<vmem>>, vector<16xf32>,
      %lt3A_509 = arith.cmpf olt, %get3A_508, %min3A_504 : vector<16xf32>
      %min3A_510 = arith.minimumf %min3A_504, %get3A_508 : vector<16xf32>
      %select_n3A_511 = arith.select %lt3A_509, %add3A_25, %select_n3A_505 : vector<16xi1>, vector<16xi32>
      %get3A_512 = arith.index_cast %add3A_478 : i32 to index
      %get3A_513 = arith.constant 96 : index
      %get3A_514 = tpu.vector_load %arg5[%get3A_512, %get3A_513] {strides = array<i32>} : memref<64x256xf32, #tpu.memory_space<vmem>>, vector<16xf32>,
      %lt3A_515 = arith.cmpf olt, %get3A_514, %min3A_510 : vector<16xf32>
      %min3A_516 = arith.minimumf %min3A_510, %get3A_514 : vector<16xf32>
      %select_n3A_517 = arith.select %lt3A_515, %add3A_28, %select_n3A_511 : vector<16xi1>, vector<16xi32>
      %get3A_518 = arith.index_cast %add3A_478 : i32 to index
      %get3A_519 = arith.constant 112 : index
      %get3A_520 = tpu.vector_load %arg5[%get3A_518, %get3A_519] {strides = array<i32>} : memref<64x256xf32, #tpu.memory_space<vmem>>, vector<16xf32>,
      %lt3A_521 = arith.cmpf olt, %get3A_520, %min3A_516 : vector<16xf32>
      %min3A_522 = arith.minimumf %min3A_516, %get3A_520 : vector<16xf32>
      %select_n3A_523 = arith.select %lt3A_521, %add3A_31, %select_n3A_517 : vector<16xi1>, vector<16xi32>
      %get3A_524 = arith.index_cast %add3A_478 : i32 to index
      %get3A_525 = arith.constant 128 : index
      %get3A_526 = tpu.vector_load %arg5[%get3A_524, %get3A_525] {strides = array<i32>} : memref<64x256xf32, #tpu.memory_space<vmem>>, vector<16xf32>,
      %lt3A_527 = arith.cmpf olt, %get3A_526, %min3A_522 : vector<16xf32>
      %min3A_528 = arith.minimumf %min3A_522, %get3A_526 : vector<16xf32>
      %select_n3A_529 = arith.select %lt3A_527, %add3A_34, %select_n3A_523 : vector<16xi1>, vector<16xi32>
      %get3A_530 = arith.index_cast %add3A_478 : i32 to index
      %get3A_531 = arith.constant 144 : index
      %get3A_532 = tpu.vector_load %arg5[%get3A_530, %get3A_531] {strides = array<i32>} : memref<64x256xf32, #tpu.memory_space<vmem>>, vector<16xf32>,
      %lt3A_533 = arith.cmpf olt, %get3A_532, %min3A_528 : vector<16xf32>
      %min3A_534 = arith.minimumf %min3A_528, %get3A_532 : vector<16xf32>
      %select_n3A_535 = arith.select %lt3A_533, %add3A_37, %select_n3A_529 : vector<16xi1>, vector<16xi32>
      %get3A_536 = arith.index_cast %add3A_478 : i32 to index
      %get3A_537 = arith.constant 160 : index
      %get3A_538 = tpu.vector_load %arg5[%get3A_536, %get3A_537] {strides = array<i32>} : memref<64x256xf32, #tpu.memory_space<vmem>>, vector<16xf32>,
      %lt3A_539 = arith.cmpf olt, %get3A_538, %min3A_534 : vector<16xf32>
      %min3A_540 = arith.minimumf %min3A_534, %get3A_538 : vector<16xf32>
      %select_n3A_541 = arith.select %lt3A_539, %add3A_40, %select_n3A_535 : vector<16xi1>, vector<16xi32>
      %get3A_542 = arith.index_cast %add3A_478 : i32 to index
      %get3A_543 = arith.constant 176 : index
      %get3A_544 = tpu.vector_load %arg5[%get3A_542, %get3A_543] {strides = array<i32>} : memref<64x256xf32, #tpu.memory_space<vmem>>, vector<16xf32>,
      %lt3A_545 = arith.cmpf olt, %get3A_544, %min3A_540 : vector<16xf32>
      %min3A_546 = arith.minimumf %min3A_540, %get3A_544 : vector<16xf32>
      %select_n3A_547 = arith.select %lt3A_545, %add3A_43, %select_n3A_541 : vector<16xi1>, vector<16xi32>
      %get3A_548 = arith.index_cast %add3A_478 : i32 to index
      %get3A_549 = arith.constant 192 : index
      %get3A_550 = tpu.vector_load %arg5[%get3A_548, %get3A_549] {strides = array<i32>} : memref<64x256xf32, #tpu.memory_space<vmem>>, vector<16xf32>,
      %lt3A_551 = arith.cmpf olt, %get3A_550, %min3A_546 : vector<16xf32>
      %min3A_552 = arith.minimumf %min3A_546, %get3A_550 : vector<16xf32>
      %select_n3A_553 = arith.select %lt3A_551, %add3A_46, %select_n3A_547 : vector<16xi1>, vector<16xi32>
      %get3A_554 = arith.index_cast %add3A_478 : i32 to index
      %get3A_555 = arith.constant 208 : index
      %get3A_556 = tpu.vector_load %arg5[%get3A_554, %get3A_555] {strides = array<i32>} : memref<64x256xf32, #tpu.memory_space<vmem>>, vector<16xf32>,
      %lt3A_557 = arith.cmpf olt, %get3A_556, %min3A_552 : vector<16xf32>
      %min3A_558 = arith.minimumf %min3A_552, %get3A_556 : vector<16xf32>
      %select_n3A_559 = arith.select %lt3A_557, %add3A_49, %select_n3A_553 : vector<16xi1>, vector<16xi32>
      %get3A_560 = arith.index_cast %add3A_478 : i32 to index
      %get3A_561 = arith.constant 224 : index
      %get3A_562 = tpu.vector_load %arg5[%get3A_560, %get3A_561] {strides = array<i32>} : memref<64x256xf32, #tpu.memory_space<vmem>>, vector<16xf32>,
      %lt3A_563 = arith.cmpf olt, %get3A_562, %min3A_558 : vector<16xf32>
      %min3A_564 = arith.minimumf %min3A_558, %get3A_562 : vector<16xf32>
      %select_n3A_565 = arith.select %lt3A_563, %add3A_52, %select_n3A_559 : vector<16xi1>, vector<16xi32>
      %get3A_566 = arith.index_cast %add3A_478 : i32 to index
      %get3A_567 = arith.constant 240 : index
      %get3A_568 = tpu.vector_load %arg5[%get3A_566, %get3A_567] {strides = array<i32>} : memref<64x256xf32, #tpu.memory_space<vmem>>, vector<16xf32>,
      %lt3A_569 = arith.cmpf olt, %get3A_568, %min3A_564 : vector<16xf32>
      %min3A_570 = arith.minimumf %min3A_564, %get3A_568 : vector<16xf32>
      %select_n3A_571 = arith.select %lt3A_569, %add3A_55, %select_n3A_565 : vector<16xi1>, vector<16xi32>
      %swap3A_572 = arith.constant 68 : index
      %swap3A_573 = tpu.vector_load %arg9[%swap3A_572] {strides = array<i32>} : memref<272xf32, #tpu.memory_space<vmem>>, vector<16xf32>,
      tpu.vector_store %arg9[%swap3A_572], %min3A_570 {strides = array<i32>} : memref<272xf32, #tpu.memory_space<vmem>>, vector<16xf32>,
      %swap3A_574 = arith.constant 68 : index
      %swap3A_575 = tpu.vector_load %arg10[%swap3A_574] {strides = array<i32>} : memref<272xi32, #tpu.memory_space<vmem>>, vector<16xi32>,
      tpu.vector_store %arg10[%swap3A_574], %select_n3A_571 {strides = array<i32>} : memref<272xi32, #tpu.memory_space<vmem>>, vector<16xi32>,
      %mul3A_576 = arith.constant 16 : i32
      %mul3A_577 = arith.muli %scan3A_75, %mul3A_576 : i32
      %add3A_578 = arith.constant 5 : i32
      %add3A_579 = arith.addi %mul3A_577, %add3A_578 : i32
      %get3A_580 = arith.index_cast %add3A_579 : i32 to index
      %get3A_581 = arith.constant 0 : index
      %get3A_582 = tpu.vector_load %arg5[%get3A_580, %get3A_581] {strides = array<i32>} : memref<64x256xf32, #tpu.memory_space<vmem>>, vector<16xf32>,
      %get3A_583 = arith.index_cast %add3A_579 : i32 to index
      %get3A_584 = arith.constant 16 : index
      %get3A_585 = tpu.vector_load %arg5[%get3A_583, %get3A_584] {strides = array<i32>} : memref<64x256xf32, #tpu.memory_space<vmem>>, vector<16xf32>,
      %lt3A_586 = arith.cmpf olt, %get3A_585, %get3A_582 : vector<16xf32>
      %min3A_587 = arith.minimumf %get3A_582, %get3A_585 : vector<16xf32>
      %select_n3A_588 = arith.select %lt3A_586, %add3A_13, %add3A_10 : vector<16xi1>, vector<16xi32>
      %get3A_589 = arith.index_cast %add3A_579 : i32 to index
      %get3A_590 = arith.constant 32 : index
      %get3A_591 = tpu.vector_load %arg5[%get3A_589, %get3A_590] {strides = array<i32>} : memref<64x256xf32, #tpu.memory_space<vmem>>, vector<16xf32>,
      %lt3A_592 = arith.cmpf olt, %get3A_591, %min3A_587 : vector<16xf32>
      %min3A_593 = arith.minimumf %min3A_587, %get3A_591 : vector<16xf32>
      %select_n3A_594 = arith.select %lt3A_592, %add3A_16, %select_n3A_588 : vector<16xi1>, vector<16xi32>
      %get3A_595 = arith.index_cast %add3A_579 : i32 to index
      %get3A_596 = arith.constant 48 : index
      %get3A_597 = tpu.vector_load %arg5[%get3A_595, %get3A_596] {strides = array<i32>} : memref<64x256xf32, #tpu.memory_space<vmem>>, vector<16xf32>,
      %lt3A_598 = arith.cmpf olt, %get3A_597, %min3A_593 : vector<16xf32>
      %min3A_599 = arith.minimumf %min3A_593, %get3A_597 : vector<16xf32>
      %select_n3A_600 = arith.select %lt3A_598, %add3A_19, %select_n3A_594 : vector<16xi1>, vector<16xi32>
      %get3A_601 = arith.index_cast %add3A_579 : i32 to index
      %get3A_602 = arith.constant 64 : index
      %get3A_603 = tpu.vector_load %arg5[%get3A_601, %get3A_602] {strides = array<i32>} : memref<64x256xf32, #tpu.memory_space<vmem>>, vector<16xf32>,
      %lt3A_604 = arith.cmpf olt, %get3A_603, %min3A_599 : vector<16xf32>
      %min3A_605 = arith.minimumf %min3A_599, %get3A_603 : vector<16xf32>
      %select_n3A_606 = arith.select %lt3A_604, %add3A_22, %select_n3A_600 : vector<16xi1>, vector<16xi32>
      %get3A_607 = arith.index_cast %add3A_579 : i32 to index
      %get3A_608 = arith.constant 80 : index
      %get3A_609 = tpu.vector_load %arg5[%get3A_607, %get3A_608] {strides = array<i32>} : memref<64x256xf32, #tpu.memory_space<vmem>>, vector<16xf32>,
      %lt3A_610 = arith.cmpf olt, %get3A_609, %min3A_605 : vector<16xf32>
      %min3A_611 = arith.minimumf %min3A_605, %get3A_609 : vector<16xf32>
      %select_n3A_612 = arith.select %lt3A_610, %add3A_25, %select_n3A_606 : vector<16xi1>, vector<16xi32>
      %get3A_613 = arith.index_cast %add3A_579 : i32 to index
      %get3A_614 = arith.constant 96 : index
      %get3A_615 = tpu.vector_load %arg5[%get3A_613, %get3A_614] {strides = array<i32>} : memref<64x256xf32, #tpu.memory_space<vmem>>, vector<16xf32>,
      %lt3A_616 = arith.cmpf olt, %get3A_615, %min3A_611 : vector<16xf32>
      %min3A_617 = arith.minimumf %min3A_611, %get3A_615 : vector<16xf32>
      %select_n3A_618 = arith.select %lt3A_616, %add3A_28, %select_n3A_612 : vector<16xi1>, vector<16xi32>
      %get3A_619 = arith.index_cast %add3A_579 : i32 to index
      %get3A_620 = arith.constant 112 : index
      %get3A_621 = tpu.vector_load %arg5[%get3A_619, %get3A_620] {strides = array<i32>} : memref<64x256xf32, #tpu.memory_space<vmem>>, vector<16xf32>,
      %lt3A_622 = arith.cmpf olt, %get3A_621, %min3A_617 : vector<16xf32>
      %min3A_623 = arith.minimumf %min3A_617, %get3A_621 : vector<16xf32>
      %select_n3A_624 = arith.select %lt3A_622, %add3A_31, %select_n3A_618 : vector<16xi1>, vector<16xi32>
      %get3A_625 = arith.index_cast %add3A_579 : i32 to index
      %get3A_626 = arith.constant 128 : index
      %get3A_627 = tpu.vector_load %arg5[%get3A_625, %get3A_626] {strides = array<i32>} : memref<64x256xf32, #tpu.memory_space<vmem>>, vector<16xf32>,
      %lt3A_628 = arith.cmpf olt, %get3A_627, %min3A_623 : vector<16xf32>
      %min3A_629 = arith.minimumf %min3A_623, %get3A_627 : vector<16xf32>
      %select_n3A_630 = arith.select %lt3A_628, %add3A_34, %select_n3A_624 : vector<16xi1>, vector<16xi32>
      %get3A_631 = arith.index_cast %add3A_579 : i32 to index
      %get3A_632 = arith.constant 144 : index
      %get3A_633 = tpu.vector_load %arg5[%get3A_631, %get3A_632] {strides = array<i32>} : memref<64x256xf32, #tpu.memory_space<vmem>>, vector<16xf32>,
      %lt3A_634 = arith.cmpf olt, %get3A_633, %min3A_629 : vector<16xf32>
      %min3A_635 = arith.minimumf %min3A_629, %get3A_633 : vector<16xf32>
      %select_n3A_636 = arith.select %lt3A_634, %add3A_37, %select_n3A_630 : vector<16xi1>, vector<16xi32>
      %get3A_637 = arith.index_cast %add3A_579 : i32 to index
      %get3A_638 = arith.constant 160 : index
      %get3A_639 = tpu.vector_load %arg5[%get3A_637, %get3A_638] {strides = array<i32>} : memref<64x256xf32, #tpu.memory_space<vmem>>, vector<16xf32>,
      %lt3A_640 = arith.cmpf olt, %get3A_639, %min3A_635 : vector<16xf32>
      %min3A_641 = arith.minimumf %min3A_635, %get3A_639 : vector<16xf32>
      %select_n3A_642 = arith.select %lt3A_640, %add3A_40, %select_n3A_636 : vector<16xi1>, vector<16xi32>
      %get3A_643 = arith.index_cast %add3A_579 : i32 to index
      %get3A_644 = arith.constant 176 : index
      %get3A_645 = tpu.vector_load %arg5[%get3A_643, %get3A_644] {strides = array<i32>} : memref<64x256xf32, #tpu.memory_space<vmem>>, vector<16xf32>,
      %lt3A_646 = arith.cmpf olt, %get3A_645, %min3A_641 : vector<16xf32>
      %min3A_647 = arith.minimumf %min3A_641, %get3A_645 : vector<16xf32>
      %select_n3A_648 = arith.select %lt3A_646, %add3A_43, %select_n3A_642 : vector<16xi1>, vector<16xi32>
      %get3A_649 = arith.index_cast %add3A_579 : i32 to index
      %get3A_650 = arith.constant 192 : index
      %get3A_651 = tpu.vector_load %arg5[%get3A_649, %get3A_650] {strides = array<i32>} : memref<64x256xf32, #tpu.memory_space<vmem>>, vector<16xf32>,
      %lt3A_652 = arith.cmpf olt, %get3A_651, %min3A_647 : vector<16xf32>
      %min3A_653 = arith.minimumf %min3A_647, %get3A_651 : vector<16xf32>
      %select_n3A_654 = arith.select %lt3A_652, %add3A_46, %select_n3A_648 : vector<16xi1>, vector<16xi32>
      %get3A_655 = arith.index_cast %add3A_579 : i32 to index
      %get3A_656 = arith.constant 208 : index
      %get3A_657 = tpu.vector_load %arg5[%get3A_655, %get3A_656] {strides = array<i32>} : memref<64x256xf32, #tpu.memory_space<vmem>>, vector<16xf32>,
      %lt3A_658 = arith.cmpf olt, %get3A_657, %min3A_653 : vector<16xf32>
      %min3A_659 = arith.minimumf %min3A_653, %get3A_657 : vector<16xf32>
      %select_n3A_660 = arith.select %lt3A_658, %add3A_49, %select_n3A_654 : vector<16xi1>, vector<16xi32>
      %get3A_661 = arith.index_cast %add3A_579 : i32 to index
      %get3A_662 = arith.constant 224 : index
      %get3A_663 = tpu.vector_load %arg5[%get3A_661, %get3A_662] {strides = array<i32>} : memref<64x256xf32, #tpu.memory_space<vmem>>, vector<16xf32>,
      %lt3A_664 = arith.cmpf olt, %get3A_663, %min3A_659 : vector<16xf32>
      %min3A_665 = arith.minimumf %min3A_659, %get3A_663 : vector<16xf32>
      %select_n3A_666 = arith.select %lt3A_664, %add3A_52, %select_n3A_660 : vector<16xi1>, vector<16xi32>
      %get3A_667 = arith.index_cast %add3A_579 : i32 to index
      %get3A_668 = arith.constant 240 : index
      %get3A_669 = tpu.vector_load %arg5[%get3A_667, %get3A_668] {strides = array<i32>} : memref<64x256xf32, #tpu.memory_space<vmem>>, vector<16xf32>,
      %lt3A_670 = arith.cmpf olt, %get3A_669, %min3A_665 : vector<16xf32>
      %min3A_671 = arith.minimumf %min3A_665, %get3A_669 : vector<16xf32>
      %select_n3A_672 = arith.select %lt3A_670, %add3A_55, %select_n3A_666 : vector<16xi1>, vector<16xi32>
      %swap3A_673 = arith.constant 85 : index
      %swap3A_674 = tpu.vector_load %arg9[%swap3A_673] {strides = array<i32>} : memref<272xf32, #tpu.memory_space<vmem>>, vector<16xf32>,
      tpu.vector_store %arg9[%swap3A_673], %min3A_671 {strides = array<i32>} : memref<272xf32, #tpu.memory_space<vmem>>, vector<16xf32>,
      %swap3A_675 = arith.constant 85 : index
      %swap3A_676 = tpu.vector_load %arg10[%swap3A_675] {strides = array<i32>} : memref<272xi32, #tpu.memory_space<vmem>>, vector<16xi32>,
      tpu.vector_store %arg10[%swap3A_675], %select_n3A_672 {strides = array<i32>} : memref<272xi32, #tpu.memory_space<vmem>>, vector<16xi32>,
      %mul3A_677 = arith.constant 16 : i32
      %mul3A_678 = arith.muli %scan3A_75, %mul3A_677 : i32
      %add3A_679 = arith.constant 6 : i32
      %add3A_680 = arith.addi %mul3A_678, %add3A_679 : i32
      %get3A_681 = arith.index_cast %add3A_680 : i32 to index
      %get3A_682 = arith.constant 0 : index
      %get3A_683 = tpu.vector_load %arg5[%get3A_681, %get3A_682] {strides = array<i32>} : memref<64x256xf32, #tpu.memory_space<vmem>>, vector<16xf32>,
      %get3A_684 = arith.index_cast %add3A_680 : i32 to index
      %get3A_685 = arith.constant 16 : index
      %get3A_686 = tpu.vector_load %arg5[%get3A_684, %get3A_685] {strides = array<i32>} : memref<64x256xf32, #tpu.memory_space<vmem>>, vector<16xf32>,
      %lt3A_687 = arith.cmpf olt, %get3A_686, %get3A_683 : vector<16xf32>
      %min3A_688 = arith.minimumf %get3A_683, %get3A_686 : vector<16xf32>
      %select_n3A_689 = arith.select %lt3A_687, %add3A_13, %add3A_10 : vector<16xi1>, vector<16xi32>
      %get3A_690 = arith.index_cast %add3A_680 : i32 to index
      %get3A_691 = arith.constant 32 : index
      %get3A_692 = tpu.vector_load %arg5[%get3A_690, %get3A_691] {strides = array<i32>} : memref<64x256xf32, #tpu.memory_space<vmem>>, vector<16xf32>,
      %lt3A_693 = arith.cmpf olt, %get3A_692, %min3A_688 : vector<16xf32>
      %min3A_694 = arith.minimumf %min3A_688, %get3A_692 : vector<16xf32>
      %select_n3A_695 = arith.select %lt3A_693, %add3A_16, %select_n3A_689 : vector<16xi1>, vector<16xi32>
      %get3A_696 = arith.index_cast %add3A_680 : i32 to index
      %get3A_697 = arith.constant 48 : index
      %get3A_698 = tpu.vector_load %arg5[%get3A_696, %get3A_697] {strides = array<i32>} : memref<64x256xf32, #tpu.memory_space<vmem>>, vector<16xf32>,
      %lt3A_699 = arith.cmpf olt, %get3A_698, %min3A_694 : vector<16xf32>
      %min3A_700 = arith.minimumf %min3A_694, %get3A_698 : vector<16xf32>
      %select_n3A_701 = arith.select %lt3A_699, %add3A_19, %select_n3A_695 : vector<16xi1>, vector<16xi32>
      %get3A_702 = arith.index_cast %add3A_680 : i32 to index
      %get3A_703 = arith.constant 64 : index
      %get3A_704 = tpu.vector_load %arg5[%get3A_702, %get3A_703] {strides = array<i32>} : memref<64x256xf32, #tpu.memory_space<vmem>>, vector<16xf32>,
      %lt3A_705 = arith.cmpf olt, %get3A_704, %min3A_700 : vector<16xf32>
      %min3A_706 = arith.minimumf %min3A_700, %get3A_704 : vector<16xf32>
      %select_n3A_707 = arith.select %lt3A_705, %add3A_22, %select_n3A_701 : vector<16xi1>, vector<16xi32>
      %get3A_708 = arith.index_cast %add3A_680 : i32 to index
      %get3A_709 = arith.constant 80 : index
      %get3A_710 = tpu.vector_load %arg5[%get3A_708, %get3A_709] {strides = array<i32>} : memref<64x256xf32, #tpu.memory_space<vmem>>, vector<16xf32>,
      %lt3A_711 = arith.cmpf olt, %get3A_710, %min3A_706 : vector<16xf32>
      %min3A_712 = arith.minimumf %min3A_706, %get3A_710 : vector<16xf32>
      %select_n3A_713 = arith.select %lt3A_711, %add3A_25, %select_n3A_707 : vector<16xi1>, vector<16xi32>
      %get3A_714 = arith.index_cast %add3A_680 : i32 to index
      %get3A_715 = arith.constant 96 : index
      %get3A_716 = tpu.vector_load %arg5[%get3A_714, %get3A_715] {strides = array<i32>} : memref<64x256xf32, #tpu.memory_space<vmem>>, vector<16xf32>,
      %lt3A_717 = arith.cmpf olt, %get3A_716, %min3A_712 : vector<16xf32>
      %min3A_718 = arith.minimumf %min3A_712, %get3A_716 : vector<16xf32>
      %select_n3A_719 = arith.select %lt3A_717, %add3A_28, %select_n3A_713 : vector<16xi1>, vector<16xi32>
      %get3A_720 = arith.index_cast %add3A_680 : i32 to index
      %get3A_721 = arith.constant 112 : index
      %get3A_722 = tpu.vector_load %arg5[%get3A_720, %get3A_721] {strides = array<i32>} : memref<64x256xf32, #tpu.memory_space<vmem>>, vector<16xf32>,
      %lt3A_723 = arith.cmpf olt, %get3A_722, %min3A_718 : vector<16xf32>
      %min3A_724 = arith.minimumf %min3A_718, %get3A_722 : vector<16xf32>
      %select_n3A_725 = arith.select %lt3A_723, %add3A_31, %select_n3A_719 : vector<16xi1>, vector<16xi32>
      %get3A_726 = arith.index_cast %add3A_680 : i32 to index
      %get3A_727 = arith.constant 128 : index
      %get3A_728 = tpu.vector_load %arg5[%get3A_726, %get3A_727] {strides = array<i32>} : memref<64x256xf32, #tpu.memory_space<vmem>>, vector<16xf32>,
      %lt3A_729 = arith.cmpf olt, %get3A_728, %min3A_724 : vector<16xf32>
      %min3A_730 = arith.minimumf %min3A_724, %get3A_728 : vector<16xf32>
      %select_n3A_731 = arith.select %lt3A_729, %add3A_34, %select_n3A_725 : vector<16xi1>, vector<16xi32>
      %get3A_732 = arith.index_cast %add3A_680 : i32 to index
      %get3A_733 = arith.constant 144 : index
      %get3A_734 = tpu.vector_load %arg5[%get3A_732, %get3A_733] {strides = array<i32>} : memref<64x256xf32, #tpu.memory_space<vmem>>, vector<16xf32>,
      %lt3A_735 = arith.cmpf olt, %get3A_734, %min3A_730 : vector<16xf32>
      %min3A_736 = arith.minimumf %min3A_730, %get3A_734 : vector<16xf32>
      %select_n3A_737 = arith.select %lt3A_735, %add3A_37, %select_n3A_731 : vector<16xi1>, vector<16xi32>
      %get3A_738 = arith.index_cast %add3A_680 : i32 to index
      %get3A_739 = arith.constant 160 : index
      %get3A_740 = tpu.vector_load %arg5[%get3A_738, %get3A_739] {strides = array<i32>} : memref<64x256xf32, #tpu.memory_space<vmem>>, vector<16xf32>,
      %lt3A_741 = arith.cmpf olt, %get3A_740, %min3A_736 : vector<16xf32>
      %min3A_742 = arith.minimumf %min3A_736, %get3A_740 : vector<16xf32>
      %select_n3A_743 = arith.select %lt3A_741, %add3A_40, %select_n3A_737 : vector<16xi1>, vector<16xi32>
      %get3A_744 = arith.index_cast %add3A_680 : i32 to index
      %get3A_745 = arith.constant 176 : index
      %get3A_746 = tpu.vector_load %arg5[%get3A_744, %get3A_745] {strides = array<i32>} : memref<64x256xf32, #tpu.memory_space<vmem>>, vector<16xf32>,
      %lt3A_747 = arith.cmpf olt, %get3A_746, %min3A_742 : vector<16xf32>
      %min3A_748 = arith.minimumf %min3A_742, %get3A_746 : vector<16xf32>
      %select_n3A_749 = arith.select %lt3A_747, %add3A_43, %select_n3A_743 : vector<16xi1>, vector<16xi32>
      %get3A_750 = arith.index_cast %add3A_680 : i32 to index
      %get3A_751 = arith.constant 192 : index
      %get3A_752 = tpu.vector_load %arg5[%get3A_750, %get3A_751] {strides = array<i32>} : memref<64x256xf32, #tpu.memory_space<vmem>>, vector<16xf32>,
      %lt3A_753 = arith.cmpf olt, %get3A_752, %min3A_748 : vector<16xf32>
      %min3A_754 = arith.minimumf %min3A_748, %get3A_752 : vector<16xf32>
      %select_n3A_755 = arith.select %lt3A_753, %add3A_46, %select_n3A_749 : vector<16xi1>, vector<16xi32>
      %get3A_756 = arith.index_cast %add3A_680 : i32 to index
      %get3A_757 = arith.constant 208 : index
      %get3A_758 = tpu.vector_load %arg5[%get3A_756, %get3A_757] {strides = array<i32>} : memref<64x256xf32, #tpu.memory_space<vmem>>, vector<16xf32>,
      %lt3A_759 = arith.cmpf olt, %get3A_758, %min3A_754 : vector<16xf32>
      %min3A_760 = arith.minimumf %min3A_754, %get3A_758 : vector<16xf32>
      %select_n3A_761 = arith.select %lt3A_759, %add3A_49, %select_n3A_755 : vector<16xi1>, vector<16xi32>
      %get3A_762 = arith.index_cast %add3A_680 : i32 to index
      %get3A_763 = arith.constant 224 : index
      %get3A_764 = tpu.vector_load %arg5[%get3A_762, %get3A_763] {strides = array<i32>} : memref<64x256xf32, #tpu.memory_space<vmem>>, vector<16xf32>,
      %lt3A_765 = arith.cmpf olt, %get3A_764, %min3A_760 : vector<16xf32>
      %min3A_766 = arith.minimumf %min3A_760, %get3A_764 : vector<16xf32>
      %select_n3A_767 = arith.select %lt3A_765, %add3A_52, %select_n3A_761 : vector<16xi1>, vector<16xi32>
      %get3A_768 = arith.index_cast %add3A_680 : i32 to index
      %get3A_769 = arith.constant 240 : index
      %get3A_770 = tpu.vector_load %arg5[%get3A_768, %get3A_769] {strides = array<i32>} : memref<64x256xf32, #tpu.memory_space<vmem>>, vector<16xf32>,
      %lt3A_771 = arith.cmpf olt, %get3A_770, %min3A_766 : vector<16xf32>
      %min3A_772 = arith.minimumf %min3A_766, %get3A_770 : vector<16xf32>
      %select_n3A_773 = arith.select %lt3A_771, %add3A_55, %select_n3A_767 : vector<16xi1>, vector<16xi32>
      %swap3A_774 = arith.constant 102 : index
      %swap3A_775 = tpu.vector_load %arg9[%swap3A_774] {strides = array<i32>} : memref<272xf32, #tpu.memory_space<vmem>>, vector<16xf32>,
      tpu.vector_store %arg9[%swap3A_774], %min3A_772 {strides = array<i32>} : memref<272xf32, #tpu.memory_space<vmem>>, vector<16xf32>,
      %swap3A_776 = arith.constant 102 : index
      %swap3A_777 = tpu.vector_load %arg10[%swap3A_776] {strides = array<i32>} : memref<272xi32, #tpu.memory_space<vmem>>, vector<16xi32>,
      tpu.vector_store %arg10[%swap3A_776], %select_n3A_773 {strides = array<i32>} : memref<272xi32, #tpu.memory_space<vmem>>, vector<16xi32>,
      %mul3A_778 = arith.constant 16 : i32
      %mul3A_779 = arith.muli %scan3A_75, %mul3A_778 : i32
      %add3A_780 = arith.constant 7 : i32
      %add3A_781 = arith.addi %mul3A_779, %add3A_780 : i32
      %get3A_782 = arith.index_cast %add3A_781 : i32 to index
      %get3A_783 = arith.constant 0 : index
      %get3A_784 = tpu.vector_load %arg5[%get3A_782, %get3A_783] {strides = array<i32>} : memref<64x256xf32, #tpu.memory_space<vmem>>, vector<16xf32>,
      %get3A_785 = arith.index_cast %add3A_781 : i32 to index
      %get3A_786 = arith.constant 16 : index
      %get3A_787 = tpu.vector_load %arg5[%get3A_785, %get3A_786] {strides = array<i32>} : memref<64x256xf32, #tpu.memory_space<vmem>>, vector<16xf32>,
      %lt3A_788 = arith.cmpf olt, %get3A_787, %get3A_784 : vector<16xf32>
      %min3A_789 = arith.minimumf %get3A_784, %get3A_787 : vector<16xf32>
      %select_n3A_790 = arith.select %lt3A_788, %add3A_13, %add3A_10 : vector<16xi1>, vector<16xi32>
      %get3A_791 = arith.index_cast %add3A_781 : i32 to index
      %get3A_792 = arith.constant 32 : index
      %get3A_793 = tpu.vector_load %arg5[%get3A_791, %get3A_792] {strides = array<i32>} : memref<64x256xf32, #tpu.memory_space<vmem>>, vector<16xf32>,
      %lt3A_794 = arith.cmpf olt, %get3A_793, %min3A_789 : vector<16xf32>
      %min3A_795 = arith.minimumf %min3A_789, %get3A_793 : vector<16xf32>
      %select_n3A_796 = arith.select %lt3A_794, %add3A_16, %select_n3A_790 : vector<16xi1>, vector<16xi32>
      %get3A_797 = arith.index_cast %add3A_781 : i32 to index
      %get3A_798 = arith.constant 48 : index
      %get3A_799 = tpu.vector_load %arg5[%get3A_797, %get3A_798] {strides = array<i32>} : memref<64x256xf32, #tpu.memory_space<vmem>>, vector<16xf32>,
      %lt3A_800 = arith.cmpf olt, %get3A_799, %min3A_795 : vector<16xf32>
      %min3A_801 = arith.minimumf %min3A_795, %get3A_799 : vector<16xf32>
      %select_n3A_802 = arith.select %lt3A_800, %add3A_19, %select_n3A_796 : vector<16xi1>, vector<16xi32>
      %get3A_803 = arith.index_cast %add3A_781 : i32 to index
      %get3A_804 = arith.constant 64 : index
      %get3A_805 = tpu.vector_load %arg5[%get3A_803, %get3A_804] {strides = array<i32>} : memref<64x256xf32, #tpu.memory_space<vmem>>, vector<16xf32>,
      %lt3A_806 = arith.cmpf olt, %get3A_805, %min3A_801 : vector<16xf32>
      %min3A_807 = arith.minimumf %min3A_801, %get3A_805 : vector<16xf32>
      %select_n3A_808 = arith.select %lt3A_806, %add3A_22, %select_n3A_802 : vector<16xi1>, vector<16xi32>
      %get3A_809 = arith.index_cast %add3A_781 : i32 to index
      %get3A_810 = arith.constant 80 : index
      %get3A_811 = tpu.vector_load %arg5[%get3A_809, %get3A_810] {strides = array<i32>} : memref<64x256xf32, #tpu.memory_space<vmem>>, vector<16xf32>,
      %lt3A_812 = arith.cmpf olt, %get3A_811, %min3A_807 : vector<16xf32>
      %min3A_813 = arith.minimumf %min3A_807, %get3A_811 : vector<16xf32>
      %select_n3A_814 = arith.select %lt3A_812, %add3A_25, %select_n3A_808 : vector<16xi1>, vector<16xi32>
      %get3A_815 = arith.index_cast %add3A_781 : i32 to index
      %get3A_816 = arith.constant 96 : index
      %get3A_817 = tpu.vector_load %arg5[%get3A_815, %get3A_816] {strides = array<i32>} : memref<64x256xf32, #tpu.memory_space<vmem>>, vector<16xf32>,
      %lt3A_818 = arith.cmpf olt, %get3A_817, %min3A_813 : vector<16xf32>
      %min3A_819 = arith.minimumf %min3A_813, %get3A_817 : vector<16xf32>
      %select_n3A_820 = arith.select %lt3A_818, %add3A_28, %select_n3A_814 : vector<16xi1>, vector<16xi32>
      %get3A_821 = arith.index_cast %add3A_781 : i32 to index
      %get3A_822 = arith.constant 112 : index
      %get3A_823 = tpu.vector_load %arg5[%get3A_821, %get3A_822] {strides = array<i32>} : memref<64x256xf32, #tpu.memory_space<vmem>>, vector<16xf32>,
      %lt3A_824 = arith.cmpf olt, %get3A_823, %min3A_819 : vector<16xf32>
      %min3A_825 = arith.minimumf %min3A_819, %get3A_823 : vector<16xf32>
      %select_n3A_826 = arith.select %lt3A_824, %add3A_31, %select_n3A_820 : vector<16xi1>, vector<16xi32>
      %get3A_827 = arith.index_cast %add3A_781 : i32 to index
      %get3A_828 = arith.constant 128 : index
      %get3A_829 = tpu.vector_load %arg5[%get3A_827, %get3A_828] {strides = array<i32>} : memref<64x256xf32, #tpu.memory_space<vmem>>, vector<16xf32>,
      %lt3A_830 = arith.cmpf olt, %get3A_829, %min3A_825 : vector<16xf32>
      %min3A_831 = arith.minimumf %min3A_825, %get3A_829 : vector<16xf32>
      %select_n3A_832 = arith.select %lt3A_830, %add3A_34, %select_n3A_826 : vector<16xi1>, vector<16xi32>
      %get3A_833 = arith.index_cast %add3A_781 : i32 to index
      %get3A_834 = arith.constant 144 : index
      %get3A_835 = tpu.vector_load %arg5[%get3A_833, %get3A_834] {strides = array<i32>} : memref<64x256xf32, #tpu.memory_space<vmem>>, vector<16xf32>,
      %lt3A_836 = arith.cmpf olt, %get3A_835, %min3A_831 : vector<16xf32>
      %min3A_837 = arith.minimumf %min3A_831, %get3A_835 : vector<16xf32>
      %select_n3A_838 = arith.select %lt3A_836, %add3A_37, %select_n3A_832 : vector<16xi1>, vector<16xi32>
      %get3A_839 = arith.index_cast %add3A_781 : i32 to index
      %get3A_840 = arith.constant 160 : index
      %get3A_841 = tpu.vector_load %arg5[%get3A_839, %get3A_840] {strides = array<i32>} : memref<64x256xf32, #tpu.memory_space<vmem>>, vector<16xf32>,
      %lt3A_842 = arith.cmpf olt, %get3A_841, %min3A_837 : vector<16xf32>
      %min3A_843 = arith.minimumf %min3A_837, %get3A_841 : vector<16xf32>
      %select_n3A_844 = arith.select %lt3A_842, %add3A_40, %select_n3A_838 : vector<16xi1>, vector<16xi32>
      %get3A_845 = arith.index_cast %add3A_781 : i32 to index
      %get3A_846 = arith.constant 176 : index
      %get3A_847 = tpu.vector_load %arg5[%get3A_845, %get3A_846] {strides = array<i32>} : memref<64x256xf32, #tpu.memory_space<vmem>>, vector<16xf32>,
      %lt3A_848 = arith.cmpf olt, %get3A_847, %min3A_843 : vector<16xf32>
      %min3A_849 = arith.minimumf %min3A_843, %get3A_847 : vector<16xf32>
      %select_n3A_850 = arith.select %lt3A_848, %add3A_43, %select_n3A_844 : vector<16xi1>, vector<16xi32>
      %get3A_851 = arith.index_cast %add3A_781 : i32 to index
      %get3A_852 = arith.constant 192 : index
      %get3A_853 = tpu.vector_load %arg5[%get3A_851, %get3A_852] {strides = array<i32>} : memref<64x256xf32, #tpu.memory_space<vmem>>, vector<16xf32>,
      %lt3A_854 = arith.cmpf olt, %get3A_853, %min3A_849 : vector<16xf32>
      %min3A_855 = arith.minimumf %min3A_849, %get3A_853 : vector<16xf32>
      %select_n3A_856 = arith.select %lt3A_854, %add3A_46, %select_n3A_850 : vector<16xi1>, vector<16xi32>
      %get3A_857 = arith.index_cast %add3A_781 : i32 to index
      %get3A_858 = arith.constant 208 : index
      %get3A_859 = tpu.vector_load %arg5[%get3A_857, %get3A_858] {strides = array<i32>} : memref<64x256xf32, #tpu.memory_space<vmem>>, vector<16xf32>,
      %lt3A_860 = arith.cmpf olt, %get3A_859, %min3A_855 : vector<16xf32>
      %min3A_861 = arith.minimumf %min3A_855, %get3A_859 : vector<16xf32>
      %select_n3A_862 = arith.select %lt3A_860, %add3A_49, %select_n3A_856 : vector<16xi1>, vector<16xi32>
      %get3A_863 = arith.index_cast %add3A_781 : i32 to index
      %get3A_864 = arith.constant 224 : index
      %get3A_865 = tpu.vector_load %arg5[%get3A_863, %get3A_864] {strides = array<i32>} : memref<64x256xf32, #tpu.memory_space<vmem>>, vector<16xf32>,
      %lt3A_866 = arith.cmpf olt, %get3A_865, %min3A_861 : vector<16xf32>
      %min3A_867 = arith.minimumf %min3A_861, %get3A_865 : vector<16xf32>
      %select_n3A_868 = arith.select %lt3A_866, %add3A_52, %select_n3A_862 : vector<16xi1>, vector<16xi32>
      %get3A_869 = arith.index_cast %add3A_781 : i32 to index
      %get3A_870 = arith.constant 240 : index
      %get3A_871 = tpu.vector_load %arg5[%get3A_869, %get3A_870] {strides = array<i32>} : memref<64x256xf32, #tpu.memory_space<vmem>>, vector<16xf32>,
      %lt3A_872 = arith.cmpf olt, %get3A_871, %min3A_867 : vector<16xf32>
      %min3A_873 = arith.minimumf %min3A_867, %get3A_871 : vector<16xf32>
      %select_n3A_874 = arith.select %lt3A_872, %add3A_55, %select_n3A_868 : vector<16xi1>, vector<16xi32>
      %swap3A_875 = arith.constant 119 : index
      %swap3A_876 = tpu.vector_load %arg9[%swap3A_875] {strides = array<i32>} : memref<272xf32, #tpu.memory_space<vmem>>, vector<16xf32>,
      tpu.vector_store %arg9[%swap3A_875], %min3A_873 {strides = array<i32>} : memref<272xf32, #tpu.memory_space<vmem>>, vector<16xf32>,
      %swap3A_877 = arith.constant 119 : index
      %swap3A_878 = tpu.vector_load %arg10[%swap3A_877] {strides = array<i32>} : memref<272xi32, #tpu.memory_space<vmem>>, vector<16xi32>,
      tpu.vector_store %arg10[%swap3A_877], %select_n3A_874 {strides = array<i32>} : memref<272xi32, #tpu.memory_space<vmem>>, vector<16xi32>,
      %mul3A_879 = arith.constant 16 : i32
      %mul3A_880 = arith.muli %scan3A_75, %mul3A_879 : i32
      %add3A_881 = arith.constant 8 : i32
      %add3A_882 = arith.addi %mul3A_880, %add3A_881 : i32
      %get3A_883 = arith.index_cast %add3A_882 : i32 to index
      %get3A_884 = arith.constant 0 : index
      %get3A_885 = tpu.vector_load %arg5[%get3A_883, %get3A_884] {strides = array<i32>} : memref<64x256xf32, #tpu.memory_space<vmem>>, vector<16xf32>,
      %get3A_886 = arith.index_cast %add3A_882 : i32 to index
      %get3A_887 = arith.constant 16 : index
      %get3A_888 = tpu.vector_load %arg5[%get3A_886, %get3A_887] {strides = array<i32>} : memref<64x256xf32, #tpu.memory_space<vmem>>, vector<16xf32>,
      %lt3A_889 = arith.cmpf olt, %get3A_888, %get3A_885 : vector<16xf32>
      %min3A_890 = arith.minimumf %get3A_885, %get3A_888 : vector<16xf32>
      %select_n3A_891 = arith.select %lt3A_889, %add3A_13, %add3A_10 : vector<16xi1>, vector<16xi32>
      %get3A_892 = arith.index_cast %add3A_882 : i32 to index
      %get3A_893 = arith.constant 32 : index
      %get3A_894 = tpu.vector_load %arg5[%get3A_892, %get3A_893] {strides = array<i32>} : memref<64x256xf32, #tpu.memory_space<vmem>>, vector<16xf32>,
      %lt3A_895 = arith.cmpf olt, %get3A_894, %min3A_890 : vector<16xf32>
      %min3A_896 = arith.minimumf %min3A_890, %get3A_894 : vector<16xf32>
      %select_n3A_897 = arith.select %lt3A_895, %add3A_16, %select_n3A_891 : vector<16xi1>, vector<16xi32>
      %get3A_898 = arith.index_cast %add3A_882 : i32 to index
      %get3A_899 = arith.constant 48 : index
      %get3A_900 = tpu.vector_load %arg5[%get3A_898, %get3A_899] {strides = array<i32>} : memref<64x256xf32, #tpu.memory_space<vmem>>, vector<16xf32>,
      %lt3A_901 = arith.cmpf olt, %get3A_900, %min3A_896 : vector<16xf32>
      %min3A_902 = arith.minimumf %min3A_896, %get3A_900 : vector<16xf32>
      %select_n3A_903 = arith.select %lt3A_901, %add3A_19, %select_n3A_897 : vector<16xi1>, vector<16xi32>
      %get3A_904 = arith.index_cast %add3A_882 : i32 to index
      %get3A_905 = arith.constant 64 : index
      %get3A_906 = tpu.vector_load %arg5[%get3A_904, %get3A_905] {strides = array<i32>} : memref<64x256xf32, #tpu.memory_space<vmem>>, vector<16xf32>,
      %lt3A_907 = arith.cmpf olt, %get3A_906, %min3A_902 : vector<16xf32>
      %min3A_908 = arith.minimumf %min3A_902, %get3A_906 : vector<16xf32>
      %select_n3A_909 = arith.select %lt3A_907, %add3A_22, %select_n3A_903 : vector<16xi1>, vector<16xi32>
      %get3A_910 = arith.index_cast %add3A_882 : i32 to index
      %get3A_911 = arith.constant 80 : index
      %get3A_912 = tpu.vector_load %arg5[%get3A_910, %get3A_911] {strides = array<i32>} : memref<64x256xf32, #tpu.memory_space<vmem>>, vector<16xf32>,
      %lt3A_913 = arith.cmpf olt, %get3A_912, %min3A_908 : vector<16xf32>
      %min3A_914 = arith.minimumf %min3A_908, %get3A_912 : vector<16xf32>
      %select_n3A_915 = arith.select %lt3A_913, %add3A_25, %select_n3A_909 : vector<16xi1>, vector<16xi32>
      %get3A_916 = arith.index_cast %add3A_882 : i32 to index
      %get3A_917 = arith.constant 96 : index
      %get3A_918 = tpu.vector_load %arg5[%get3A_916, %get3A_917] {strides = array<i32>} : memref<64x256xf32, #tpu.memory_space<vmem>>, vector<16xf32>,
      %lt3A_919 = arith.cmpf olt, %get3A_918, %min3A_914 : vector<16xf32>
      %min3A_920 = arith.minimumf %min3A_914, %get3A_918 : vector<16xf32>
      %select_n3A_921 = arith.select %lt3A_919, %add3A_28, %select_n3A_915 : vector<16xi1>, vector<16xi32>
      %get3A_922 = arith.index_cast %add3A_882 : i32 to index
      %get3A_923 = arith.constant 112 : index
      %get3A_924 = tpu.vector_load %arg5[%get3A_922, %get3A_923] {strides = array<i32>} : memref<64x256xf32, #tpu.memory_space<vmem>>, vector<16xf32>,
      %lt3A_925 = arith.cmpf olt, %get3A_924, %min3A_920 : vector<16xf32>
      %min3A_926 = arith.minimumf %min3A_920, %get3A_924 : vector<16xf32>
      %select_n3A_927 = arith.select %lt3A_925, %add3A_31, %select_n3A_921 : vector<16xi1>, vector<16xi32>
      %get3A_928 = arith.index_cast %add3A_882 : i32 to index
      %get3A_929 = arith.constant 128 : index
      %get3A_930 = tpu.vector_load %arg5[%get3A_928, %get3A_929] {strides = array<i32>} : memref<64x256xf32, #tpu.memory_space<vmem>>, vector<16xf32>,
      %lt3A_931 = arith.cmpf olt, %get3A_930, %min3A_926 : vector<16xf32>
      %min3A_932 = arith.minimumf %min3A_926, %get3A_930 : vector<16xf32>
      %select_n3A_933 = arith.select %lt3A_931, %add3A_34, %select_n3A_927 : vector<16xi1>, vector<16xi32>
      %get3A_934 = arith.index_cast %add3A_882 : i32 to index
      %get3A_935 = arith.constant 144 : index
      %get3A_936 = tpu.vector_load %arg5[%get3A_934, %get3A_935] {strides = array<i32>} : memref<64x256xf32, #tpu.memory_space<vmem>>, vector<16xf32>,
      %lt3A_937 = arith.cmpf olt, %get3A_936, %min3A_932 : vector<16xf32>
      %min3A_938 = arith.minimumf %min3A_932, %get3A_936 : vector<16xf32>
      %select_n3A_939 = arith.select %lt3A_937, %add3A_37, %select_n3A_933 : vector<16xi1>, vector<16xi32>
      %get3A_940 = arith.index_cast %add3A_882 : i32 to index
      %get3A_941 = arith.constant 160 : index
      %get3A_942 = tpu.vector_load %arg5[%get3A_940, %get3A_941] {strides = array<i32>} : memref<64x256xf32, #tpu.memory_space<vmem>>, vector<16xf32>,
      %lt3A_943 = arith.cmpf olt, %get3A_942, %min3A_938 : vector<16xf32>
      %min3A_944 = arith.minimumf %min3A_938, %get3A_942 : vector<16xf32>
      %select_n3A_945 = arith.select %lt3A_943, %add3A_40, %select_n3A_939 : vector<16xi1>, vector<16xi32>
      %get3A_946 = arith.index_cast %add3A_882 : i32 to index
      %get3A_947 = arith.constant 176 : index
      %get3A_948 = tpu.vector_load %arg5[%get3A_946, %get3A_947] {strides = array<i32>} : memref<64x256xf32, #tpu.memory_space<vmem>>, vector<16xf32>,
      %lt3A_949 = arith.cmpf olt, %get3A_948, %min3A_944 : vector<16xf32>
      %min3A_950 = arith.minimumf %min3A_944, %get3A_948 : vector<16xf32>
      %select_n3A_951 = arith.select %lt3A_949, %add3A_43, %select_n3A_945 : vector<16xi1>, vector<16xi32>
      %get3A_952 = arith.index_cast %add3A_882 : i32 to index
      %get3A_953 = arith.constant 192 : index
      %get3A_954 = tpu.vector_load %arg5[%get3A_952, %get3A_953] {strides = array<i32>} : memref<64x256xf32, #tpu.memory_space<vmem>>, vector<16xf32>,
      %lt3A_955 = arith.cmpf olt, %get3A_954, %min3A_950 : vector<16xf32>
      %min3A_956 = arith.minimumf %min3A_950, %get3A_954 : vector<16xf32>
      %select_n3A_957 = arith.select %lt3A_955, %add3A_46, %select_n3A_951 : vector<16xi1>, vector<16xi32>
      %get3A_958 = arith.index_cast %add3A_882 : i32 to index
      %get3A_959 = arith.constant 208 : index
      %get3A_960 = tpu.vector_load %arg5[%get3A_958, %get3A_959] {strides = array<i32>} : memref<64x256xf32, #tpu.memory_space<vmem>>, vector<16xf32>,
      %lt3A_961 = arith.cmpf olt, %get3A_960, %min3A_956 : vector<16xf32>
      %min3A_962 = arith.minimumf %min3A_956, %get3A_960 : vector<16xf32>
      %select_n3A_963 = arith.select %lt3A_961, %add3A_49, %select_n3A_957 : vector<16xi1>, vector<16xi32>
      %get3A_964 = arith.index_cast %add3A_882 : i32 to index
      %get3A_965 = arith.constant 224 : index
      %get3A_966 = tpu.vector_load %arg5[%get3A_964, %get3A_965] {strides = array<i32>} : memref<64x256xf32, #tpu.memory_space<vmem>>, vector<16xf32>,
      %lt3A_967 = arith.cmpf olt, %get3A_966, %min3A_962 : vector<16xf32>
      %min3A_968 = arith.minimumf %min3A_962, %get3A_966 : vector<16xf32>
      %select_n3A_969 = arith.select %lt3A_967, %add3A_52, %select_n3A_963 : vector<16xi1>, vector<16xi32>
      %get3A_970 = arith.index_cast %add3A_882 : i32 to index
      %get3A_971 = arith.constant 240 : index
      %get3A_972 = tpu.vector_load %arg5[%get3A_970, %get3A_971] {strides = array<i32>} : memref<64x256xf32, #tpu.memory_space<vmem>>, vector<16xf32>,
      %lt3A_973 = arith.cmpf olt, %get3A_972, %min3A_968 : vector<16xf32>
      %min3A_974 = arith.minimumf %min3A_968, %get3A_972 : vector<16xf32>
      %select_n3A_975 = arith.select %lt3A_973, %add3A_55, %select_n3A_969 : vector<16xi1>, vector<16xi32>
      %swap3A_976 = arith.constant 136 : index
      %swap3A_977 = tpu.vector_load %arg9[%swap3A_976] {strides = array<i32>} : memref<272xf32, #tpu.memory_space<vmem>>, vector<16xf32>,
      tpu.vector_store %arg9[%swap3A_976], %min3A_974 {strides = array<i32>} : memref<272xf32, #tpu.memory_space<vmem>>, vector<16xf32>,
      %swap3A_978 = arith.constant 136 : index
      %swap3A_979 = tpu.vector_load %arg10[%swap3A_978] {strides = array<i32>} : memref<272xi32, #tpu.memory_space<vmem>>, vector<16xi32>,
      tpu.vector_store %arg10[%swap3A_978], %select_n3A_975 {strides = array<i32>} : memref<272xi32, #tpu.memory_space<vmem>>, vector<16xi32>,
      %mul3A_980 = arith.constant 16 : i32
      %mul3A_981 = arith.muli %scan3A_75, %mul3A_980 : i32
      %add3A_982 = arith.constant 9 : i32
      %add3A_983 = arith.addi %mul3A_981, %add3A_982 : i32
      %get3A_984 = arith.index_cast %add3A_983 : i32 to index
      %get3A_985 = arith.constant 0 : index
      %get3A_986 = tpu.vector_load %arg5[%get3A_984, %get3A_985] {strides = array<i32>} : memref<64x256xf32, #tpu.memory_space<vmem>>, vector<16xf32>,
      %get3A_987 = arith.index_cast %add3A_983 : i32 to index
      %get3A_988 = arith.constant 16 : index
      %get3A_989 = tpu.vector_load %arg5[%get3A_987, %get3A_988] {strides = array<i32>} : memref<64x256xf32, #tpu.memory_space<vmem>>, vector<16xf32>,
      %lt3A_990 = arith.cmpf olt, %get3A_989, %get3A_986 : vector<16xf32>
      %min3A_991 = arith.minimumf %get3A_986, %get3A_989 : vector<16xf32>
      %select_n3A_992 = arith.select %lt3A_990, %add3A_13, %add3A_10 : vector<16xi1>, vector<16xi32>
      %get3A_993 = arith.index_cast %add3A_983 : i32 to index
      %get3A_994 = arith.constant 32 : index
      %get3A_995 = tpu.vector_load %arg5[%get3A_993, %get3A_994] {strides = array<i32>} : memref<64x256xf32, #tpu.memory_space<vmem>>, vector<16xf32>,
      %lt3A_996 = arith.cmpf olt, %get3A_995, %min3A_991 : vector<16xf32>
      %min3A_997 = arith.minimumf %min3A_991, %get3A_995 : vector<16xf32>
      %select_n3A_998 = arith.select %lt3A_996, %add3A_16, %select_n3A_992 : vector<16xi1>, vector<16xi32>
      %get3A_999 = arith.index_cast %add3A_983 : i32 to index
      %get3A_1000 = arith.constant 48 : index
      %get3A_1001 = tpu.vector_load %arg5[%get3A_999, %get3A_1000] {strides = array<i32>} : memref<64x256xf32, #tpu.memory_space<vmem>>, vector<16xf32>,
      %lt3A_1002 = arith.cmpf olt, %get3A_1001, %min3A_997 : vector<16xf32>
      %min3A_1003 = arith.minimumf %min3A_997, %get3A_1001 : vector<16xf32>
      %select_n3A_1004 = arith.select %lt3A_1002, %add3A_19, %select_n3A_998 : vector<16xi1>, vector<16xi32>
      %get3A_1005 = arith.index_cast %add3A_983 : i32 to index
      %get3A_1006 = arith.constant 64 : index
      %get3A_1007 = tpu.vector_load %arg5[%get3A_1005, %get3A_1006] {strides = array<i32>} : memref<64x256xf32, #tpu.memory_space<vmem>>, vector<16xf32>,
      %lt3A_1008 = arith.cmpf olt, %get3A_1007, %min3A_1003 : vector<16xf32>
      %min3A_1009 = arith.minimumf %min3A_1003, %get3A_1007 : vector<16xf32>
      %select_n3A_1010 = arith.select %lt3A_1008, %add3A_22, %select_n3A_1004 : vector<16xi1>, vector<16xi32>
      %get3A_1011 = arith.index_cast %add3A_983 : i32 to index
      %get3A_1012 = arith.constant 80 : index
      %get3A_1013 = tpu.vector_load %arg5[%get3A_1011, %get3A_1012] {strides = array<i32>} : memref<64x256xf32, #tpu.memory_space<vmem>>, vector<16xf32>,
      %lt3A_1014 = arith.cmpf olt, %get3A_1013, %min3A_1009 : vector<16xf32>
      %min3A_1015 = arith.minimumf %min3A_1009, %get3A_1013 : vector<16xf32>
      %select_n3A_1016 = arith.select %lt3A_1014, %add3A_25, %select_n3A_1010 : vector<16xi1>, vector<16xi32>
      %get3A_1017 = arith.index_cast %add3A_983 : i32 to index
      %get3A_1018 = arith.constant 96 : index
      %get3A_1019 = tpu.vector_load %arg5[%get3A_1017, %get3A_1018] {strides = array<i32>} : memref<64x256xf32, #tpu.memory_space<vmem>>, vector<16xf32>,
      %lt3A_1020 = arith.cmpf olt, %get3A_1019, %min3A_1015 : vector<16xf32>
      %min3A_1021 = arith.minimumf %min3A_1015, %get3A_1019 : vector<16xf32>
      %select_n3A_1022 = arith.select %lt3A_1020, %add3A_28, %select_n3A_1016 : vector<16xi1>, vector<16xi32>
      %get3A_1023 = arith.index_cast %add3A_983 : i32 to index
      %get3A_1024 = arith.constant 112 : index
      %get3A_1025 = tpu.vector_load %arg5[%get3A_1023, %get3A_1024] {strides = array<i32>} : memref<64x256xf32, #tpu.memory_space<vmem>>, vector<16xf32>,
      %lt3A_1026 = arith.cmpf olt, %get3A_1025, %min3A_1021 : vector<16xf32>
      %min3A_1027 = arith.minimumf %min3A_1021, %get3A_1025 : vector<16xf32>
      %select_n3A_1028 = arith.select %lt3A_1026, %add3A_31, %select_n3A_1022 : vector<16xi1>, vector<16xi32>
      %get3A_1029 = arith.index_cast %add3A_983 : i32 to index
      %get3A_1030 = arith.constant 128 : index
      %get3A_1031 = tpu.vector_load %arg5[%get3A_1029, %get3A_1030] {strides = array<i32>} : memref<64x256xf32, #tpu.memory_space<vmem>>, vector<16xf32>,
      %lt3A_1032 = arith.cmpf olt, %get3A_1031, %min3A_1027 : vector<16xf32>
      %min3A_1033 = arith.minimumf %min3A_1027, %get3A_1031 : vector<16xf32>
      %select_n3A_1034 = arith.select %lt3A_1032, %add3A_34, %select_n3A_1028 : vector<16xi1>, vector<16xi32>
      %get3A_1035 = arith.index_cast %add3A_983 : i32 to index
      %get3A_1036 = arith.constant 144 : index
      %get3A_1037 = tpu.vector_load %arg5[%get3A_1035, %get3A_1036] {strides = array<i32>} : memref<64x256xf32, #tpu.memory_space<vmem>>, vector<16xf32>,
      %lt3A_1038 = arith.cmpf olt, %get3A_1037, %min3A_1033 : vector<16xf32>
      %min3A_1039 = arith.minimumf %min3A_1033, %get3A_1037 : vector<16xf32>
      %select_n3A_1040 = arith.select %lt3A_1038, %add3A_37, %select_n3A_1034 : vector<16xi1>, vector<16xi32>
      %get3A_1041 = arith.index_cast %add3A_983 : i32 to index
      %get3A_1042 = arith.constant 160 : index
      %get3A_1043 = tpu.vector_load %arg5[%get3A_1041, %get3A_1042] {strides = array<i32>} : memref<64x256xf32, #tpu.memory_space<vmem>>, vector<16xf32>,
      %lt3A_1044 = arith.cmpf olt, %get3A_1043, %min3A_1039 : vector<16xf32>
      %min3A_1045 = arith.minimumf %min3A_1039, %get3A_1043 : vector<16xf32>
      %select_n3A_1046 = arith.select %lt3A_1044, %add3A_40, %select_n3A_1040 : vector<16xi1>, vector<16xi32>
      %get3A_1047 = arith.index_cast %add3A_983 : i32 to index
      %get3A_1048 = arith.constant 176 : index
      %get3A_1049 = tpu.vector_load %arg5[%get3A_1047, %get3A_1048] {strides = array<i32>} : memref<64x256xf32, #tpu.memory_space<vmem>>, vector<16xf32>,
      %lt3A_1050 = arith.cmpf olt, %get3A_1049, %min3A_1045 : vector<16xf32>
      %min3A_1051 = arith.minimumf %min3A_1045, %get3A_1049 : vector<16xf32>
      %select_n3A_1052 = arith.select %lt3A_1050, %add3A_43, %select_n3A_1046 : vector<16xi1>, vector<16xi32>
      %get3A_1053 = arith.index_cast %add3A_983 : i32 to index
      %get3A_1054 = arith.constant 192 : index
      %get3A_1055 = tpu.vector_load %arg5[%get3A_1053, %get3A_1054] {strides = array<i32>} : memref<64x256xf32, #tpu.memory_space<vmem>>, vector<16xf32>,
      %lt3A_1056 = arith.cmpf olt, %get3A_1055, %min3A_1051 : vector<16xf32>
      %min3A_1057 = arith.minimumf %min3A_1051, %get3A_1055 : vector<16xf32>
      %select_n3A_1058 = arith.select %lt3A_1056, %add3A_46, %select_n3A_1052 : vector<16xi1>, vector<16xi32>
      %get3A_1059 = arith.index_cast %add3A_983 : i32 to index
      %get3A_1060 = arith.constant 208 : index
      %get3A_1061 = tpu.vector_load %arg5[%get3A_1059, %get3A_1060] {strides = array<i32>} : memref<64x256xf32, #tpu.memory_space<vmem>>, vector<16xf32>,
      %lt3A_1062 = arith.cmpf olt, %get3A_1061, %min3A_1057 : vector<16xf32>
      %min3A_1063 = arith.minimumf %min3A_1057, %get3A_1061 : vector<16xf32>
      %select_n3A_1064 = arith.select %lt3A_1062, %add3A_49, %select_n3A_1058 : vector<16xi1>, vector<16xi32>
      %get3A_1065 = arith.index_cast %add3A_983 : i32 to index
      %get3A_1066 = arith.constant 224 : index
      %get3A_1067 = tpu.vector_load %arg5[%get3A_1065, %get3A_1066] {strides = array<i32>} : memref<64x256xf32, #tpu.memory_space<vmem>>, vector<16xf32>,
      %lt3A_1068 = arith.cmpf olt, %get3A_1067, %min3A_1063 : vector<16xf32>
      %min3A_1069 = arith.minimumf %min3A_1063, %get3A_1067 : vector<16xf32>
      %select_n3A_1070 = arith.select %lt3A_1068, %add3A_52, %select_n3A_1064 : vector<16xi1>, vector<16xi32>
      %get3A_1071 = arith.index_cast %add3A_983 : i32 to index
      %get3A_1072 = arith.constant 240 : index
      %get3A_1073 = tpu.vector_load %arg5[%get3A_1071, %get3A_1072] {strides = array<i32>} : memref<64x256xf32, #tpu.memory_space<vmem>>, vector<16xf32>,
      %lt3A_1074 = arith.cmpf olt, %get3A_1073, %min3A_1069 : vector<16xf32>
      %min3A_1075 = arith.minimumf %min3A_1069, %get3A_1073 : vector<16xf32>
      %select_n3A_1076 = arith.select %lt3A_1074, %add3A_55, %select_n3A_1070 : vector<16xi1>, vector<16xi32>
      %swap3A_1077 = arith.constant 153 : index
      %swap3A_1078 = tpu.vector_load %arg9[%swap3A_1077] {strides = array<i32>} : memref<272xf32, #tpu.memory_space<vmem>>, vector<16xf32>,
      tpu.vector_store %arg9[%swap3A_1077], %min3A_1075 {strides = array<i32>} : memref<272xf32, #tpu.memory_space<vmem>>, vector<16xf32>,
      %swap3A_1079 = arith.constant 153 : index
      %swap3A_1080 = tpu.vector_load %arg10[%swap3A_1079] {strides = array<i32>} : memref<272xi32, #tpu.memory_space<vmem>>, vector<16xi32>,
      tpu.vector_store %arg10[%swap3A_1079], %select_n3A_1076 {strides = array<i32>} : memref<272xi32, #tpu.memory_space<vmem>>, vector<16xi32>,
      %mul3A_1081 = arith.constant 16 : i32
      %mul3A_1082 = arith.muli %scan3A_75, %mul3A_1081 : i32
      %add3A_1083 = arith.constant 10 : i32
      %add3A_1084 = arith.addi %mul3A_1082, %add3A_1083 : i32
      %get3A_1085 = arith.index_cast %add3A_1084 : i32 to index
      %get3A_1086 = arith.constant 0 : index
      %get3A_1087 = tpu.vector_load %arg5[%get3A_1085, %get3A_1086] {strides = array<i32>} : memref<64x256xf32, #tpu.memory_space<vmem>>, vector<16xf32>,
      %get3A_1088 = arith.index_cast %add3A_1084 : i32 to index
      %get3A_1089 = arith.constant 16 : index
      %get3A_1090 = tpu.vector_load %arg5[%get3A_1088, %get3A_1089] {strides = array<i32>} : memref<64x256xf32, #tpu.memory_space<vmem>>, vector<16xf32>,
      %lt3A_1091 = arith.cmpf olt, %get3A_1090, %get3A_1087 : vector<16xf32>
      %min3A_1092 = arith.minimumf %get3A_1087, %get3A_1090 : vector<16xf32>
      %select_n3A_1093 = arith.select %lt3A_1091, %add3A_13, %add3A_10 : vector<16xi1>, vector<16xi32>
      %get3A_1094 = arith.index_cast %add3A_1084 : i32 to index
      %get3A_1095 = arith.constant 32 : index
      %get3A_1096 = tpu.vector_load %arg5[%get3A_1094, %get3A_1095] {strides = array<i32>} : memref<64x256xf32, #tpu.memory_space<vmem>>, vector<16xf32>,
      %lt3A_1097 = arith.cmpf olt, %get3A_1096, %min3A_1092 : vector<16xf32>
      %min3A_1098 = arith.minimumf %min3A_1092, %get3A_1096 : vector<16xf32>
      %select_n3A_1099 = arith.select %lt3A_1097, %add3A_16, %select_n3A_1093 : vector<16xi1>, vector<16xi32>
      %get3A_1100 = arith.index_cast %add3A_1084 : i32 to index
      %get3A_1101 = arith.constant 48 : index
      %get3A_1102 = tpu.vector_load %arg5[%get3A_1100, %get3A_1101] {strides = array<i32>} : memref<64x256xf32, #tpu.memory_space<vmem>>, vector<16xf32>,
      %lt3A_1103 = arith.cmpf olt, %get3A_1102, %min3A_1098 : vector<16xf32>
      %min3A_1104 = arith.minimumf %min3A_1098, %get3A_1102 : vector<16xf32>
      %select_n3A_1105 = arith.select %lt3A_1103, %add3A_19, %select_n3A_1099 : vector<16xi1>, vector<16xi32>
      %get3A_1106 = arith.index_cast %add3A_1084 : i32 to index
      %get3A_1107 = arith.constant 64 : index
      %get3A_1108 = tpu.vector_load %arg5[%get3A_1106, %get3A_1107] {strides = array<i32>} : memref<64x256xf32, #tpu.memory_space<vmem>>, vector<16xf32>,
      %lt3A_1109 = arith.cmpf olt, %get3A_1108, %min3A_1104 : vector<16xf32>
      %min3A_1110 = arith.minimumf %min3A_1104, %get3A_1108 : vector<16xf32>
      %select_n3A_1111 = arith.select %lt3A_1109, %add3A_22, %select_n3A_1105 : vector<16xi1>, vector<16xi32>
      %get3A_1112 = arith.index_cast %add3A_1084 : i32 to index
      %get3A_1113 = arith.constant 80 : index
      %get3A_1114 = tpu.vector_load %arg5[%get3A_1112, %get3A_1113] {strides = array<i32>} : memref<64x256xf32, #tpu.memory_space<vmem>>, vector<16xf32>,
      %lt3A_1115 = arith.cmpf olt, %get3A_1114, %min3A_1110 : vector<16xf32>
      %min3A_1116 = arith.minimumf %min3A_1110, %get3A_1114 : vector<16xf32>
      %select_n3A_1117 = arith.select %lt3A_1115, %add3A_25, %select_n3A_1111 : vector<16xi1>, vector<16xi32>
      %get3A_1118 = arith.index_cast %add3A_1084 : i32 to index
      %get3A_1119 = arith.constant 96 : index
      %get3A_1120 = tpu.vector_load %arg5[%get3A_1118, %get3A_1119] {strides = array<i32>} : memref<64x256xf32, #tpu.memory_space<vmem>>, vector<16xf32>,
      %lt3A_1121 = arith.cmpf olt, %get3A_1120, %min3A_1116 : vector<16xf32>
      %min3A_1122 = arith.minimumf %min3A_1116, %get3A_1120 : vector<16xf32>
      %select_n3A_1123 = arith.select %lt3A_1121, %add3A_28, %select_n3A_1117 : vector<16xi1>, vector<16xi32>
      %get3A_1124 = arith.index_cast %add3A_1084 : i32 to index
      %get3A_1125 = arith.constant 112 : index
      %get3A_1126 = tpu.vector_load %arg5[%get3A_1124, %get3A_1125] {strides = array<i32>} : memref<64x256xf32, #tpu.memory_space<vmem>>, vector<16xf32>,
      %lt3A_1127 = arith.cmpf olt, %get3A_1126, %min3A_1122 : vector<16xf32>
      %min3A_1128 = arith.minimumf %min3A_1122, %get3A_1126 : vector<16xf32>
      %select_n3A_1129 = arith.select %lt3A_1127, %add3A_31, %select_n3A_1123 : vector<16xi1>, vector<16xi32>
      %get3A_1130 = arith.index_cast %add3A_1084 : i32 to index
      %get3A_1131 = arith.constant 128 : index
      %get3A_1132 = tpu.vector_load %arg5[%get3A_1130, %get3A_1131] {strides = array<i32>} : memref<64x256xf32, #tpu.memory_space<vmem>>, vector<16xf32>,
      %lt3A_1133 = arith.cmpf olt, %get3A_1132, %min3A_1128 : vector<16xf32>
      %min3A_1134 = arith.minimumf %min3A_1128, %get3A_1132 : vector<16xf32>
      %select_n3A_1135 = arith.select %lt3A_1133, %add3A_34, %select_n3A_1129 : vector<16xi1>, vector<16xi32>
      %get3A_1136 = arith.index_cast %add3A_1084 : i32 to index
      %get3A_1137 = arith.constant 144 : index
      %get3A_1138 = tpu.vector_load %arg5[%get3A_1136, %get3A_1137] {strides = array<i32>} : memref<64x256xf32, #tpu.memory_space<vmem>>, vector<16xf32>,
      %lt3A_1139 = arith.cmpf olt, %get3A_1138, %min3A_1134 : vector<16xf32>
      %min3A_1140 = arith.minimumf %min3A_1134, %get3A_1138 : vector<16xf32>
      %select_n3A_1141 = arith.select %lt3A_1139, %add3A_37, %select_n3A_1135 : vector<16xi1>, vector<16xi32>
      %get3A_1142 = arith.index_cast %add3A_1084 : i32 to index
      %get3A_1143 = arith.constant 160 : index
      %get3A_1144 = tpu.vector_load %arg5[%get3A_1142, %get3A_1143] {strides = array<i32>} : memref<64x256xf32, #tpu.memory_space<vmem>>, vector<16xf32>,
      %lt3A_1145 = arith.cmpf olt, %get3A_1144, %min3A_1140 : vector<16xf32>
      %min3A_1146 = arith.minimumf %min3A_1140, %get3A_1144 : vector<16xf32>
      %select_n3A_1147 = arith.select %lt3A_1145, %add3A_40, %select_n3A_1141 : vector<16xi1>, vector<16xi32>
      %get3A_1148 = arith.index_cast %add3A_1084 : i32 to index
      %get3A_1149 = arith.constant 176 : index
      %get3A_1150 = tpu.vector_load %arg5[%get3A_1148, %get3A_1149] {strides = array<i32>} : memref<64x256xf32, #tpu.memory_space<vmem>>, vector<16xf32>,
      %lt3A_1151 = arith.cmpf olt, %get3A_1150, %min3A_1146 : vector<16xf32>
      %min3A_1152 = arith.minimumf %min3A_1146, %get3A_1150 : vector<16xf32>
      %select_n3A_1153 = arith.select %lt3A_1151, %add3A_43, %select_n3A_1147 : vector<16xi1>, vector<16xi32>
      %get3A_1154 = arith.index_cast %add3A_1084 : i32 to index
      %get3A_1155 = arith.constant 192 : index
      %get3A_1156 = tpu.vector_load %arg5[%get3A_1154, %get3A_1155] {strides = array<i32>} : memref<64x256xf32, #tpu.memory_space<vmem>>, vector<16xf32>,
      %lt3A_1157 = arith.cmpf olt, %get3A_1156, %min3A_1152 : vector<16xf32>
      %min3A_1158 = arith.minimumf %min3A_1152, %get3A_1156 : vector<16xf32>
      %select_n3A_1159 = arith.select %lt3A_1157, %add3A_46, %select_n3A_1153 : vector<16xi1>, vector<16xi32>
      %get3A_1160 = arith.index_cast %add3A_1084 : i32 to index
      %get3A_1161 = arith.constant 208 : index
      %get3A_1162 = tpu.vector_load %arg5[%get3A_1160, %get3A_1161] {strides = array<i32>} : memref<64x256xf32, #tpu.memory_space<vmem>>, vector<16xf32>,
      %lt3A_1163 = arith.cmpf olt, %get3A_1162, %min3A_1158 : vector<16xf32>
      %min3A_1164 = arith.minimumf %min3A_1158, %get3A_1162 : vector<16xf32>
      %select_n3A_1165 = arith.select %lt3A_1163, %add3A_49, %select_n3A_1159 : vector<16xi1>, vector<16xi32>
      %get3A_1166 = arith.index_cast %add3A_1084 : i32 to index
      %get3A_1167 = arith.constant 224 : index
      %get3A_1168 = tpu.vector_load %arg5[%get3A_1166, %get3A_1167] {strides = array<i32>} : memref<64x256xf32, #tpu.memory_space<vmem>>, vector<16xf32>,
      %lt3A_1169 = arith.cmpf olt, %get3A_1168, %min3A_1164 : vector<16xf32>
      %min3A_1170 = arith.minimumf %min3A_1164, %get3A_1168 : vector<16xf32>
      %select_n3A_1171 = arith.select %lt3A_1169, %add3A_52, %select_n3A_1165 : vector<16xi1>, vector<16xi32>
      %get3A_1172 = arith.index_cast %add3A_1084 : i32 to index
      %get3A_1173 = arith.constant 240 : index
      %get3A_1174 = tpu.vector_load %arg5[%get3A_1172, %get3A_1173] {strides = array<i32>} : memref<64x256xf32, #tpu.memory_space<vmem>>, vector<16xf32>,
      %lt3A_1175 = arith.cmpf olt, %get3A_1174, %min3A_1170 : vector<16xf32>
      %min3A_1176 = arith.minimumf %min3A_1170, %get3A_1174 : vector<16xf32>
      %select_n3A_1177 = arith.select %lt3A_1175, %add3A_55, %select_n3A_1171 : vector<16xi1>, vector<16xi32>
      %swap3A_1178 = arith.constant 170 : index
      %swap3A_1179 = tpu.vector_load %arg9[%swap3A_1178] {strides = array<i32>} : memref<272xf32, #tpu.memory_space<vmem>>, vector<16xf32>,
      tpu.vector_store %arg9[%swap3A_1178], %min3A_1176 {strides = array<i32>} : memref<272xf32, #tpu.memory_space<vmem>>, vector<16xf32>,
      %swap3A_1180 = arith.constant 170 : index
      %swap3A_1181 = tpu.vector_load %arg10[%swap3A_1180] {strides = array<i32>} : memref<272xi32, #tpu.memory_space<vmem>>, vector<16xi32>,
      tpu.vector_store %arg10[%swap3A_1180], %select_n3A_1177 {strides = array<i32>} : memref<272xi32, #tpu.memory_space<vmem>>, vector<16xi32>,
      %mul3A_1182 = arith.constant 16 : i32
      %mul3A_1183 = arith.muli %scan3A_75, %mul3A_1182 : i32
      %add3A_1184 = arith.constant 11 : i32
      %add3A_1185 = arith.addi %mul3A_1183, %add3A_1184 : i32
      %get3A_1186 = arith.index_cast %add3A_1185 : i32 to index
      %get3A_1187 = arith.constant 0 : index
      %get3A_1188 = tpu.vector_load %arg5[%get3A_1186, %get3A_1187] {strides = array<i32>} : memref<64x256xf32, #tpu.memory_space<vmem>>, vector<16xf32>,
      %get3A_1189 = arith.index_cast %add3A_1185 : i32 to index
      %get3A_1190 = arith.constant 16 : index
      %get3A_1191 = tpu.vector_load %arg5[%get3A_1189, %get3A_1190] {strides = array<i32>} : memref<64x256xf32, #tpu.memory_space<vmem>>, vector<16xf32>,
      %lt3A_1192 = arith.cmpf olt, %get3A_1191, %get3A_1188 : vector<16xf32>
      %min3A_1193 = arith.minimumf %get3A_1188, %get3A_1191 : vector<16xf32>
      %select_n3A_1194 = arith.select %lt3A_1192, %add3A_13, %add3A_10 : vector<16xi1>, vector<16xi32>
      %get3A_1195 = arith.index_cast %add3A_1185 : i32 to index
      %get3A_1196 = arith.constant 32 : index
      %get3A_1197 = tpu.vector_load %arg5[%get3A_1195, %get3A_1196] {strides = array<i32>} : memref<64x256xf32, #tpu.memory_space<vmem>>, vector<16xf32>,
      %lt3A_1198 = arith.cmpf olt, %get3A_1197, %min3A_1193 : vector<16xf32>
      %min3A_1199 = arith.minimumf %min3A_1193, %get3A_1197 : vector<16xf32>
      %select_n3A_1200 = arith.select %lt3A_1198, %add3A_16, %select_n3A_1194 : vector<16xi1>, vector<16xi32>
      %get3A_1201 = arith.index_cast %add3A_1185 : i32 to index
      %get3A_1202 = arith.constant 48 : index
      %get3A_1203 = tpu.vector_load %arg5[%get3A_1201, %get3A_1202] {strides = array<i32>} : memref<64x256xf32, #tpu.memory_space<vmem>>, vector<16xf32>,
      %lt3A_1204 = arith.cmpf olt, %get3A_1203, %min3A_1199 : vector<16xf32>
      %min3A_1205 = arith.minimumf %min3A_1199, %get3A_1203 : vector<16xf32>
      %select_n3A_1206 = arith.select %lt3A_1204, %add3A_19, %select_n3A_1200 : vector<16xi1>, vector<16xi32>
      %get3A_1207 = arith.index_cast %add3A_1185 : i32 to index
      %get3A_1208 = arith.constant 64 : index
      %get3A_1209 = tpu.vector_load %arg5[%get3A_1207, %get3A_1208] {strides = array<i32>} : memref<64x256xf32, #tpu.memory_space<vmem>>, vector<16xf32>,
      %lt3A_1210 = arith.cmpf olt, %get3A_1209, %min3A_1205 : vector<16xf32>
      %min3A_1211 = arith.minimumf %min3A_1205, %get3A_1209 : vector<16xf32>
      %select_n3A_1212 = arith.select %lt3A_1210, %add3A_22, %select_n3A_1206 : vector<16xi1>, vector<16xi32>
      %get3A_1213 = arith.index_cast %add3A_1185 : i32 to index
      %get3A_1214 = arith.constant 80 : index
      %get3A_1215 = tpu.vector_load %arg5[%get3A_1213, %get3A_1214] {strides = array<i32>} : memref<64x256xf32, #tpu.memory_space<vmem>>, vector<16xf32>,
      %lt3A_1216 = arith.cmpf olt, %get3A_1215, %min3A_1211 : vector<16xf32>
      %min3A_1217 = arith.minimumf %min3A_1211, %get3A_1215 : vector<16xf32>
      %select_n3A_1218 = arith.select %lt3A_1216, %add3A_25, %select_n3A_1212 : vector<16xi1>, vector<16xi32>
      %get3A_1219 = arith.index_cast %add3A_1185 : i32 to index
      %get3A_1220 = arith.constant 96 : index
      %get3A_1221 = tpu.vector_load %arg5[%get3A_1219, %get3A_1220] {strides = array<i32>} : memref<64x256xf32, #tpu.memory_space<vmem>>, vector<16xf32>,
      %lt3A_1222 = arith.cmpf olt, %get3A_1221, %min3A_1217 : vector<16xf32>
      %min3A_1223 = arith.minimumf %min3A_1217, %get3A_1221 : vector<16xf32>
      %select_n3A_1224 = arith.select %lt3A_1222, %add3A_28, %select_n3A_1218 : vector<16xi1>, vector<16xi32>
      %get3A_1225 = arith.index_cast %add3A_1185 : i32 to index
      %get3A_1226 = arith.constant 112 : index
      %get3A_1227 = tpu.vector_load %arg5[%get3A_1225, %get3A_1226] {strides = array<i32>} : memref<64x256xf32, #tpu.memory_space<vmem>>, vector<16xf32>,
      %lt3A_1228 = arith.cmpf olt, %get3A_1227, %min3A_1223 : vector<16xf32>
      %min3A_1229 = arith.minimumf %min3A_1223, %get3A_1227 : vector<16xf32>
      %select_n3A_1230 = arith.select %lt3A_1228, %add3A_31, %select_n3A_1224 : vector<16xi1>, vector<16xi32>
      %get3A_1231 = arith.index_cast %add3A_1185 : i32 to index
      %get3A_1232 = arith.constant 128 : index
      %get3A_1233 = tpu.vector_load %arg5[%get3A_1231, %get3A_1232] {strides = array<i32>} : memref<64x256xf32, #tpu.memory_space<vmem>>, vector<16xf32>,
      %lt3A_1234 = arith.cmpf olt, %get3A_1233, %min3A_1229 : vector<16xf32>
      %min3A_1235 = arith.minimumf %min3A_1229, %get3A_1233 : vector<16xf32>
      %select_n3A_1236 = arith.select %lt3A_1234, %add3A_34, %select_n3A_1230 : vector<16xi1>, vector<16xi32>
      %get3A_1237 = arith.index_cast %add3A_1185 : i32 to index
      %get3A_1238 = arith.constant 144 : index
      %get3A_1239 = tpu.vector_load %arg5[%get3A_1237, %get3A_1238] {strides = array<i32>} : memref<64x256xf32, #tpu.memory_space<vmem>>, vector<16xf32>,
      %lt3A_1240 = arith.cmpf olt, %get3A_1239, %min3A_1235 : vector<16xf32>
      %min3A_1241 = arith.minimumf %min3A_1235, %get3A_1239 : vector<16xf32>
      %select_n3A_1242 = arith.select %lt3A_1240, %add3A_37, %select_n3A_1236 : vector<16xi1>, vector<16xi32>
      %get3A_1243 = arith.index_cast %add3A_1185 : i32 to index
      %get3A_1244 = arith.constant 160 : index
      %get3A_1245 = tpu.vector_load %arg5[%get3A_1243, %get3A_1244] {strides = array<i32>} : memref<64x256xf32, #tpu.memory_space<vmem>>, vector<16xf32>,
      %lt3A_1246 = arith.cmpf olt, %get3A_1245, %min3A_1241 : vector<16xf32>
      %min3A_1247 = arith.minimumf %min3A_1241, %get3A_1245 : vector<16xf32>
      %select_n3A_1248 = arith.select %lt3A_1246, %add3A_40, %select_n3A_1242 : vector<16xi1>, vector<16xi32>
      %get3A_1249 = arith.index_cast %add3A_1185 : i32 to index
      %get3A_1250 = arith.constant 176 : index
      %get3A_1251 = tpu.vector_load %arg5[%get3A_1249, %get3A_1250] {strides = array<i32>} : memref<64x256xf32, #tpu.memory_space<vmem>>, vector<16xf32>,
      %lt3A_1252 = arith.cmpf olt, %get3A_1251, %min3A_1247 : vector<16xf32>
      %min3A_1253 = arith.minimumf %min3A_1247, %get3A_1251 : vector<16xf32>
      %select_n3A_1254 = arith.select %lt3A_1252, %add3A_43, %select_n3A_1248 : vector<16xi1>, vector<16xi32>
      %get3A_1255 = arith.index_cast %add3A_1185 : i32 to index
      %get3A_1256 = arith.constant 192 : index
      %get3A_1257 = tpu.vector_load %arg5[%get3A_1255, %get3A_1256] {strides = array<i32>} : memref<64x256xf32, #tpu.memory_space<vmem>>, vector<16xf32>,
      %lt3A_1258 = arith.cmpf olt, %get3A_1257, %min3A_1253 : vector<16xf32>
      %min3A_1259 = arith.minimumf %min3A_1253, %get3A_1257 : vector<16xf32>
      %select_n3A_1260 = arith.select %lt3A_1258, %add3A_46, %select_n3A_1254 : vector<16xi1>, vector<16xi32>
      %get3A_1261 = arith.index_cast %add3A_1185 : i32 to index
      %get3A_1262 = arith.constant 208 : index
      %get3A_1263 = tpu.vector_load %arg5[%get3A_1261, %get3A_1262] {strides = array<i32>} : memref<64x256xf32, #tpu.memory_space<vmem>>, vector<16xf32>,
      %lt3A_1264 = arith.cmpf olt, %get3A_1263, %min3A_1259 : vector<16xf32>
      %min3A_1265 = arith.minimumf %min3A_1259, %get3A_1263 : vector<16xf32>
      %select_n3A_1266 = arith.select %lt3A_1264, %add3A_49, %select_n3A_1260 : vector<16xi1>, vector<16xi32>
      %get3A_1267 = arith.index_cast %add3A_1185 : i32 to index
      %get3A_1268 = arith.constant 224 : index
      %get3A_1269 = tpu.vector_load %arg5[%get3A_1267, %get3A_1268] {strides = array<i32>} : memref<64x256xf32, #tpu.memory_space<vmem>>, vector<16xf32>,
      %lt3A_1270 = arith.cmpf olt, %get3A_1269, %min3A_1265 : vector<16xf32>
      %min3A_1271 = arith.minimumf %min3A_1265, %get3A_1269 : vector<16xf32>
      %select_n3A_1272 = arith.select %lt3A_1270, %add3A_52, %select_n3A_1266 : vector<16xi1>, vector<16xi32>
      %get3A_1273 = arith.index_cast %add3A_1185 : i32 to index
      %get3A_1274 = arith.constant 240 : index
      %get3A_1275 = tpu.vector_load %arg5[%get3A_1273, %get3A_1274] {strides = array<i32>} : memref<64x256xf32, #tpu.memory_space<vmem>>, vector<16xf32>,
      %lt3A_1276 = arith.cmpf olt, %get3A_1275, %min3A_1271 : vector<16xf32>
      %min3A_1277 = arith.minimumf %min3A_1271, %get3A_1275 : vector<16xf32>
      %select_n3A_1278 = arith.select %lt3A_1276, %add3A_55, %select_n3A_1272 : vector<16xi1>, vector<16xi32>
      %swap3A_1279 = arith.constant 187 : index
      %swap3A_1280 = tpu.vector_load %arg9[%swap3A_1279] {strides = array<i32>} : memref<272xf32, #tpu.memory_space<vmem>>, vector<16xf32>,
      tpu.vector_store %arg9[%swap3A_1279], %min3A_1277 {strides = array<i32>} : memref<272xf32, #tpu.memory_space<vmem>>, vector<16xf32>,
      %swap3A_1281 = arith.constant 187 : index
      %swap3A_1282 = tpu.vector_load %arg10[%swap3A_1281] {strides = array<i32>} : memref<272xi32, #tpu.memory_space<vmem>>, vector<16xi32>,
      tpu.vector_store %arg10[%swap3A_1281], %select_n3A_1278 {strides = array<i32>} : memref<272xi32, #tpu.memory_space<vmem>>, vector<16xi32>,
      %mul3A_1283 = arith.constant 16 : i32
      %mul3A_1284 = arith.muli %scan3A_75, %mul3A_1283 : i32
      %add3A_1285 = arith.constant 12 : i32
      %add3A_1286 = arith.addi %mul3A_1284, %add3A_1285 : i32
      %get3A_1287 = arith.index_cast %add3A_1286 : i32 to index
      %get3A_1288 = arith.constant 0 : index
      %get3A_1289 = tpu.vector_load %arg5[%get3A_1287, %get3A_1288] {strides = array<i32>} : memref<64x256xf32, #tpu.memory_space<vmem>>, vector<16xf32>,
      %get3A_1290 = arith.index_cast %add3A_1286 : i32 to index
      %get3A_1291 = arith.constant 16 : index
      %get3A_1292 = tpu.vector_load %arg5[%get3A_1290, %get3A_1291] {strides = array<i32>} : memref<64x256xf32, #tpu.memory_space<vmem>>, vector<16xf32>,
      %lt3A_1293 = arith.cmpf olt, %get3A_1292, %get3A_1289 : vector<16xf32>
      %min3A_1294 = arith.minimumf %get3A_1289, %get3A_1292 : vector<16xf32>
      %select_n3A_1295 = arith.select %lt3A_1293, %add3A_13, %add3A_10 : vector<16xi1>, vector<16xi32>
      %get3A_1296 = arith.index_cast %add3A_1286 : i32 to index
      %get3A_1297 = arith.constant 32 : index
      %get3A_1298 = tpu.vector_load %arg5[%get3A_1296, %get3A_1297] {strides = array<i32>} : memref<64x256xf32, #tpu.memory_space<vmem>>, vector<16xf32>,
      %lt3A_1299 = arith.cmpf olt, %get3A_1298, %min3A_1294 : vector<16xf32>
      %min3A_1300 = arith.minimumf %min3A_1294, %get3A_1298 : vector<16xf32>
      %select_n3A_1301 = arith.select %lt3A_1299, %add3A_16, %select_n3A_1295 : vector<16xi1>, vector<16xi32>
      %get3A_1302 = arith.index_cast %add3A_1286 : i32 to index
      %get3A_1303 = arith.constant 48 : index
      %get3A_1304 = tpu.vector_load %arg5[%get3A_1302, %get3A_1303] {strides = array<i32>} : memref<64x256xf32, #tpu.memory_space<vmem>>, vector<16xf32>,
      %lt3A_1305 = arith.cmpf olt, %get3A_1304, %min3A_1300 : vector<16xf32>
      %min3A_1306 = arith.minimumf %min3A_1300, %get3A_1304 : vector<16xf32>
      %select_n3A_1307 = arith.select %lt3A_1305, %add3A_19, %select_n3A_1301 : vector<16xi1>, vector<16xi32>
      %get3A_1308 = arith.index_cast %add3A_1286 : i32 to index
      %get3A_1309 = arith.constant 64 : index
      %get3A_1310 = tpu.vector_load %arg5[%get3A_1308, %get3A_1309] {strides = array<i32>} : memref<64x256xf32, #tpu.memory_space<vmem>>, vector<16xf32>,
      %lt3A_1311 = arith.cmpf olt, %get3A_1310, %min3A_1306 : vector<16xf32>
      %min3A_1312 = arith.minimumf %min3A_1306, %get3A_1310 : vector<16xf32>
      %select_n3A_1313 = arith.select %lt3A_1311, %add3A_22, %select_n3A_1307 : vector<16xi1>, vector<16xi32>
      %get3A_1314 = arith.index_cast %add3A_1286 : i32 to index
      %get3A_1315 = arith.constant 80 : index
      %get3A_1316 = tpu.vector_load %arg5[%get3A_1314, %get3A_1315] {strides = array<i32>} : memref<64x256xf32, #tpu.memory_space<vmem>>, vector<16xf32>,
      %lt3A_1317 = arith.cmpf olt, %get3A_1316, %min3A_1312 : vector<16xf32>
      %min3A_1318 = arith.minimumf %min3A_1312, %get3A_1316 : vector<16xf32>
      %select_n3A_1319 = arith.select %lt3A_1317, %add3A_25, %select_n3A_1313 : vector<16xi1>, vector<16xi32>
      %get3A_1320 = arith.index_cast %add3A_1286 : i32 to index
      %get3A_1321 = arith.constant 96 : index
      %get3A_1322 = tpu.vector_load %arg5[%get3A_1320, %get3A_1321] {strides = array<i32>} : memref<64x256xf32, #tpu.memory_space<vmem>>, vector<16xf32>,
      %lt3A_1323 = arith.cmpf olt, %get3A_1322, %min3A_1318 : vector<16xf32>
      %min3A_1324 = arith.minimumf %min3A_1318, %get3A_1322 : vector<16xf32>
      %select_n3A_1325 = arith.select %lt3A_1323, %add3A_28, %select_n3A_1319 : vector<16xi1>, vector<16xi32>
      %get3A_1326 = arith.index_cast %add3A_1286 : i32 to index
      %get3A_1327 = arith.constant 112 : index
      %get3A_1328 = tpu.vector_load %arg5[%get3A_1326, %get3A_1327] {strides = array<i32>} : memref<64x256xf32, #tpu.memory_space<vmem>>, vector<16xf32>,
      %lt3A_1329 = arith.cmpf olt, %get3A_1328, %min3A_1324 : vector<16xf32>
      %min3A_1330 = arith.minimumf %min3A_1324, %get3A_1328 : vector<16xf32>
      %select_n3A_1331 = arith.select %lt3A_1329, %add3A_31, %select_n3A_1325 : vector<16xi1>, vector<16xi32>
      %get3A_1332 = arith.index_cast %add3A_1286 : i32 to index
      %get3A_1333 = arith.constant 128 : index
      %get3A_1334 = tpu.vector_load %arg5[%get3A_1332, %get3A_1333] {strides = array<i32>} : memref<64x256xf32, #tpu.memory_space<vmem>>, vector<16xf32>,
      %lt3A_1335 = arith.cmpf olt, %get3A_1334, %min3A_1330 : vector<16xf32>
      %min3A_1336 = arith.minimumf %min3A_1330, %get3A_1334 : vector<16xf32>
      %select_n3A_1337 = arith.select %lt3A_1335, %add3A_34, %select_n3A_1331 : vector<16xi1>, vector<16xi32>
      %get3A_1338 = arith.index_cast %add3A_1286 : i32 to index
      %get3A_1339 = arith.constant 144 : index
      %get3A_1340 = tpu.vector_load %arg5[%get3A_1338, %get3A_1339] {strides = array<i32>} : memref<64x256xf32, #tpu.memory_space<vmem>>, vector<16xf32>,
      %lt3A_1341 = arith.cmpf olt, %get3A_1340, %min3A_1336 : vector<16xf32>
      %min3A_1342 = arith.minimumf %min3A_1336, %get3A_1340 : vector<16xf32>
      %select_n3A_1343 = arith.select %lt3A_1341, %add3A_37, %select_n3A_1337 : vector<16xi1>, vector<16xi32>
      %get3A_1344 = arith.index_cast %add3A_1286 : i32 to index
      %get3A_1345 = arith.constant 160 : index
      %get3A_1346 = tpu.vector_load %arg5[%get3A_1344, %get3A_1345] {strides = array<i32>} : memref<64x256xf32, #tpu.memory_space<vmem>>, vector<16xf32>,
      %lt3A_1347 = arith.cmpf olt, %get3A_1346, %min3A_1342 : vector<16xf32>
      %min3A_1348 = arith.minimumf %min3A_1342, %get3A_1346 : vector<16xf32>
      %select_n3A_1349 = arith.select %lt3A_1347, %add3A_40, %select_n3A_1343 : vector<16xi1>, vector<16xi32>
      %get3A_1350 = arith.index_cast %add3A_1286 : i32 to index
      %get3A_1351 = arith.constant 176 : index
      %get3A_1352 = tpu.vector_load %arg5[%get3A_1350, %get3A_1351] {strides = array<i32>} : memref<64x256xf32, #tpu.memory_space<vmem>>, vector<16xf32>,
      %lt3A_1353 = arith.cmpf olt, %get3A_1352, %min3A_1348 : vector<16xf32>
      %min3A_1354 = arith.minimumf %min3A_1348, %get3A_1352 : vector<16xf32>
      %select_n3A_1355 = arith.select %lt3A_1353, %add3A_43, %select_n3A_1349 : vector<16xi1>, vector<16xi32>
      %get3A_1356 = arith.index_cast %add3A_1286 : i32 to index
      %get3A_1357 = arith.constant 192 : index
      %get3A_1358 = tpu.vector_load %arg5[%get3A_1356, %get3A_1357] {strides = array<i32>} : memref<64x256xf32, #tpu.memory_space<vmem>>, vector<16xf32>,
      %lt3A_1359 = arith.cmpf olt, %get3A_1358, %min3A_1354 : vector<16xf32>
      %min3A_1360 = arith.minimumf %min3A_1354, %get3A_1358 : vector<16xf32>
      %select_n3A_1361 = arith.select %lt3A_1359, %add3A_46, %select_n3A_1355 : vector<16xi1>, vector<16xi32>
      %get3A_1362 = arith.index_cast %add3A_1286 : i32 to index
      %get3A_1363 = arith.constant 208 : index
      %get3A_1364 = tpu.vector_load %arg5[%get3A_1362, %get3A_1363] {strides = array<i32>} : memref<64x256xf32, #tpu.memory_space<vmem>>, vector<16xf32>,
      %lt3A_1365 = arith.cmpf olt, %get3A_1364, %min3A_1360 : vector<16xf32>
      %min3A_1366 = arith.minimumf %min3A_1360, %get3A_1364 : vector<16xf32>
      %select_n3A_1367 = arith.select %lt3A_1365, %add3A_49, %select_n3A_1361 : vector<16xi1>, vector<16xi32>
      %get3A_1368 = arith.index_cast %add3A_1286 : i32 to index
      %get3A_1369 = arith.constant 224 : index
      %get3A_1370 = tpu.vector_load %arg5[%get3A_1368, %get3A_1369] {strides = array<i32>} : memref<64x256xf32, #tpu.memory_space<vmem>>, vector<16xf32>,
      %lt3A_1371 = arith.cmpf olt, %get3A_1370, %min3A_1366 : vector<16xf32>
      %min3A_1372 = arith.minimumf %min3A_1366, %get3A_1370 : vector<16xf32>
      %select_n3A_1373 = arith.select %lt3A_1371, %add3A_52, %select_n3A_1367 : vector<16xi1>, vector<16xi32>
      %get3A_1374 = arith.index_cast %add3A_1286 : i32 to index
      %get3A_1375 = arith.constant 240 : index
      %get3A_1376 = tpu.vector_load %arg5[%get3A_1374, %get3A_1375] {strides = array<i32>} : memref<64x256xf32, #tpu.memory_space<vmem>>, vector<16xf32>,
      %lt3A_1377 = arith.cmpf olt, %get3A_1376, %min3A_1372 : vector<16xf32>
      %min3A_1378 = arith.minimumf %min3A_1372, %get3A_1376 : vector<16xf32>
      %select_n3A_1379 = arith.select %lt3A_1377, %add3A_55, %select_n3A_1373 : vector<16xi1>, vector<16xi32>
      %swap3A_1380 = arith.constant 204 : index
      %swap3A_1381 = tpu.vector_load %arg9[%swap3A_1380] {strides = array<i32>} : memref<272xf32, #tpu.memory_space<vmem>>, vector<16xf32>,
      tpu.vector_store %arg9[%swap3A_1380], %min3A_1378 {strides = array<i32>} : memref<272xf32, #tpu.memory_space<vmem>>, vector<16xf32>,
      %swap3A_1382 = arith.constant 204 : index
      %swap3A_1383 = tpu.vector_load %arg10[%swap3A_1382] {strides = array<i32>} : memref<272xi32, #tpu.memory_space<vmem>>, vector<16xi32>,
      tpu.vector_store %arg10[%swap3A_1382], %select_n3A_1379 {strides = array<i32>} : memref<272xi32, #tpu.memory_space<vmem>>, vector<16xi32>,
      %mul3A_1384 = arith.constant 16 : i32
      %mul3A_1385 = arith.muli %scan3A_75, %mul3A_1384 : i32
      %add3A_1386 = arith.constant 13 : i32
      %add3A_1387 = arith.addi %mul3A_1385, %add3A_1386 : i32
      %get3A_1388 = arith.index_cast %add3A_1387 : i32 to index
      %get3A_1389 = arith.constant 0 : index
      %get3A_1390 = tpu.vector_load %arg5[%get3A_1388, %get3A_1389] {strides = array<i32>} : memref<64x256xf32, #tpu.memory_space<vmem>>, vector<16xf32>,
      %get3A_1391 = arith.index_cast %add3A_1387 : i32 to index
      %get3A_1392 = arith.constant 16 : index
      %get3A_1393 = tpu.vector_load %arg5[%get3A_1391, %get3A_1392] {strides = array<i32>} : memref<64x256xf32, #tpu.memory_space<vmem>>, vector<16xf32>,
      %lt3A_1394 = arith.cmpf olt, %get3A_1393, %get3A_1390 : vector<16xf32>
      %min3A_1395 = arith.minimumf %get3A_1390, %get3A_1393 : vector<16xf32>
      %select_n3A_1396 = arith.select %lt3A_1394, %add3A_13, %add3A_10 : vector<16xi1>, vector<16xi32>
      %get3A_1397 = arith.index_cast %add3A_1387 : i32 to index
      %get3A_1398 = arith.constant 32 : index
      %get3A_1399 = tpu.vector_load %arg5[%get3A_1397, %get3A_1398] {strides = array<i32>} : memref<64x256xf32, #tpu.memory_space<vmem>>, vector<16xf32>,
      %lt3A_1400 = arith.cmpf olt, %get3A_1399, %min3A_1395 : vector<16xf32>
      %min3A_1401 = arith.minimumf %min3A_1395, %get3A_1399 : vector<16xf32>
      %select_n3A_1402 = arith.select %lt3A_1400, %add3A_16, %select_n3A_1396 : vector<16xi1>, vector<16xi32>
      %get3A_1403 = arith.index_cast %add3A_1387 : i32 to index
      %get3A_1404 = arith.constant 48 : index
      %get3A_1405 = tpu.vector_load %arg5[%get3A_1403, %get3A_1404] {strides = array<i32>} : memref<64x256xf32, #tpu.memory_space<vmem>>, vector<16xf32>,
      %lt3A_1406 = arith.cmpf olt, %get3A_1405, %min3A_1401 : vector<16xf32>
      %min3A_1407 = arith.minimumf %min3A_1401, %get3A_1405 : vector<16xf32>
      %select_n3A_1408 = arith.select %lt3A_1406, %add3A_19, %select_n3A_1402 : vector<16xi1>, vector<16xi32>
      %get3A_1409 = arith.index_cast %add3A_1387 : i32 to index
      %get3A_1410 = arith.constant 64 : index
      %get3A_1411 = tpu.vector_load %arg5[%get3A_1409, %get3A_1410] {strides = array<i32>} : memref<64x256xf32, #tpu.memory_space<vmem>>, vector<16xf32>,
      %lt3A_1412 = arith.cmpf olt, %get3A_1411, %min3A_1407 : vector<16xf32>
      %min3A_1413 = arith.minimumf %min3A_1407, %get3A_1411 : vector<16xf32>
      %select_n3A_1414 = arith.select %lt3A_1412, %add3A_22, %select_n3A_1408 : vector<16xi1>, vector<16xi32>
      %get3A_1415 = arith.index_cast %add3A_1387 : i32 to index
      %get3A_1416 = arith.constant 80 : index
      %get3A_1417 = tpu.vector_load %arg5[%get3A_1415, %get3A_1416] {strides = array<i32>} : memref<64x256xf32, #tpu.memory_space<vmem>>, vector<16xf32>,
      %lt3A_1418 = arith.cmpf olt, %get3A_1417, %min3A_1413 : vector<16xf32>
      %min3A_1419 = arith.minimumf %min3A_1413, %get3A_1417 : vector<16xf32>
      %select_n3A_1420 = arith.select %lt3A_1418, %add3A_25, %select_n3A_1414 : vector<16xi1>, vector<16xi32>
      %get3A_1421 = arith.index_cast %add3A_1387 : i32 to index
      %get3A_1422 = arith.constant 96 : index
      %get3A_1423 = tpu.vector_load %arg5[%get3A_1421, %get3A_1422] {strides = array<i32>} : memref<64x256xf32, #tpu.memory_space<vmem>>, vector<16xf32>,
      %lt3A_1424 = arith.cmpf olt, %get3A_1423, %min3A_1419 : vector<16xf32>
      %min3A_1425 = arith.minimumf %min3A_1419, %get3A_1423 : vector<16xf32>
      %select_n3A_1426 = arith.select %lt3A_1424, %add3A_28, %select_n3A_1420 : vector<16xi1>, vector<16xi32>
      %get3A_1427 = arith.index_cast %add3A_1387 : i32 to index
      %get3A_1428 = arith.constant 112 : index
      %get3A_1429 = tpu.vector_load %arg5[%get3A_1427, %get3A_1428] {strides = array<i32>} : memref<64x256xf32, #tpu.memory_space<vmem>>, vector<16xf32>,
      %lt3A_1430 = arith.cmpf olt, %get3A_1429, %min3A_1425 : vector<16xf32>
      %min3A_1431 = arith.minimumf %min3A_1425, %get3A_1429 : vector<16xf32>
      %select_n3A_1432 = arith.select %lt3A_1430, %add3A_31, %select_n3A_1426 : vector<16xi1>, vector<16xi32>
      %get3A_1433 = arith.index_cast %add3A_1387 : i32 to index
      %get3A_1434 = arith.constant 128 : index
      %get3A_1435 = tpu.vector_load %arg5[%get3A_1433, %get3A_1434] {strides = array<i32>} : memref<64x256xf32, #tpu.memory_space<vmem>>, vector<16xf32>,
      %lt3A_1436 = arith.cmpf olt, %get3A_1435, %min3A_1431 : vector<16xf32>
      %min3A_1437 = arith.minimumf %min3A_1431, %get3A_1435 : vector<16xf32>
      %select_n3A_1438 = arith.select %lt3A_1436, %add3A_34, %select_n3A_1432 : vector<16xi1>, vector<16xi32>
      %get3A_1439 = arith.index_cast %add3A_1387 : i32 to index
      %get3A_1440 = arith.constant 144 : index
      %get3A_1441 = tpu.vector_load %arg5[%get3A_1439, %get3A_1440] {strides = array<i32>} : memref<64x256xf32, #tpu.memory_space<vmem>>, vector<16xf32>,
      %lt3A_1442 = arith.cmpf olt, %get3A_1441, %min3A_1437 : vector<16xf32>
      %min3A_1443 = arith.minimumf %min3A_1437, %get3A_1441 : vector<16xf32>
      %select_n3A_1444 = arith.select %lt3A_1442, %add3A_37, %select_n3A_1438 : vector<16xi1>, vector<16xi32>
      %get3A_1445 = arith.index_cast %add3A_1387 : i32 to index
      %get3A_1446 = arith.constant 160 : index
      %get3A_1447 = tpu.vector_load %arg5[%get3A_1445, %get3A_1446] {strides = array<i32>} : memref<64x256xf32, #tpu.memory_space<vmem>>, vector<16xf32>,
      %lt3A_1448 = arith.cmpf olt, %get3A_1447, %min3A_1443 : vector<16xf32>
      %min3A_1449 = arith.minimumf %min3A_1443, %get3A_1447 : vector<16xf32>
      %select_n3A_1450 = arith.select %lt3A_1448, %add3A_40, %select_n3A_1444 : vector<16xi1>, vector<16xi32>
      %get3A_1451 = arith.index_cast %add3A_1387 : i32 to index
      %get3A_1452 = arith.constant 176 : index
      %get3A_1453 = tpu.vector_load %arg5[%get3A_1451, %get3A_1452] {strides = array<i32>} : memref<64x256xf32, #tpu.memory_space<vmem>>, vector<16xf32>,
      %lt3A_1454 = arith.cmpf olt, %get3A_1453, %min3A_1449 : vector<16xf32>
      %min3A_1455 = arith.minimumf %min3A_1449, %get3A_1453 : vector<16xf32>
      %select_n3A_1456 = arith.select %lt3A_1454, %add3A_43, %select_n3A_1450 : vector<16xi1>, vector<16xi32>
      %get3A_1457 = arith.index_cast %add3A_1387 : i32 to index
      %get3A_1458 = arith.constant 192 : index
      %get3A_1459 = tpu.vector_load %arg5[%get3A_1457, %get3A_1458] {strides = array<i32>} : memref<64x256xf32, #tpu.memory_space<vmem>>, vector<16xf32>,
      %lt3A_1460 = arith.cmpf olt, %get3A_1459, %min3A_1455 : vector<16xf32>
      %min3A_1461 = arith.minimumf %min3A_1455, %get3A_1459 : vector<16xf32>
      %select_n3A_1462 = arith.select %lt3A_1460, %add3A_46, %select_n3A_1456 : vector<16xi1>, vector<16xi32>
      %get3A_1463 = arith.index_cast %add3A_1387 : i32 to index
      %get3A_1464 = arith.constant 208 : index
      %get3A_1465 = tpu.vector_load %arg5[%get3A_1463, %get3A_1464] {strides = array<i32>} : memref<64x256xf32, #tpu.memory_space<vmem>>, vector<16xf32>,
      %lt3A_1466 = arith.cmpf olt, %get3A_1465, %min3A_1461 : vector<16xf32>
      %min3A_1467 = arith.minimumf %min3A_1461, %get3A_1465 : vector<16xf32>
      %select_n3A_1468 = arith.select %lt3A_1466, %add3A_49, %select_n3A_1462 : vector<16xi1>, vector<16xi32>
      %get3A_1469 = arith.index_cast %add3A_1387 : i32 to index
      %get3A_1470 = arith.constant 224 : index
      %get3A_1471 = tpu.vector_load %arg5[%get3A_1469, %get3A_1470] {strides = array<i32>} : memref<64x256xf32, #tpu.memory_space<vmem>>, vector<16xf32>,
      %lt3A_1472 = arith.cmpf olt, %get3A_1471, %min3A_1467 : vector<16xf32>
      %min3A_1473 = arith.minimumf %min3A_1467, %get3A_1471 : vector<16xf32>
      %select_n3A_1474 = arith.select %lt3A_1472, %add3A_52, %select_n3A_1468 : vector<16xi1>, vector<16xi32>
      %get3A_1475 = arith.index_cast %add3A_1387 : i32 to index
      %get3A_1476 = arith.constant 240 : index
      %get3A_1477 = tpu.vector_load %arg5[%get3A_1475, %get3A_1476] {strides = array<i32>} : memref<64x256xf32, #tpu.memory_space<vmem>>, vector<16xf32>,
      %lt3A_1478 = arith.cmpf olt, %get3A_1477, %min3A_1473 : vector<16xf32>
      %min3A_1479 = arith.minimumf %min3A_1473, %get3A_1477 : vector<16xf32>
      %select_n3A_1480 = arith.select %lt3A_1478, %add3A_55, %select_n3A_1474 : vector<16xi1>, vector<16xi32>
      %swap3A_1481 = arith.constant 221 : index
      %swap3A_1482 = tpu.vector_load %arg9[%swap3A_1481] {strides = array<i32>} : memref<272xf32, #tpu.memory_space<vmem>>, vector<16xf32>,
      tpu.vector_store %arg9[%swap3A_1481], %min3A_1479 {strides = array<i32>} : memref<272xf32, #tpu.memory_space<vmem>>, vector<16xf32>,
      %swap3A_1483 = arith.constant 221 : index
      %swap3A_1484 = tpu.vector_load %arg10[%swap3A_1483] {strides = array<i32>} : memref<272xi32, #tpu.memory_space<vmem>>, vector<16xi32>,
      tpu.vector_store %arg10[%swap3A_1483], %select_n3A_1480 {strides = array<i32>} : memref<272xi32, #tpu.memory_space<vmem>>, vector<16xi32>,
      %mul3A_1485 = arith.constant 16 : i32
      %mul3A_1486 = arith.muli %scan3A_75, %mul3A_1485 : i32
      %add3A_1487 = arith.constant 14 : i32
      %add3A_1488 = arith.addi %mul3A_1486, %add3A_1487 : i32
      %get3A_1489 = arith.index_cast %add3A_1488 : i32 to index
      %get3A_1490 = arith.constant 0 : index
      %get3A_1491 = tpu.vector_load %arg5[%get3A_1489, %get3A_1490] {strides = array<i32>} : memref<64x256xf32, #tpu.memory_space<vmem>>, vector<16xf32>,
      %get3A_1492 = arith.index_cast %add3A_1488 : i32 to index
      %get3A_1493 = arith.constant 16 : index
      %get3A_1494 = tpu.vector_load %arg5[%get3A_1492, %get3A_1493] {strides = array<i32>} : memref<64x256xf32, #tpu.memory_space<vmem>>, vector<16xf32>,
      %lt3A_1495 = arith.cmpf olt, %get3A_1494, %get3A_1491 : vector<16xf32>
      %min3A_1496 = arith.minimumf %get3A_1491, %get3A_1494 : vector<16xf32>
      %select_n3A_1497 = arith.select %lt3A_1495, %add3A_13, %add3A_10 : vector<16xi1>, vector<16xi32>
      %get3A_1498 = arith.index_cast %add3A_1488 : i32 to index
      %get3A_1499 = arith.constant 32 : index
      %get3A_1500 = tpu.vector_load %arg5[%get3A_1498, %get3A_1499] {strides = array<i32>} : memref<64x256xf32, #tpu.memory_space<vmem>>, vector<16xf32>,
      %lt3A_1501 = arith.cmpf olt, %get3A_1500, %min3A_1496 : vector<16xf32>
      %min3A_1502 = arith.minimumf %min3A_1496, %get3A_1500 : vector<16xf32>
      %select_n3A_1503 = arith.select %lt3A_1501, %add3A_16, %select_n3A_1497 : vector<16xi1>, vector<16xi32>
      %get3A_1504 = arith.index_cast %add3A_1488 : i32 to index
      %get3A_1505 = arith.constant 48 : index
      %get3A_1506 = tpu.vector_load %arg5[%get3A_1504, %get3A_1505] {strides = array<i32>} : memref<64x256xf32, #tpu.memory_space<vmem>>, vector<16xf32>,
      %lt3A_1507 = arith.cmpf olt, %get3A_1506, %min3A_1502 : vector<16xf32>
      %min3A_1508 = arith.minimumf %min3A_1502, %get3A_1506 : vector<16xf32>
      %select_n3A_1509 = arith.select %lt3A_1507, %add3A_19, %select_n3A_1503 : vector<16xi1>, vector<16xi32>
      %get3A_1510 = arith.index_cast %add3A_1488 : i32 to index
      %get3A_1511 = arith.constant 64 : index
      %get3A_1512 = tpu.vector_load %arg5[%get3A_1510, %get3A_1511] {strides = array<i32>} : memref<64x256xf32, #tpu.memory_space<vmem>>, vector<16xf32>,
      %lt3A_1513 = arith.cmpf olt, %get3A_1512, %min3A_1508 : vector<16xf32>
      %min3A_1514 = arith.minimumf %min3A_1508, %get3A_1512 : vector<16xf32>
      %select_n3A_1515 = arith.select %lt3A_1513, %add3A_22, %select_n3A_1509 : vector<16xi1>, vector<16xi32>
      %get3A_1516 = arith.index_cast %add3A_1488 : i32 to index
      %get3A_1517 = arith.constant 80 : index
      %get3A_1518 = tpu.vector_load %arg5[%get3A_1516, %get3A_1517] {strides = array<i32>} : memref<64x256xf32, #tpu.memory_space<vmem>>, vector<16xf32>,
      %lt3A_1519 = arith.cmpf olt, %get3A_1518, %min3A_1514 : vector<16xf32>
      %min3A_1520 = arith.minimumf %min3A_1514, %get3A_1518 : vector<16xf32>
      %select_n3A_1521 = arith.select %lt3A_1519, %add3A_25, %select_n3A_1515 : vector<16xi1>, vector<16xi32>
      %get3A_1522 = arith.index_cast %add3A_1488 : i32 to index
      %get3A_1523 = arith.constant 96 : index
      %get3A_1524 = tpu.vector_load %arg5[%get3A_1522, %get3A_1523] {strides = array<i32>} : memref<64x256xf32, #tpu.memory_space<vmem>>, vector<16xf32>,
      %lt3A_1525 = arith.cmpf olt, %get3A_1524, %min3A_1520 : vector<16xf32>
      %min3A_1526 = arith.minimumf %min3A_1520, %get3A_1524 : vector<16xf32>
      %select_n3A_1527 = arith.select %lt3A_1525, %add3A_28, %select_n3A_1521 : vector<16xi1>, vector<16xi32>
      %get3A_1528 = arith.index_cast %add3A_1488 : i32 to index
      %get3A_1529 = arith.constant 112 : index
      %get3A_1530 = tpu.vector_load %arg5[%get3A_1528, %get3A_1529] {strides = array<i32>} : memref<64x256xf32, #tpu.memory_space<vmem>>, vector<16xf32>,
      %lt3A_1531 = arith.cmpf olt, %get3A_1530, %min3A_1526 : vector<16xf32>
      %min3A_1532 = arith.minimumf %min3A_1526, %get3A_1530 : vector<16xf32>
      %select_n3A_1533 = arith.select %lt3A_1531, %add3A_31, %select_n3A_1527 : vector<16xi1>, vector<16xi32>
      %get3A_1534 = arith.index_cast %add3A_1488 : i32 to index
      %get3A_1535 = arith.constant 128 : index
      %get3A_1536 = tpu.vector_load %arg5[%get3A_1534, %get3A_1535] {strides = array<i32>} : memref<64x256xf32, #tpu.memory_space<vmem>>, vector<16xf32>,
      %lt3A_1537 = arith.cmpf olt, %get3A_1536, %min3A_1532 : vector<16xf32>
      %min3A_1538 = arith.minimumf %min3A_1532, %get3A_1536 : vector<16xf32>
      %select_n3A_1539 = arith.select %lt3A_1537, %add3A_34, %select_n3A_1533 : vector<16xi1>, vector<16xi32>
      %get3A_1540 = arith.index_cast %add3A_1488 : i32 to index
      %get3A_1541 = arith.constant 144 : index
      %get3A_1542 = tpu.vector_load %arg5[%get3A_1540, %get3A_1541] {strides = array<i32>} : memref<64x256xf32, #tpu.memory_space<vmem>>, vector<16xf32>,
      %lt3A_1543 = arith.cmpf olt, %get3A_1542, %min3A_1538 : vector<16xf32>
      %min3A_1544 = arith.minimumf %min3A_1538, %get3A_1542 : vector<16xf32>
      %select_n3A_1545 = arith.select %lt3A_1543, %add3A_37, %select_n3A_1539 : vector<16xi1>, vector<16xi32>
      %get3A_1546 = arith.index_cast %add3A_1488 : i32 to index
      %get3A_1547 = arith.constant 160 : index
      %get3A_1548 = tpu.vector_load %arg5[%get3A_1546, %get3A_1547] {strides = array<i32>} : memref<64x256xf32, #tpu.memory_space<vmem>>, vector<16xf32>,
      %lt3A_1549 = arith.cmpf olt, %get3A_1548, %min3A_1544 : vector<16xf32>
      %min3A_1550 = arith.minimumf %min3A_1544, %get3A_1548 : vector<16xf32>
      %select_n3A_1551 = arith.select %lt3A_1549, %add3A_40, %select_n3A_1545 : vector<16xi1>, vector<16xi32>
      %get3A_1552 = arith.index_cast %add3A_1488 : i32 to index
      %get3A_1553 = arith.constant 176 : index
      %get3A_1554 = tpu.vector_load %arg5[%get3A_1552, %get3A_1553] {strides = array<i32>} : memref<64x256xf32, #tpu.memory_space<vmem>>, vector<16xf32>,
      %lt3A_1555 = arith.cmpf olt, %get3A_1554, %min3A_1550 : vector<16xf32>
      %min3A_1556 = arith.minimumf %min3A_1550, %get3A_1554 : vector<16xf32>
      %select_n3A_1557 = arith.select %lt3A_1555, %add3A_43, %select_n3A_1551 : vector<16xi1>, vector<16xi32>
      %get3A_1558 = arith.index_cast %add3A_1488 : i32 to index
      %get3A_1559 = arith.constant 192 : index
      %get3A_1560 = tpu.vector_load %arg5[%get3A_1558, %get3A_1559] {strides = array<i32>} : memref<64x256xf32, #tpu.memory_space<vmem>>, vector<16xf32>,
      %lt3A_1561 = arith.cmpf olt, %get3A_1560, %min3A_1556 : vector<16xf32>
      %min3A_1562 = arith.minimumf %min3A_1556, %get3A_1560 : vector<16xf32>
      %select_n3A_1563 = arith.select %lt3A_1561, %add3A_46, %select_n3A_1557 : vector<16xi1>, vector<16xi32>
      %get3A_1564 = arith.index_cast %add3A_1488 : i32 to index
      %get3A_1565 = arith.constant 208 : index
      %get3A_1566 = tpu.vector_load %arg5[%get3A_1564, %get3A_1565] {strides = array<i32>} : memref<64x256xf32, #tpu.memory_space<vmem>>, vector<16xf32>,
      %lt3A_1567 = arith.cmpf olt, %get3A_1566, %min3A_1562 : vector<16xf32>
      %min3A_1568 = arith.minimumf %min3A_1562, %get3A_1566 : vector<16xf32>
      %select_n3A_1569 = arith.select %lt3A_1567, %add3A_49, %select_n3A_1563 : vector<16xi1>, vector<16xi32>
      %get3A_1570 = arith.index_cast %add3A_1488 : i32 to index
      %get3A_1571 = arith.constant 224 : index
      %get3A_1572 = tpu.vector_load %arg5[%get3A_1570, %get3A_1571] {strides = array<i32>} : memref<64x256xf32, #tpu.memory_space<vmem>>, vector<16xf32>,
      %lt3A_1573 = arith.cmpf olt, %get3A_1572, %min3A_1568 : vector<16xf32>
      %min3A_1574 = arith.minimumf %min3A_1568, %get3A_1572 : vector<16xf32>
      %select_n3A_1575 = arith.select %lt3A_1573, %add3A_52, %select_n3A_1569 : vector<16xi1>, vector<16xi32>
      %get3A_1576 = arith.index_cast %add3A_1488 : i32 to index
      %get3A_1577 = arith.constant 240 : index
      %get3A_1578 = tpu.vector_load %arg5[%get3A_1576, %get3A_1577] {strides = array<i32>} : memref<64x256xf32, #tpu.memory_space<vmem>>, vector<16xf32>,
      %lt3A_1579 = arith.cmpf olt, %get3A_1578, %min3A_1574 : vector<16xf32>
      %min3A_1580 = arith.minimumf %min3A_1574, %get3A_1578 : vector<16xf32>
      %select_n3A_1581 = arith.select %lt3A_1579, %add3A_55, %select_n3A_1575 : vector<16xi1>, vector<16xi32>
      %swap3A_1582 = arith.constant 238 : index
      %swap3A_1583 = tpu.vector_load %arg9[%swap3A_1582] {strides = array<i32>} : memref<272xf32, #tpu.memory_space<vmem>>, vector<16xf32>,
      tpu.vector_store %arg9[%swap3A_1582], %min3A_1580 {strides = array<i32>} : memref<272xf32, #tpu.memory_space<vmem>>, vector<16xf32>,
      %swap3A_1584 = arith.constant 238 : index
      %swap3A_1585 = tpu.vector_load %arg10[%swap3A_1584] {strides = array<i32>} : memref<272xi32, #tpu.memory_space<vmem>>, vector<16xi32>,
      tpu.vector_store %arg10[%swap3A_1584], %select_n3A_1581 {strides = array<i32>} : memref<272xi32, #tpu.memory_space<vmem>>, vector<16xi32>,
      %mul3A_1586 = arith.constant 16 : i32
      %mul3A_1587 = arith.muli %scan3A_75, %mul3A_1586 : i32
      %add3A_1588 = arith.constant 15 : i32
      %add3A_1589 = arith.addi %mul3A_1587, %add3A_1588 : i32
      %get3A_1590 = arith.index_cast %add3A_1589 : i32 to index
      %get3A_1591 = arith.constant 0 : index
      %get3A_1592 = tpu.vector_load %arg5[%get3A_1590, %get3A_1591] {strides = array<i32>} : memref<64x256xf32, #tpu.memory_space<vmem>>, vector<16xf32>,
      %get3A_1593 = arith.index_cast %add3A_1589 : i32 to index
      %get3A_1594 = arith.constant 16 : index
      %get3A_1595 = tpu.vector_load %arg5[%get3A_1593, %get3A_1594] {strides = array<i32>} : memref<64x256xf32, #tpu.memory_space<vmem>>, vector<16xf32>,
      %lt3A_1596 = arith.cmpf olt, %get3A_1595, %get3A_1592 : vector<16xf32>
      %min3A_1597 = arith.minimumf %get3A_1592, %get3A_1595 : vector<16xf32>
      %select_n3A_1598 = arith.select %lt3A_1596, %add3A_13, %add3A_10 : vector<16xi1>, vector<16xi32>
      %get3A_1599 = arith.index_cast %add3A_1589 : i32 to index
      %get3A_1600 = arith.constant 32 : index
      %get3A_1601 = tpu.vector_load %arg5[%get3A_1599, %get3A_1600] {strides = array<i32>} : memref<64x256xf32, #tpu.memory_space<vmem>>, vector<16xf32>,
      %lt3A_1602 = arith.cmpf olt, %get3A_1601, %min3A_1597 : vector<16xf32>
      %min3A_1603 = arith.minimumf %min3A_1597, %get3A_1601 : vector<16xf32>
      %select_n3A_1604 = arith.select %lt3A_1602, %add3A_16, %select_n3A_1598 : vector<16xi1>, vector<16xi32>
      %get3A_1605 = arith.index_cast %add3A_1589 : i32 to index
      %get3A_1606 = arith.constant 48 : index
      %get3A_1607 = tpu.vector_load %arg5[%get3A_1605, %get3A_1606] {strides = array<i32>} : memref<64x256xf32, #tpu.memory_space<vmem>>, vector<16xf32>,
      %lt3A_1608 = arith.cmpf olt, %get3A_1607, %min3A_1603 : vector<16xf32>
      %min3A_1609 = arith.minimumf %min3A_1603, %get3A_1607 : vector<16xf32>
      %select_n3A_1610 = arith.select %lt3A_1608, %add3A_19, %select_n3A_1604 : vector<16xi1>, vector<16xi32>
      %get3A_1611 = arith.index_cast %add3A_1589 : i32 to index
      %get3A_1612 = arith.constant 64 : index
      %get3A_1613 = tpu.vector_load %arg5[%get3A_1611, %get3A_1612] {strides = array<i32>} : memref<64x256xf32, #tpu.memory_space<vmem>>, vector<16xf32>,
      %lt3A_1614 = arith.cmpf olt, %get3A_1613, %min3A_1609 : vector<16xf32>
      %min3A_1615 = arith.minimumf %min3A_1609, %get3A_1613 : vector<16xf32>
      %select_n3A_1616 = arith.select %lt3A_1614, %add3A_22, %select_n3A_1610 : vector<16xi1>, vector<16xi32>
      %get3A_1617 = arith.index_cast %add3A_1589 : i32 to index
      %get3A_1618 = arith.constant 80 : index
      %get3A_1619 = tpu.vector_load %arg5[%get3A_1617, %get3A_1618] {strides = array<i32>} : memref<64x256xf32, #tpu.memory_space<vmem>>, vector<16xf32>,
      %lt3A_1620 = arith.cmpf olt, %get3A_1619, %min3A_1615 : vector<16xf32>
      %min3A_1621 = arith.minimumf %min3A_1615, %get3A_1619 : vector<16xf32>
      %select_n3A_1622 = arith.select %lt3A_1620, %add3A_25, %select_n3A_1616 : vector<16xi1>, vector<16xi32>
      %get3A_1623 = arith.index_cast %add3A_1589 : i32 to index
      %get3A_1624 = arith.constant 96 : index
      %get3A_1625 = tpu.vector_load %arg5[%get3A_1623, %get3A_1624] {strides = array<i32>} : memref<64x256xf32, #tpu.memory_space<vmem>>, vector<16xf32>,
      %lt3A_1626 = arith.cmpf olt, %get3A_1625, %min3A_1621 : vector<16xf32>
      %min3A_1627 = arith.minimumf %min3A_1621, %get3A_1625 : vector<16xf32>
      %select_n3A_1628 = arith.select %lt3A_1626, %add3A_28, %select_n3A_1622 : vector<16xi1>, vector<16xi32>
      %get3A_1629 = arith.index_cast %add3A_1589 : i32 to index
      %get3A_1630 = arith.constant 112 : index
      %get3A_1631 = tpu.vector_load %arg5[%get3A_1629, %get3A_1630] {strides = array<i32>} : memref<64x256xf32, #tpu.memory_space<vmem>>, vector<16xf32>,
      %lt3A_1632 = arith.cmpf olt, %get3A_1631, %min3A_1627 : vector<16xf32>
      %min3A_1633 = arith.minimumf %min3A_1627, %get3A_1631 : vector<16xf32>
      %select_n3A_1634 = arith.select %lt3A_1632, %add3A_31, %select_n3A_1628 : vector<16xi1>, vector<16xi32>
      %get3A_1635 = arith.index_cast %add3A_1589 : i32 to index
      %get3A_1636 = arith.constant 128 : index
      %get3A_1637 = tpu.vector_load %arg5[%get3A_1635, %get3A_1636] {strides = array<i32>} : memref<64x256xf32, #tpu.memory_space<vmem>>, vector<16xf32>,
      %lt3A_1638 = arith.cmpf olt, %get3A_1637, %min3A_1633 : vector<16xf32>
      %min3A_1639 = arith.minimumf %min3A_1633, %get3A_1637 : vector<16xf32>
      %select_n3A_1640 = arith.select %lt3A_1638, %add3A_34, %select_n3A_1634 : vector<16xi1>, vector<16xi32>
      %get3A_1641 = arith.index_cast %add3A_1589 : i32 to index
      %get3A_1642 = arith.constant 144 : index
      %get3A_1643 = tpu.vector_load %arg5[%get3A_1641, %get3A_1642] {strides = array<i32>} : memref<64x256xf32, #tpu.memory_space<vmem>>, vector<16xf32>,
      %lt3A_1644 = arith.cmpf olt, %get3A_1643, %min3A_1639 : vector<16xf32>
      %min3A_1645 = arith.minimumf %min3A_1639, %get3A_1643 : vector<16xf32>
      %select_n3A_1646 = arith.select %lt3A_1644, %add3A_37, %select_n3A_1640 : vector<16xi1>, vector<16xi32>
      %get3A_1647 = arith.index_cast %add3A_1589 : i32 to index
      %get3A_1648 = arith.constant 160 : index
      %get3A_1649 = tpu.vector_load %arg5[%get3A_1647, %get3A_1648] {strides = array<i32>} : memref<64x256xf32, #tpu.memory_space<vmem>>, vector<16xf32>,
      %lt3A_1650 = arith.cmpf olt, %get3A_1649, %min3A_1645 : vector<16xf32>
      %min3A_1651 = arith.minimumf %min3A_1645, %get3A_1649 : vector<16xf32>
      %select_n3A_1652 = arith.select %lt3A_1650, %add3A_40, %select_n3A_1646 : vector<16xi1>, vector<16xi32>
      %get3A_1653 = arith.index_cast %add3A_1589 : i32 to index
      %get3A_1654 = arith.constant 176 : index
      %get3A_1655 = tpu.vector_load %arg5[%get3A_1653, %get3A_1654] {strides = array<i32>} : memref<64x256xf32, #tpu.memory_space<vmem>>, vector<16xf32>,
      %lt3A_1656 = arith.cmpf olt, %get3A_1655, %min3A_1651 : vector<16xf32>
      %min3A_1657 = arith.minimumf %min3A_1651, %get3A_1655 : vector<16xf32>
      %select_n3A_1658 = arith.select %lt3A_1656, %add3A_43, %select_n3A_1652 : vector<16xi1>, vector<16xi32>
      %get3A_1659 = arith.index_cast %add3A_1589 : i32 to index
      %get3A_1660 = arith.constant 192 : index
      %get3A_1661 = tpu.vector_load %arg5[%get3A_1659, %get3A_1660] {strides = array<i32>} : memref<64x256xf32, #tpu.memory_space<vmem>>, vector<16xf32>,
      %lt3A_1662 = arith.cmpf olt, %get3A_1661, %min3A_1657 : vector<16xf32>
      %min3A_1663 = arith.minimumf %min3A_1657, %get3A_1661 : vector<16xf32>
      %select_n3A_1664 = arith.select %lt3A_1662, %add3A_46, %select_n3A_1658 : vector<16xi1>, vector<16xi32>
      %get3A_1665 = arith.index_cast %add3A_1589 : i32 to index
      %get3A_1666 = arith.constant 208 : index
      %get3A_1667 = tpu.vector_load %arg5[%get3A_1665, %get3A_1666] {strides = array<i32>} : memref<64x256xf32, #tpu.memory_space<vmem>>, vector<16xf32>,
      %lt3A_1668 = arith.cmpf olt, %get3A_1667, %min3A_1663 : vector<16xf32>
      %min3A_1669 = arith.minimumf %min3A_1663, %get3A_1667 : vector<16xf32>
      %select_n3A_1670 = arith.select %lt3A_1668, %add3A_49, %select_n3A_1664 : vector<16xi1>, vector<16xi32>
      %get3A_1671 = arith.index_cast %add3A_1589 : i32 to index
      %get3A_1672 = arith.constant 224 : index
      %get3A_1673 = tpu.vector_load %arg5[%get3A_1671, %get3A_1672] {strides = array<i32>} : memref<64x256xf32, #tpu.memory_space<vmem>>, vector<16xf32>,
      %lt3A_1674 = arith.cmpf olt, %get3A_1673, %min3A_1669 : vector<16xf32>
      %min3A_1675 = arith.minimumf %min3A_1669, %get3A_1673 : vector<16xf32>
      %select_n3A_1676 = arith.select %lt3A_1674, %add3A_52, %select_n3A_1670 : vector<16xi1>, vector<16xi32>
      %get3A_1677 = arith.index_cast %add3A_1589 : i32 to index
      %get3A_1678 = arith.constant 240 : index
      %get3A_1679 = tpu.vector_load %arg5[%get3A_1677, %get3A_1678] {strides = array<i32>} : memref<64x256xf32, #tpu.memory_space<vmem>>, vector<16xf32>,
      %lt3A_1680 = arith.cmpf olt, %get3A_1679, %min3A_1675 : vector<16xf32>
      %min3A_1681 = arith.minimumf %min3A_1675, %get3A_1679 : vector<16xf32>
      %select_n3A_1682 = arith.select %lt3A_1680, %add3A_55, %select_n3A_1676 : vector<16xi1>, vector<16xi32>
      %swap3A_1683 = arith.constant 255 : index
      %swap3A_1684 = tpu.vector_load %arg9[%swap3A_1683] {strides = array<i32>} : memref<272xf32, #tpu.memory_space<vmem>>, vector<16xf32>,
      tpu.vector_store %arg9[%swap3A_1683], %min3A_1681 {strides = array<i32>} : memref<272xf32, #tpu.memory_space<vmem>>, vector<16xf32>,
      %swap3A_1685 = arith.constant 255 : index
      %swap3A_1686 = tpu.vector_load %arg10[%swap3A_1685] {strides = array<i32>} : memref<272xi32, #tpu.memory_space<vmem>>, vector<16xi32>,
      tpu.vector_store %arg10[%swap3A_1685], %select_n3A_1682 {strides = array<i32>} : memref<272xi32, #tpu.memory_space<vmem>>, vector<16xi32>,
      %add3A_1687 = arith.constant 0 : i32
      %add3A_1688 = vector.broadcast %add3A_1687 : i32 to vector<16xi32>
      %add3A_1689 = arith.addi %mul3A_58, %add3A_1688 : vector<16xi32>
      %gather3A = tpu.vector_load_idx %arg9[%add3A_1689] : memref<272xf32, #tpu.memory_space<vmem>>[vector<16xi32>], vector<16xf32>,
      %add3A_1690 = arith.constant 1 : i32
      %add3A_1691 = vector.broadcast %add3A_1690 : i32 to vector<16xi32>
      %add3A_1692 = arith.addi %mul3A_58, %add3A_1691 : vector<16xi32>
      %gather3A_1693 = tpu.vector_load_idx %arg9[%add3A_1692] : memref<272xf32, #tpu.memory_space<vmem>>[vector<16xi32>], vector<16xf32>,
      %add3A_1694 = arith.constant 2 : i32
      %add3A_1695 = vector.broadcast %add3A_1694 : i32 to vector<16xi32>
      %add3A_1696 = arith.addi %mul3A_58, %add3A_1695 : vector<16xi32>
      %gather3A_1697 = tpu.vector_load_idx %arg9[%add3A_1696] : memref<272xf32, #tpu.memory_space<vmem>>[vector<16xi32>], vector<16xf32>,
      %add3A_1698 = arith.constant 3 : i32
      %add3A_1699 = vector.broadcast %add3A_1698 : i32 to vector<16xi32>
      %add3A_1700 = arith.addi %mul3A_58, %add3A_1699 : vector<16xi32>
      %gather3A_1701 = tpu.vector_load_idx %arg9[%add3A_1700] : memref<272xf32, #tpu.memory_space<vmem>>[vector<16xi32>], vector<16xf32>,
      %add3A_1702 = arith.constant 4 : i32
      %add3A_1703 = vector.broadcast %add3A_1702 : i32 to vector<16xi32>
      %add3A_1704 = arith.addi %mul3A_58, %add3A_1703 : vector<16xi32>
      %gather3A_1705 = tpu.vector_load_idx %arg9[%add3A_1704] : memref<272xf32, #tpu.memory_space<vmem>>[vector<16xi32>], vector<16xf32>,
      %add3A_1706 = arith.constant 5 : i32
      %add3A_1707 = vector.broadcast %add3A_1706 : i32 to vector<16xi32>
      %add3A_1708 = arith.addi %mul3A_58, %add3A_1707 : vector<16xi32>
      %gather3A_1709 = tpu.vector_load_idx %arg9[%add3A_1708] : memref<272xf32, #tpu.memory_space<vmem>>[vector<16xi32>], vector<16xf32>,
      %add3A_1710 = arith.constant 6 : i32
      %add3A_1711 = vector.broadcast %add3A_1710 : i32 to vector<16xi32>
      %add3A_1712 = arith.addi %mul3A_58, %add3A_1711 : vector<16xi32>
      %gather3A_1713 = tpu.vector_load_idx %arg9[%add3A_1712] : memref<272xf32, #tpu.memory_space<vmem>>[vector<16xi32>], vector<16xf32>,
      %add3A_1714 = arith.constant 7 : i32
      %add3A_1715 = vector.broadcast %add3A_1714 : i32 to vector<16xi32>
      %add3A_1716 = arith.addi %mul3A_58, %add3A_1715 : vector<16xi32>
      %gather3A_1717 = tpu.vector_load_idx %arg9[%add3A_1716] : memref<272xf32, #tpu.memory_space<vmem>>[vector<16xi32>], vector<16xf32>,
      %add3A_1718 = arith.constant 8 : i32
      %add3A_1719 = vector.broadcast %add3A_1718 : i32 to vector<16xi32>
      %add3A_1720 = arith.addi %mul3A_58, %add3A_1719 : vector<16xi32>
      %gather3A_1721 = tpu.vector_load_idx %arg9[%add3A_1720] : memref<272xf32, #tpu.memory_space<vmem>>[vector<16xi32>], vector<16xf32>,
      %add3A_1722 = arith.constant 9 : i32
      %add3A_1723 = vector.broadcast %add3A_1722 : i32 to vector<16xi32>
      %add3A_1724 = arith.addi %mul3A_58, %add3A_1723 : vector<16xi32>
      %gather3A_1725 = tpu.vector_load_idx %arg9[%add3A_1724] : memref<272xf32, #tpu.memory_space<vmem>>[vector<16xi32>], vector<16xf32>,
      %add3A_1726 = arith.constant 10 : i32
      %add3A_1727 = vector.broadcast %add3A_1726 : i32 to vector<16xi32>
      %add3A_1728 = arith.addi %mul3A_58, %add3A_1727 : vector<16xi32>
      %gather3A_1729 = tpu.vector_load_idx %arg9[%add3A_1728] : memref<272xf32, #tpu.memory_space<vmem>>[vector<16xi32>], vector<16xf32>,
      %add3A_1730 = arith.constant 11 : i32
      %add3A_1731 = vector.broadcast %add3A_1730 : i32 to vector<16xi32>
      %add3A_1732 = arith.addi %mul3A_58, %add3A_1731 : vector<16xi32>
      %gather3A_1733 = tpu.vector_load_idx %arg9[%add3A_1732] : memref<272xf32, #tpu.memory_space<vmem>>[vector<16xi32>], vector<16xf32>,
      %add3A_1734 = arith.constant 12 : i32
      %add3A_1735 = vector.broadcast %add3A_1734 : i32 to vector<16xi32>
      %add3A_1736 = arith.addi %mul3A_58, %add3A_1735 : vector<16xi32>
      %gather3A_1737 = tpu.vector_load_idx %arg9[%add3A_1736] : memref<272xf32, #tpu.memory_space<vmem>>[vector<16xi32>], vector<16xf32>,
      %add3A_1738 = arith.constant 13 : i32
      %add3A_1739 = vector.broadcast %add3A_1738 : i32 to vector<16xi32>
      %add3A_1740 = arith.addi %mul3A_58, %add3A_1739 : vector<16xi32>
      %gather3A_1741 = tpu.vector_load_idx %arg9[%add3A_1740] : memref<272xf32, #tpu.memory_space<vmem>>[vector<16xi32>], vector<16xf32>,
      %add3A_1742 = arith.constant 14 : i32
      %add3A_1743 = vector.broadcast %add3A_1742 : i32 to vector<16xi32>
      %add3A_1744 = arith.addi %mul3A_58, %add3A_1743 : vector<16xi32>
      %gather3A_1745 = tpu.vector_load_idx %arg9[%add3A_1744] : memref<272xf32, #tpu.memory_space<vmem>>[vector<16xi32>], vector<16xf32>,
      %add3A_1746 = arith.constant 15 : i32
      %add3A_1747 = vector.broadcast %add3A_1746 : i32 to vector<16xi32>
      %add3A_1748 = arith.addi %mul3A_58, %add3A_1747 : vector<16xi32>
      %gather3A_1749 = tpu.vector_load_idx %arg9[%add3A_1748] : memref<272xf32, #tpu.memory_space<vmem>>[vector<16xi32>], vector<16xf32>,
      %min3A_1750 = arith.minimumf %gather3A, %gather3A_1693 : vector<16xf32>
      %min3A_1751 = arith.minimumf %min3A_1750, %gather3A_1697 : vector<16xf32>
      %min3A_1752 = arith.minimumf %min3A_1751, %gather3A_1701 : vector<16xf32>
      %min3A_1753 = arith.minimumf %min3A_1752, %gather3A_1705 : vector<16xf32>
      %min3A_1754 = arith.minimumf %min3A_1753, %gather3A_1709 : vector<16xf32>
      %min3A_1755 = arith.minimumf %min3A_1754, %gather3A_1713 : vector<16xf32>
      %min3A_1756 = arith.minimumf %min3A_1755, %gather3A_1717 : vector<16xf32>
      %min3A_1757 = arith.minimumf %min3A_1756, %gather3A_1721 : vector<16xf32>
      %min3A_1758 = arith.minimumf %min3A_1757, %gather3A_1725 : vector<16xf32>
      %min3A_1759 = arith.minimumf %min3A_1758, %gather3A_1729 : vector<16xf32>
      %min3A_1760 = arith.minimumf %min3A_1759, %gather3A_1733 : vector<16xf32>
      %min3A_1761 = arith.minimumf %min3A_1760, %gather3A_1737 : vector<16xf32>
      %min3A_1762 = arith.minimumf %min3A_1761, %gather3A_1741 : vector<16xf32>
      %min3A_1763 = arith.minimumf %min3A_1762, %gather3A_1745 : vector<16xf32>
      %min3A_1764 = arith.minimumf %min3A_1763, %gather3A_1749 : vector<16xf32>
      %broadcast_in_dim3A = arith.constant 1073741824 : i32
      %broadcast_in_dim3A_1765 = vector.broadcast %broadcast_in_dim3A : i32 to vector<16xi32>
      %add3A_1766 = arith.constant 0 : i32
      %add3A_1767 = vector.broadcast %add3A_1766 : i32 to vector<16xi32>
      %add3A_1768 = arith.addi %mul3A_58, %add3A_1767 : vector<16xi32>
      %gather3A_1769 = tpu.vector_load_idx %arg10[%add3A_1768] : memref<272xi32, #tpu.memory_space<vmem>>[vector<16xi32>], vector<16xi32>,
      %eq3A = arith.cmpf oeq, %gather3A, %min3A_1764 : vector<16xf32>
      %jit3A = arith.constant 1073741824 : i32
      %broadcast_in_dim3A_1770 = vector.broadcast %jit3A : i32 to vector<16xi32>
      %select_n3A_1771 = arith.select %eq3A, %gather3A_1769, %broadcast_in_dim3A_1770 : vector<16xi1>, vector<16xi32>
      %min3A_1772 = arith.minsi %broadcast_in_dim3A_1765, %select_n3A_1771 : vector<16xi32>
      %add3A_1773 = arith.constant 1 : i32
      %add3A_1774 = vector.broadcast %add3A_1773 : i32 to vector<16xi32>
      %add3A_1775 = arith.addi %mul3A_58, %add3A_1774 : vector<16xi32>
      %gather3A_1776 = tpu.vector_load_idx %arg10[%add3A_1775] : memref<272xi32, #tpu.memory_space<vmem>>[vector<16xi32>], vector<16xi32>,
      %eq3A_1777 = arith.cmpf oeq, %gather3A_1693, %min3A_1764 : vector<16xf32>
      %jit3A_1778 = arith.constant 1073741824 : i32
      %broadcast_in_dim3A_1779 = vector.broadcast %jit3A_1778 : i32 to vector<16xi32>
      %select_n3A_1780 = arith.select %eq3A_1777, %gather3A_1776, %broadcast_in_dim3A_1779 : vector<16xi1>, vector<16xi32>
      %min3A_1781 = arith.minsi %min3A_1772, %select_n3A_1780 : vector<16xi32>
      %add3A_1782 = arith.constant 2 : i32
      %add3A_1783 = vector.broadcast %add3A_1782 : i32 to vector<16xi32>
      %add3A_1784 = arith.addi %mul3A_58, %add3A_1783 : vector<16xi32>
      %gather3A_1785 = tpu.vector_load_idx %arg10[%add3A_1784] : memref<272xi32, #tpu.memory_space<vmem>>[vector<16xi32>], vector<16xi32>,
      %eq3A_1786 = arith.cmpf oeq, %gather3A_1697, %min3A_1764 : vector<16xf32>
      %jit3A_1787 = arith.constant 1073741824 : i32
      %broadcast_in_dim3A_1788 = vector.broadcast %jit3A_1787 : i32 to vector<16xi32>
      %select_n3A_1789 = arith.select %eq3A_1786, %gather3A_1785, %broadcast_in_dim3A_1788 : vector<16xi1>, vector<16xi32>
      %min3A_1790 = arith.minsi %min3A_1781, %select_n3A_1789 : vector<16xi32>
      %add3A_1791 = arith.constant 3 : i32
      %add3A_1792 = vector.broadcast %add3A_1791 : i32 to vector<16xi32>
      %add3A_1793 = arith.addi %mul3A_58, %add3A_1792 : vector<16xi32>
      %gather3A_1794 = tpu.vector_load_idx %arg10[%add3A_1793] : memref<272xi32, #tpu.memory_space<vmem>>[vector<16xi32>], vector<16xi32>,
      %eq3A_1795 = arith.cmpf oeq, %gather3A_1701, %min3A_1764 : vector<16xf32>
      %jit3A_1796 = arith.constant 1073741824 : i32
      %broadcast_in_dim3A_1797 = vector.broadcast %jit3A_1796 : i32 to vector<16xi32>
      %select_n3A_1798 = arith.select %eq3A_1795, %gather3A_1794, %broadcast_in_dim3A_1797 : vector<16xi1>, vector<16xi32>
      %min3A_1799 = arith.minsi %min3A_1790, %select_n3A_1798 : vector<16xi32>
      %add3A_1800 = arith.constant 4 : i32
      %add3A_1801 = vector.broadcast %add3A_1800 : i32 to vector<16xi32>
      %add3A_1802 = arith.addi %mul3A_58, %add3A_1801 : vector<16xi32>
      %gather3A_1803 = tpu.vector_load_idx %arg10[%add3A_1802] : memref<272xi32, #tpu.memory_space<vmem>>[vector<16xi32>], vector<16xi32>,
      %eq3A_1804 = arith.cmpf oeq, %gather3A_1705, %min3A_1764 : vector<16xf32>
      %jit3A_1805 = arith.constant 1073741824 : i32
      %broadcast_in_dim3A_1806 = vector.broadcast %jit3A_1805 : i32 to vector<16xi32>
      %select_n3A_1807 = arith.select %eq3A_1804, %gather3A_1803, %broadcast_in_dim3A_1806 : vector<16xi1>, vector<16xi32>
      %min3A_1808 = arith.minsi %min3A_1799, %select_n3A_1807 : vector<16xi32>
      %add3A_1809 = arith.constant 5 : i32
      %add3A_1810 = vector.broadcast %add3A_1809 : i32 to vector<16xi32>
      %add3A_1811 = arith.addi %mul3A_58, %add3A_1810 : vector<16xi32>
      %gather3A_1812 = tpu.vector_load_idx %arg10[%add3A_1811] : memref<272xi32, #tpu.memory_space<vmem>>[vector<16xi32>], vector<16xi32>,
      %eq3A_1813 = arith.cmpf oeq, %gather3A_1709, %min3A_1764 : vector<16xf32>
      %jit3A_1814 = arith.constant 1073741824 : i32
      %broadcast_in_dim3A_1815 = vector.broadcast %jit3A_1814 : i32 to vector<16xi32>
      %select_n3A_1816 = arith.select %eq3A_1813, %gather3A_1812, %broadcast_in_dim3A_1815 : vector<16xi1>, vector<16xi32>
      %min3A_1817 = arith.minsi %min3A_1808, %select_n3A_1816 : vector<16xi32>
      %add3A_1818 = arith.constant 6 : i32
      %add3A_1819 = vector.broadcast %add3A_1818 : i32 to vector<16xi32>
      %add3A_1820 = arith.addi %mul3A_58, %add3A_1819 : vector<16xi32>
      %gather3A_1821 = tpu.vector_load_idx %arg10[%add3A_1820] : memref<272xi32, #tpu.memory_space<vmem>>[vector<16xi32>], vector<16xi32>,
      %eq3A_1822 = arith.cmpf oeq, %gather3A_1713, %min3A_1764 : vector<16xf32>
      %jit3A_1823 = arith.constant 1073741824 : i32
      %broadcast_in_dim3A_1824 = vector.broadcast %jit3A_1823 : i32 to vector<16xi32>
      %select_n3A_1825 = arith.select %eq3A_1822, %gather3A_1821, %broadcast_in_dim3A_1824 : vector<16xi1>, vector<16xi32>
      %min3A_1826 = arith.minsi %min3A_1817, %select_n3A_1825 : vector<16xi32>
      %add3A_1827 = arith.constant 7 : i32
      %add3A_1828 = vector.broadcast %add3A_1827 : i32 to vector<16xi32>
      %add3A_1829 = arith.addi %mul3A_58, %add3A_1828 : vector<16xi32>
      %gather3A_1830 = tpu.vector_load_idx %arg10[%add3A_1829] : memref<272xi32, #tpu.memory_space<vmem>>[vector<16xi32>], vector<16xi32>,
      %eq3A_1831 = arith.cmpf oeq, %gather3A_1717, %min3A_1764 : vector<16xf32>
      %jit3A_1832 = arith.constant 1073741824 : i32
      %broadcast_in_dim3A_1833 = vector.broadcast %jit3A_1832 : i32 to vector<16xi32>
      %select_n3A_1834 = arith.select %eq3A_1831, %gather3A_1830, %broadcast_in_dim3A_1833 : vector<16xi1>, vector<16xi32>
      %min3A_1835 = arith.minsi %min3A_1826, %select_n3A_1834 : vector<16xi32>
      %add3A_1836 = arith.constant 8 : i32
      %add3A_1837 = vector.broadcast %add3A_1836 : i32 to vector<16xi32>
      %add3A_1838 = arith.addi %mul3A_58, %add3A_1837 : vector<16xi32>
      %gather3A_1839 = tpu.vector_load_idx %arg10[%add3A_1838] : memref<272xi32, #tpu.memory_space<vmem>>[vector<16xi32>], vector<16xi32>,
      %eq3A_1840 = arith.cmpf oeq, %gather3A_1721, %min3A_1764 : vector<16xf32>
      %jit3A_1841 = arith.constant 1073741824 : i32
      %broadcast_in_dim3A_1842 = vector.broadcast %jit3A_1841 : i32 to vector<16xi32>
      %select_n3A_1843 = arith.select %eq3A_1840, %gather3A_1839, %broadcast_in_dim3A_1842 : vector<16xi1>, vector<16xi32>
      %min3A_1844 = arith.minsi %min3A_1835, %select_n3A_1843 : vector<16xi32>
      %add3A_1845 = arith.constant 9 : i32
      %add3A_1846 = vector.broadcast %add3A_1845 : i32 to vector<16xi32>
      %add3A_1847 = arith.addi %mul3A_58, %add3A_1846 : vector<16xi32>
      %gather3A_1848 = tpu.vector_load_idx %arg10[%add3A_1847] : memref<272xi32, #tpu.memory_space<vmem>>[vector<16xi32>], vector<16xi32>,
      %eq3A_1849 = arith.cmpf oeq, %gather3A_1725, %min3A_1764 : vector<16xf32>
      %jit3A_1850 = arith.constant 1073741824 : i32
      %broadcast_in_dim3A_1851 = vector.broadcast %jit3A_1850 : i32 to vector<16xi32>
      %select_n3A_1852 = arith.select %eq3A_1849, %gather3A_1848, %broadcast_in_dim3A_1851 : vector<16xi1>, vector<16xi32>
      %min3A_1853 = arith.minsi %min3A_1844, %select_n3A_1852 : vector<16xi32>
      %add3A_1854 = arith.constant 10 : i32
      %add3A_1855 = vector.broadcast %add3A_1854 : i32 to vector<16xi32>
      %add3A_1856 = arith.addi %mul3A_58, %add3A_1855 : vector<16xi32>
      %gather3A_1857 = tpu.vector_load_idx %arg10[%add3A_1856] : memref<272xi32, #tpu.memory_space<vmem>>[vector<16xi32>], vector<16xi32>,
      %eq3A_1858 = arith.cmpf oeq, %gather3A_1729, %min3A_1764 : vector<16xf32>
      %jit3A_1859 = arith.constant 1073741824 : i32
      %broadcast_in_dim3A_1860 = vector.broadcast %jit3A_1859 : i32 to vector<16xi32>
      %select_n3A_1861 = arith.select %eq3A_1858, %gather3A_1857, %broadcast_in_dim3A_1860 : vector<16xi1>, vector<16xi32>
      %min3A_1862 = arith.minsi %min3A_1853, %select_n3A_1861 : vector<16xi32>
      %add3A_1863 = arith.constant 11 : i32
      %add3A_1864 = vector.broadcast %add3A_1863 : i32 to vector<16xi32>
      %add3A_1865 = arith.addi %mul3A_58, %add3A_1864 : vector<16xi32>
      %gather3A_1866 = tpu.vector_load_idx %arg10[%add3A_1865] : memref<272xi32, #tpu.memory_space<vmem>>[vector<16xi32>], vector<16xi32>,
      %eq3A_1867 = arith.cmpf oeq, %gather3A_1733, %min3A_1764 : vector<16xf32>
      %jit3A_1868 = arith.constant 1073741824 : i32
      %broadcast_in_dim3A_1869 = vector.broadcast %jit3A_1868 : i32 to vector<16xi32>
      %select_n3A_1870 = arith.select %eq3A_1867, %gather3A_1866, %broadcast_in_dim3A_1869 : vector<16xi1>, vector<16xi32>
      %min3A_1871 = arith.minsi %min3A_1862, %select_n3A_1870 : vector<16xi32>
      %add3A_1872 = arith.constant 12 : i32
      %add3A_1873 = vector.broadcast %add3A_1872 : i32 to vector<16xi32>
      %add3A_1874 = arith.addi %mul3A_58, %add3A_1873 : vector<16xi32>
      %gather3A_1875 = tpu.vector_load_idx %arg10[%add3A_1874] : memref<272xi32, #tpu.memory_space<vmem>>[vector<16xi32>], vector<16xi32>,
      %eq3A_1876 = arith.cmpf oeq, %gather3A_1737, %min3A_1764 : vector<16xf32>
      %jit3A_1877 = arith.constant 1073741824 : i32
      %broadcast_in_dim3A_1878 = vector.broadcast %jit3A_1877 : i32 to vector<16xi32>
      %select_n3A_1879 = arith.select %eq3A_1876, %gather3A_1875, %broadcast_in_dim3A_1878 : vector<16xi1>, vector<16xi32>
      %min3A_1880 = arith.minsi %min3A_1871, %select_n3A_1879 : vector<16xi32>
      %add3A_1881 = arith.constant 13 : i32
      %add3A_1882 = vector.broadcast %add3A_1881 : i32 to vector<16xi32>
      %add3A_1883 = arith.addi %mul3A_58, %add3A_1882 : vector<16xi32>
      %gather3A_1884 = tpu.vector_load_idx %arg10[%add3A_1883] : memref<272xi32, #tpu.memory_space<vmem>>[vector<16xi32>], vector<16xi32>,
      %eq3A_1885 = arith.cmpf oeq, %gather3A_1741, %min3A_1764 : vector<16xf32>
      %jit3A_1886 = arith.constant 1073741824 : i32
      %broadcast_in_dim3A_1887 = vector.broadcast %jit3A_1886 : i32 to vector<16xi32>
      %select_n3A_1888 = arith.select %eq3A_1885, %gather3A_1884, %broadcast_in_dim3A_1887 : vector<16xi1>, vector<16xi32>
      %min3A_1889 = arith.minsi %min3A_1880, %select_n3A_1888 : vector<16xi32>
      %add3A_1890 = arith.constant 14 : i32
      %add3A_1891 = vector.broadcast %add3A_1890 : i32 to vector<16xi32>
      %add3A_1892 = arith.addi %mul3A_58, %add3A_1891 : vector<16xi32>
      %gather3A_1893 = tpu.vector_load_idx %arg10[%add3A_1892] : memref<272xi32, #tpu.memory_space<vmem>>[vector<16xi32>], vector<16xi32>,
      %eq3A_1894 = arith.cmpf oeq, %gather3A_1745, %min3A_1764 : vector<16xf32>
      %jit3A_1895 = arith.constant 1073741824 : i32
      %broadcast_in_dim3A_1896 = vector.broadcast %jit3A_1895 : i32 to vector<16xi32>
      %select_n3A_1897 = arith.select %eq3A_1894, %gather3A_1893, %broadcast_in_dim3A_1896 : vector<16xi1>, vector<16xi32>
      %min3A_1898 = arith.minsi %min3A_1889, %select_n3A_1897 : vector<16xi32>
      %add3A_1899 = arith.constant 15 : i32
      %add3A_1900 = vector.broadcast %add3A_1899 : i32 to vector<16xi32>
      %add3A_1901 = arith.addi %mul3A_58, %add3A_1900 : vector<16xi32>
      %gather3A_1902 = tpu.vector_load_idx %arg10[%add3A_1901] : memref<272xi32, #tpu.memory_space<vmem>>[vector<16xi32>], vector<16xi32>,
      %eq3A_1903 = arith.cmpf oeq, %gather3A_1749, %min3A_1764 : vector<16xf32>
      %jit3A_1904 = arith.constant 1073741824 : i32
      %broadcast_in_dim3A_1905 = vector.broadcast %jit3A_1904 : i32 to vector<16xi32>
      %select_n3A_1906 = arith.select %eq3A_1903, %gather3A_1902, %broadcast_in_dim3A_1905 : vector<16xi1>, vector<16xi32>
      %min3A_1907 = arith.minsi %min3A_1898, %select_n3A_1906 : vector<16xi32>
      %gather3A_1908 = tpu.vector_load_idx %arg7[%min3A_1907] : memref<256xf32, #tpu.memory_space<vmem>>[vector<16xi32>], vector<16xf32>,
      %mul3A_1909 = arith.constant 16 : i32
      %mul3A_1910 = arith.muli %scan3A_75, %mul3A_1909 : i32
      %swap3A_1911 = arith.index_cast %mul3A_1910 : i32 to index
      %swap3A_1912 = tpu.vector_load %arg8[%swap3A_1911] {strides = array<i32>} : memref<64xf32, #tpu.memory_space<vmem>>, vector<16xf32>,
      tpu.vector_store %arg8[%swap3A_1911], %gather3A_1908 {strides = array<i32>} : memref<64xf32, #tpu.memory_space<vmem>>, vector<16xf32>,
    }
    %scan3A_66 = arith.constant 4 : i32
    %mul3A_67 = arith.constant 64 : i32
    %mul3A_68 = arith.muli %add3A, %mul3A_67 : i32
    %add3A_69 = arith.constant 0 : i32
    %add3A_70 = arith.addi %mul3A_68, %add3A_69 : i32
    %dma_start3A_71 = tpu.memref_slice %arg4[%add3A_70] : memref<2048xf32, #tpu.memory_space<hbm>> -> memref<64xf32, #tpu.memory_space<hbm>>
    %dma_start3A_72 = tpu.memref_slice %arg4[%add3A_70] : memref<2048xf32, #tpu.memory_space<hbm>> -> memref<64xf32, #tpu.memory_space<hbm>>
    tpu.enqueue_dma source(%arg8 : memref<64xf32, #tpu.memory_space<vmem>>) target(%dma_start3A_72 : memref<64xf32, #tpu.memory_space<hbm>>) target_semaphore(%arg13 : memref<!tpu.dma_semaphore, #tpu.memory_space<semaphore_mem>>)
    %dma_wait3A_73 = tpu.memref_slice %arg4[%add3A_70] : memref<2048xf32, #tpu.memory_space<hbm>> -> memref<64xf32, #tpu.memory_space<hbm>>
    %dma_wait3A_74 = tpu.memref_slice %arg4[%add3A_70] : memref<2048xf32, #tpu.memory_space<hbm>> -> memref<64xf32, #tpu.memory_space<hbm>>
    tpu.wait_dma2 semaphore(%arg13 : memref<!tpu.dma_semaphore, #tpu.memory_space<semaphore_mem>>) src(%arg8 : memref<64xf32, #tpu.memory_space<vmem>>) dst(%dma_wait3A_74 : memref<64xf32, #tpu.memory_space<hbm>>)
    return
  }
}

module attributes {stable_mosaic.version = 14 : i64} {
  func.func @_wtac_tc_block(%arg0: i32, %arg1: memref<7168x256xf32, #tpu.memory_space<vmem>>, %arg2: memref<1x256xf32, #tpu.memory_space<vmem>>, %arg3: memref<7168xf32, #tpu.memory_space<vmem>>) attributes {dimension_semantics = [#tpu.dimension_semantics<arbitrary>], iteration_bounds = array<i64: 2>, scalar_prefetch = 0 : i64, scratch_operands = 0 : i64, tpu.core_type = #tpu.core_type<tc>, window_params = [{transform_indices = @transform_0, window_bounds = array<i64: 7168, 256>}, {pipeline_mode = #tpu.pipeline_mode<synchronous>, transform_indices = @transform_1, window_bounds = array<i64: 1, 256>}, {transform_indices = @transform_2, window_bounds = array<i64: 7168>}]} {
    %get3A = arith.constant 0 : index
    %get3A_0 = arith.constant 0 : index
    %get3A_1 = vector.load %arg1[%get3A, %get3A_0] : memref<7168x256xf32, #tpu.memory_space<vmem>>, vector<7168x256xf32>
    %reduce_min3A = arith.constant dense<0x7F800000> : vector<7168xf32>
    %reduce_min3A_2 = vector.multi_reduction <minimumf>, %get3A_1, %reduce_min3A [1] : vector<7168x256xf32> to vector<7168xf32>
    %broadcast_in_dim3A = vector.shape_cast %reduce_min3A_2 : vector<7168xf32> to vector<7168x1xf32>
    %iota3A = tpu.iota {dimensions = array<i32: 1>} : vector<7168x256xi32>
    %convert_element_type3A = arith.sitofp %iota3A : vector<7168x256xi32> to vector<7168x256xf32>
    %eq3A = vector.broadcast %broadcast_in_dim3A : vector<7168x1xf32> to vector<7168x256xf32>
    %eq3A_3 = arith.cmpf oeq, %get3A_1, %eq3A : vector<7168x256xf32>
    %jit3A = arith.constant 1.07374182E+9 : f32
    %broadcast_in_dim3A_4 = vector.broadcast %jit3A : f32 to vector<7168x256xf32>
    %select_n3A = arith.select %eq3A_3, %convert_element_type3A, %broadcast_in_dim3A_4 : vector<7168x256xi1>, vector<7168x256xf32>
    %reduce_min3A_5 = arith.constant dense<0x7F800000> : vector<7168xf32>
    %reduce_min3A_6 = vector.multi_reduction <minimumf>, %select_n3A, %reduce_min3A_5 [1] : vector<7168x256xf32> to vector<7168xf32>
    %broadcast_in_dim3A_7 = vector.shape_cast %reduce_min3A_6 : vector<7168xf32> to vector<7168x1xf32>
    %eq3A_8 = vector.broadcast %broadcast_in_dim3A_7 : vector<7168x1xf32> to vector<7168x256xf32>
    %eq3A_9 = arith.cmpf oeq, %select_n3A, %eq3A_8 : vector<7168x256xf32>
    %convert_element_type3A_10 = arith.extui %eq3A_9 : vector<7168x256xi1> to vector<7168x256xi32>
    %convert_element_type3A_11 = arith.sitofp %convert_element_type3A_10 : vector<7168x256xi32> to vector<7168x256xf32>
    %get3A_12 = arith.constant 0 : index
    %get3A_13 = arith.constant 0 : index
    %get3A_14 = vector.load %arg2[%get3A_12, %get3A_13] : memref<1x256xf32, #tpu.memory_space<vmem>>, vector<1x256xf32>
    %dot_general3A = arith.constant dense<0.000000e+00> : vector<1x7168xf32>
    %dot_general3A_15 = tpu.matmul %get3A_14, %convert_element_type3A_11, %dot_general3A {dimension_numbers = #tpu.dot_dimension_numbers<[1], [1], [0], [0], [0, 0, 1, 0], [], []>, transpose_lhs_hint = false} : vector<1x256xf32>, vector<7168x256xf32>, vector<1x7168xf32> -> vector<1x7168xf32>
    %reshape3A = vector.shape_cast %dot_general3A_15 : vector<1x7168xf32> to vector<7168xf32>
    %swap3A = arith.constant 0 : index
    %swap3A_16 = vector.load %arg3[%swap3A] : memref<7168xf32, #tpu.memory_space<vmem>>, vector<7168xf32>
    tpu.vector_store %arg3[%swap3A], %reshape3A {strides = array<i32>} : memref<7168xf32, #tpu.memory_space<vmem>>, vector<7168xf32>,
    return
  }
  func.func @transform_0(%arg0: i32) -> (i32, i32) {
    %c0_i32 = arith.constant 0 : i32
    %c0_i32_0 = arith.constant 0 : i32
    return %arg0, %c0_i32 : i32, i32
  }
  func.func @transform_1(%arg0: i32) -> (i32, i32) {
    %c0_i32 = arith.constant 0 : i32
    %c0_i32_0 = arith.constant 0 : i32
    %c0_i32_1 = arith.constant 0 : i32
    return %c0_i32, %c0_i32_0 : i32, i32
  }
  func.func @transform_2(%arg0: i32) -> i32 {
    %c0_i32 = arith.constant 0 : i32
    return %arg0 : i32
  }
}

</mosaic_0001>

<sc_bundles>
// kernel: kernel.4.cloned.1.call-start
scs
__scs_entry_jumppad:
0x0: {  	(pc) =	sbr.rel $0x88, $3  }
0x1: {  	(tag) =	ssettag $0x0;
	lr =	simm.s32 $0x1  }
0x2: {  	[smem:$0x3F9F] =	sst lr;
	_ =	strace $0xD0000000  }
0x3: {  	_ = 	snop  }
0x4: {  	_ = 	snop  }
0x5: {  	_ = 	snop  }
0x6: {  	_ = 	snop  }
0x7: {  	_ = 	snop  }
__scs_overlays_trampoline_lowered:
0x8: {  	[smem:$0x3FAE] =	sst s0  }
0x9: {  	[smem:$0x3FAF] =	sst s1  }
0xa: {  	[smem:$0x3FB0] =	sst s2  }
0xb: {  	[smem:$0x3FB1] =	sst s3  }
0xc: {  	[smem:$0x3FB2] =	sst s4  }
0xd: {  	[smem:$0x3FB3] =	sst s5  }
0xe: {  	[smem:$0x3FB4] =	sst s6  }
0xf: {  	[smem:$0x3FB5] =	sst s7  }
0x10: {  	[smem:$0x3FB6] =	sst s8  }
0x11: {  	[smem:$0x3FB7] =	sst s9;
	s0 =	simm.s32 @!p0 $0x0  }
0x12: {  	s1 =	sld [smem:$0x3F9D];
	s0 =	simm.s32 @p0 $0x1  }
0x13: {  	[smem:$0x3FB8] =	sst s0;
	s0 =	simm.s32 @!p1 $0x0  }
0x14: {  	s2 =	sld [smem:$0x3F9C];
	s0 =	simm.s32 @p1 $0x1  }
0x15: {  	[smem:$0x3FB9] =	sst s0;
	s0 =	simm.s32 @!p2 $0x0  }
0x16: {  	s3 =	sld [smem:$0x3FDB];
	s0 =	simm.s32 @p2 $0x1  }
0x17: {  	s4 =	simm.s32 $0x1BF5;
	[smem:$0x3FBB] =	sst s0  }
0x18: {  	s0 =	sld [smem:$0x3F9E];
	_ =	swait.ge [sflag:s4], $0x0  }
0x19: {  	s7 =	sld [smem:$0x3F9F]  }
0x1a: {  	s8 =	sadd.s32 $0xFFFFE003, lr  }
0x1b: {  	s9 =	sadd.s32 $0xFFFFFEF7, lr;
	s5 =	simm.s32 $0xFFFFFFFF;
	p2 =	slt.u32 s8, $0xFFFFF086  }
0x1c: {  	p1 =	slt.u32 s9, $0xF7A;
	s5 =	simm.s32 @!p2 $0x0  }
0x1d: {  	s5 =	simm.s32 @p1 $0x1;
	p0 =	seq.s32 s7, s2  }
0x1e: {  	s7 =	smul.u32 @!p0 $0xF7A, s2;
	p2 =	seq.s32 @!p0 s5, $0x0  }
0x1f: {  	s9 =	smul.u32 $0xF7A, s1;
	s8 =	simm.s32 @!p0 $0x1BF5;
	p2 =	por !p2, p0  }
0x20: {  	[sflag:s8] =	ssyncset.s32 @!p0 $0xFFFFF086;
	s6 =	sadd.s32 @!p0 s3, s7;
	s7 =	simm.s32 @!p0 $0x108  }
0x21: {  	s3 =	sadd.s32 s3, s9;
	s6 =	sadd.s32 @!p0 $0x88, s6;
	s7 =	simm.s32 @p2 $0x1082  }
0x22: {  	[simem:s7], [sflag:s8] =	dma.local @!p0 [hbm:s6], $0xF7A  }
0x23: {  	s9 =	sor.u32 $0xD0000000, s2;
	s6 =	simm.s32 $0x108;
	_ =	swait.ge @!p0 [sflag:s8], $0x0  }
0x24: {  	s3 =	sadd.s32 $0x88, s3;
	s6 =	simm.s32 @!p1 $0x1082;
	[sflag:s4] =	ssyncset.s32 $0xFFFFF086  }
0x25: {  	[simem:s6], [sflag:s4] =	dma.local [hbm:s3], $0xF7A  }
0x26: {  	[smem:$0x3F9F] =	sst s1;
	(tag) =	ssettag s2;
	_ =	strace s9  }
0x27: {  	s1 =	sld [smem:$0x3FAF]  }
0x28: {  	s2 =	sld [smem:$0x3FB0]  }
0x29: {  	s4 =	sld [smem:$0x3FB2]  }
0x2a: {  	p0 =	seq.s32 s5, $0x0;
	s5 =	sld [smem:$0x3FB3]  }
0x2b: {  	s6 =	sld [smem:$0x3FB4]  }
0x2c: {  	s7 =	sld [smem:$0x3FB5]  }
0x2d: {  	s3 =	simm.s32 $0x108;
	s8 =	sld [smem:$0x3FB6]  }
0x2e: {  	s3 =	simm.s32 @!p0 $0x1082;
	s9 =	sld [smem:$0x3FB7]  }
0x2f: {  	lr =	sadd.s32 s0, s3;
	s0 =	sld [smem:$0x3FAE]  }
0x30: {  	s3 =	sld [smem:$0x3FB1]  }
0x31: {  	[smem:$0x3FBA] =	sst s10  }
0x32: {  	s10 =	sld [smem:$0x3FB8];
	_ =	sdelay $0x3  }
0x33: {  	p0 =	seq.s32 s10, $0x1;
	s10 =	sld [smem:$0x3FBA];
	_ =	sdelay $0x3  }
0x34: {  	[smem:$0x3FBA] =	sst s10  }
0x35: {  	s10 =	sld [smem:$0x3FB9];
	_ =	sdelay $0x3  }
0x36: {  	p1 =	seq.s32 s10, $0x1;
	s10 =	sld [smem:$0x3FBA];
	_ =	sdelay $0x3  }
0x37: {  	[smem:$0x3FBA] =	sst s10  }
0x38: {  	s10 =	sld [smem:$0x3FBB]  }
0x39: {  	_ = 	snop;
	(pc) =	sbr.ind lr, $3  }
0x3a: {  	_ = 	snop  }
0x3b: {  	_ = 	snop  }
0x3c: {  	p2 =	seq.s32 s10, $0x1;
	s10 =	sld [smem:$0x3FBA]  }
0x3d: {  	_ =	shalt  }
0x3e: {  	_ =	shalt  }
0x3f: {  	_ =	shalt  }
0x40: {  	_ =	shalt  }
0x41: {  	_ =	shalt  }
0x42: {  	_ =	shalt  }
0x43: {  	_ =	shalt  }
0x44: {  	_ =	shalt  }
0x45: {  	_ =	shalt  }
0x46: {  	_ =	shalt  }
0x47: {  	_ =	shalt  }
0x48: {  	_ =	shalt  }
0x49: {  	_ =	shalt  }
0x4a: {  	_ =	shalt  }
0x4b: {  	_ =	shalt  }
0x4c: {  	_ =	shalt  }
0x4d: {  	_ =	shalt  }
0x4e: {  	_ =	shalt  }
0x4f: {  	_ =	shalt  }
0x50: {  	_ =	shalt  }
0x51: {  	_ =	shalt  }
0x52: {  	_ =	shalt  }
0x53: {  	_ =	shalt  }
0x54: {  	_ =	shalt  }
0x55: {  	_ =	shalt  }
0x56: {  	_ =	shalt  }
0x57: {  	_ =	shalt  }
0x58: {  	_ =	shalt  }
0x59: {  	_ =	shalt  }
0x5a: {  	_ =	shalt  }
0x5b: {  	_ =	shalt  }
0x5c: {  	_ =	shalt  }
0x5d: {  	_ =	shalt  }
0x5e: {  	_ =	shalt  }
0x5f: {  	_ =	shalt  }
0x60: {  	_ =	shalt  }
0x61: {  	_ =	shalt  }
0x62: {  	_ =	shalt  }
0x63: {  	_ =	shalt  }
0x64: {  	_ =	shalt  }
0x65: {  	_ =	shalt  }
0x66: {  	_ =	shalt  }
0x67: {  	_ =	shalt  }
0x68: {  	_ =	shalt  }
0x69: {  	_ =	shalt  }
0x6a: {  	_ =	shalt  }
0x6b: {  	_ =	shalt  }
0x6c: {  	_ =	shalt  }
0x6d: {  	_ =	shalt  }
0x6e: {  	_ =	shalt  }
0x6f: {  	_ =	shalt  }
0x70: {  	_ =	shalt  }
0x71: {  	_ =	shalt  }
0x72: {  	_ =	shalt  }
0x73: {  	_ =	shalt  }
0x74: {  	_ =	shalt  }
0x75: {  	_ =	shalt  }
0x76: {  	_ =	shalt  }
0x77: {  	_ =	shalt  }
0x78: {  	_ =	shalt  }
0x79: {  	_ =	shalt  }
0x7a: {  	_ =	shalt  }
0x7b: {  	_ =	shalt  }
0x7c: {  	_ =	shalt  }
0x7d: {  	_ =	shalt  }
0x7e: {  	_ =	shalt  }
0x7f: {  	_ =	shalt  }
0x80: {  	_ =	shalt  }
0x81: {  	_ =	shalt  }
0x82: {  	_ =	shalt  }
0x83: {  	_ =	shalt  }
0x84: {  	_ =	shalt  }
0x85: {  	_ =	shalt  }
0x86: {  	_ =	shalt  }
0x87: {  	_ =	shalt  }
.Lfunc_end0:
.L_simem_size_0:
called_computation_lowered:
.L_overlay_start_0:
0x88: {  	s2 =	sld [smem:$0x3FD9]  }
0x89: {  	s3 =	sld [smem:$0x3FFE];
	_ =	sdelay $0x1  }
0x8a: {  	s1 =	srdreg.scid  }
0x8b: {  	s0 =	sand.u32 $0x1, s1  }
0x8c: {  	s17 =	sshll.u32 s0, $0xA;
	s2 =	sadd.s32 s3, s2  }
0x8d: {  	s2 =	sadd.s32 s2, s17  }
0x8e: {  	[smem:$0x3FC6] =	sst s2  }
0x8f: {  	_ = 	snop  }
0x90: {  	s2 =	sld [smem:$0x3FC9]  }
0x91: {  	s18 =	sld [smem:$0x3FC8];
	(tm) =	ssettm $0x1  }
0x92: {  	s4 =	sld [smem:$0x3FFB];
	_ =	sdelay $0x3  }
0x93: {  	_ =	strace s4  }
0x94: {  	s4 =	sld [smem:$0x3FFC];
	_ =	sdelay $0x3  }
0x95: {  	_ =	strace s4  }
0x96: {  	s4 =	sld [smem:$0x3FFD];
	_ =	sdelay $0x3  }
0x97: {  	_ =	strace s4  }
0x98: {  	_ =	strace $0x8FFFFFFF  }
0x99: {  	s19 =	sld [smem:$0x3FDB];
	_ =	sdelay $0x1  }
0x9a: {  	s5 =	simm.s32 $_scs_section_size  }
0x9b: {  	s6 =	simm.s32 $_size__tile_overlayer_lowered;
	s7 =	simm.s32 $_tile_overlayer_lowered  }
0x9c: {  	s22 =	simm.s32 $0x1BFF;
	s21 =	sshll.u32 s7, $0x1;
	s4 =	sadd.s32 s5, s19  }
0x9d: {  	s8 =	simm.s32 $0x0;
	s20 =	sshll.u32 s6, $0x1;
	s6 =	sadd.s32 s21, s4  }
0x9e: {  	[timem:s8], [sflag:s22] =	dma.local [hbm:s6], s20  }
0x9f: {  	_ =	swait.ge [sflag:s22], s20  }
0xa0: {  	s5 =	ssub.s32 $0x0, s20;
	[sflag:s22] =	ssyncset.done $0x0  }
0xa1: {  	[sflag:s22] =	ssyncadd.s32 s5;
	_ =	sdelay $0x1  }
0xa2: {  	s23 =	simm.s32 $0x1B8B  }
0xa3: {  	_ =	swait.ge [sflag:s23], $0x1  }
0xa4: {  	[sflag:s23] =	ssyncset.done $0x0  }
0xa5: {  	s25 =	simm.s32 $0x1B8E;
	s24 =	sld [smem:$0x3FFE];
	[sflag:s23] =	ssyncadd.s32 $0xFFFFFFFF  }
0xa6: {  	s26 =	simm.s32 $execute0_lowered;
	[smem:$0x3FD2] =	sst s25  }
0xa7: {  	s6 =	sshll.u32 s26, $0x1;
	_ =	strace $0x80000046;
	[dreg:$0x1] =	wrdreg $0xFFFFFFFF  }
0xa8: {  	s28 =	simm.s32 $_size_execute0_lowered;
	s4 =	sadd.s32 s4, s6;
	[dreg:$0x0] =	wrdreg $0x0  }
0xa9: {  	s6 =	sshll.u32 s28, $0x1;
	[dreg:$0x2] =	wrdreg s4  }
0xaa: {  	[dreg:$0x3] =	wrdreg s6  }
0xab: {  	[dreg:$0x4] =	wrdreg $0xC0  }
0xac: {  	_ =	task [dreg:s8], $0x5FFFF  }
0xad: {  	[dreg:$0x1] =	wrdreg $0xFFFFFFFF  }
0xae: {  	[dreg:$0x0] =	wrdreg $0x60  }
0xaf: {  	[dreg:$0x2] =	wrdreg s2  }
0xb0: {  	[dreg:$0x3] =	wrdreg s18  }
0xb1: {  	[dreg:$0x4] =	wrdreg s24  }
0xb2: {  	[dreg:$0x5] =	wrdreg $0x9  }
0xb3: {  	_ =	task.clear_ibuf [dreg:s8], $0x6FFFF;
	_ =	strace $0x90000046  }
0xb4: {  	s29 =	simm.s32 $0x9;
	_ =	strace $0x80000048  }
0xb5: {  	_ =	swait.ge [sflag:s29], $0x1  }
0xb6: {  	[sflag:s29] =	ssyncadd.s32 $0xFFFFFFFF  }
0xb7: {  	_ =	strace $0x90000048  }
0xb8: {  	_ =	sfence  }
0xb9: {  	s30 =	sld [smem:$0x0];
	_ =	sdelay $0x2  }
0xba: {  	s31 =	sshll.u32 s1, $0xD;
	s1 =	sshrl.u32 s1, $0x2  }
0xbb: {  	s3 =	sand.u32 $0x4000, s31;
	s1 =	sadd.s32 s1, s30  }
0xbc: {  	s0 =	sor.u32 s3, s0;
	s1 =	sshll.u32 s1, $0x11  }
0xbd: {  	s0 =	sor.u32 s1, s0  }
0xbe: {  	s0 =	sadd.s32 $0x8F2B, s0  }
0xbf: {  	[sflag:s0] =	ssyncadd.remote.s32 $0x1  }
0xc0: {  	_ =	sfence.sel $0xFFFF  }
0xc1: {  	[dreg:$0x0] =	wrdreg $0xFFFFFFFF;
	(pc) =	sbr.abs _section_cstart, $3  }
0xc2: {  	[dreg:$0x1] =	wrdreg $0xFFFFFFFF  }
0xc3: {  	_ =	task.clear_ibuf [dreg:s8], $0x2FFFF;
	_ =	strace $0x9FFFFFFF  }
0xc4: {  	(tm) =	ssettm $0x7FFFFFFF  }
0xc5: {  	_ =	shalt  }
tec
execute0_lowered:
.L_overlay_start_1:
0x0: {  	(tag) =	ssettag $0x1  }
0x1: {  	s4 =	rddreg [dreg:$0x0]  }
0x2: {  	s1 =	rddreg [dreg:$0x1];
	v0 =	vlaneseq.u32  }
0x3: {  	s5 =	rddreg [dreg:$0x2];
	v1 =	vor.u32 $0x10, v0  }
0x4: {  	s0 =	rddreg [dreg:$0x3];
	v2 =	vor.u32 $0x20, v0;
	v3 =	vor.u32 $0x30, v0;
	v4 =	vor.u32 $0x40, v0  }
0x5: {  	s6 =	srdreg.scid;
	s3 =	simm.s32 $0x0;
	s2 =	stileid.u32;
	v5 =	vor.u32 $0x50, v0;
	v6 =	vor.u32 $0x60, v0;
	v7 =	vor.u32 $0x70, v0  }
0x6: {  	s9 =	simm.s32 $0x1;
	s10 =	simm.s32 $0x4180;
	s11 =	simm.s32 $0x4300;
	v8 =	vor.u32 $0x80, v0;
	v9 =	vor.u32 $0x90, v0;
	v10 =	vor.u32 $0xA0, v0  }
0x7: {  	s12 =	simm.s32 $0x4100;
	s13 =	simm.s32 $0x2;
	s6 =	sand.u32 $0x1, s6;
	v11 =	vor.u32 $0xB0, v0;
	v12 =	vor.u32 $0xC0, v0;
	v13 =	vmul.u32 $0x11, v0  }
0x8: {  	s14 =	simm.s32 $0x0;
	s7 =	sshll.u32 s2, $0x7;
	v14 =	vor.u32 $0xD0, v0;
	v15 =	vor.u32 $0xE0, v0;
	v16 =	vor.u32 $0xF0, v0;
	s8 =	sshll.u32 s6, $0x6  }
0x9: {  	[smem:$0x7FF] =	sst s3;
	s6 =	ssub.s32 $0x2, s6;
	s7 =	sor.u32 s8, s7;
	v17 =	vadd.s32 $0x1, v13;
	v18 =	vadd.s32 $0x2, v13;
	v19 =	vadd.s32 $0x3, v13  }
0xa: {  	_ =	strace $0x80000047;
	s31 =	sshrl.u32 s6, $0x1;
	v20 =	vadd.s32 $0x4, v13;
	v21 =	vadd.s32 $0x5, v13;
	v22 =	vadd.s32 $0x6, v13;
	s8 =	sshrl.u32 s7, $0x3  }
0xb: {  	v23 =	vadd.s32 $0x7, v13;
	v24 =	vadd.s32 $0x8, v13;
	v25 =	vadd.s32 $0x9, v13;
	s7 =	sshll.u32 s7, $0x5;
	s6 =	ssub.s32 s6, s31;
	s5 =	sadd.s32 s8, s5  }
0xc: {  	v26 =	vadd.s32 $0xA, v13;
	v27 =	vadd.s32 $0xB, v13;
	v28 =	vadd.s32 $0xC, v13;
	s4 =	sadd.s32 s7, s4;
	s6 =	smax.u32 s6, $0x1;
	s7 =	simm.s32 $0x4000  }
0xd: {  	v29 =	vadd.s32 $0xD, v13;
	v30 =	vadd.s32 $0xE, v13;
	v31 =	vadd.s32 $0xF, v13;
	s8 =	simm.s32 $0x3;
	s4 =	sadd.s32 $0x70000, s4;
	s5 =	sadd.s32 $0x800, s5  }
.LBB2_1:
0xe: {  	[tilespmem:s7], [sflag:$0x3] =	stream.linear.gather [hbm4b:s1+s3], $0x100, $0x38;
	[tilespmem:$0x4480] =	vst v63  }
0xf: {  	_ =	swait.ge [sflag:s8], $0x100  }
0x10: {  	[sflag:s8] =	ssyncset.done $0x0  }
0x11: {  	[sflag:s8] =	ssyncadd.s32 $0xFFFFFF00  }
0x12: {  	[tilespmem:s3], [sflag:$0x1] =	stream.linear.gather [hbm4b:s4+s3], $0x4000, $0x38;
	[tilespmem:$0x4480] =	vst v63  }
0x13: {  	_ =	swait.ge [sflag:s9], $0x4000  }
0x14: {  	[sflag:s9] =	ssyncset.done $0x0  }
0x15: {  	s15 =	simm.s32 $0x0;
	[sflag:s9] =	ssyncadd.s32 $0xFFFFC000  }
.LBB2_2:
0x16: {  	s16 =	sshll.u32 s15, $0xC  }
0x17: {  	s16 =	sand.u32 $0x3FFFF000, s16  }
0x18: {  	v32 =	vld [tilespmem:s16+$0x0]  }
0x19: {  	v33 =	vld [tilespmem:s16+$0x10]  }
0x1a: {  	v34 =	vld [tilespmem:s16+$0x20]  }
0x1b: {  	v35 =	vld [tilespmem:s16+$0x30]  }
0x1c: {  	v36 =	vld [tilespmem:s16+$0x40]  }
0x1d: {  	v37 =	vld [tilespmem:s16+$0x50]  }
0x1e: {  	v46 =	vld [tilespmem:s16+$0x60];
	vm0 =	vlt.f32 v33, v32;
	v32 =	vmin.f32 v32, v33  }
0x1f: {  	v47 =	vld [tilespmem:s16+$0x70];
	v38 =	vsel vm0, v1, v0;
	vm12 =	vlt.f32 v34, v32;
	v32 =	vmin.f32 v32, v34  }
0x20: {  	v48 =	vld [tilespmem:s16+$0x400];
	v38 =	vsel vm12, v2, v38;
	vm13 =	vlt.f32 v35, v32;
	v32 =	vmin.f32 v32, v35  }
0x21: {  	v49 =	vld [tilespmem:s16+$0x410];
	v38 =	vsel vm13, v3, v38;
	vm14 =	vlt.f32 v36, v32;
	v32 =	vmin.f32 v32, v36  }
0x22: {  	v50 =	vld [tilespmem:s16+$0x420];
	v38 =	vsel vm14, v4, v38;
	vm15 =	vlt.f32 v37, v32;
	v32 =	vmin.f32 v32, v37  }
0x23: {  	v51 =	vld [tilespmem:s16+$0x430];
	v38 =	vsel vm15, v5, v38;
	vm4 =	vlt.f32 v46, v32;
	v32 =	vmin.f32 v32, v46  }
0x24: {  	v52 =	vld [tilespmem:s16+$0x440];
	v38 =	vsel vm4, v6, v38;
	vm5 =	vlt.f32 v47, v32;
	v32 =	vmin.f32 v32, v47  }
0x25: {  	v53 =	vld [tilespmem:s16+$0x450];
	v38 =	vsel vm5, v7, v38;
	vm6 =	vlt.f32 v48, v32;
	v32 =	vmin.f32 v32, v48  }
0x26: {  	v54 =	vld [tilespmem:s16+$0x460];
	v38 =	vsel vm6, v8, v38;
	vm7 =	vlt.f32 v49, v32;
	v32 =	vmin.f32 v32, v49  }
0x27: {  	v55 =	vld [tilespmem:s16+$0x470];
	v38 =	vsel vm7, v9, v38;
	vm8 =	vlt.f32 v50, v32;
	v32 =	vmin.f32 v32, v50  }
0x28: {  	v38 =	vsel vm8, v10, v38;
	vm9 =	vlt.f32 v51, v32;
	v32 =	vmin.f32 v32, v51  }
0x29: {  	v56 =	vsel vm9, v11, v38;
	vm10 =	vlt.f32 v52, v32;
	v32 =	vmin.f32 v32, v52  }
0x2a: {  	v33 =	vsel vm10, v12, v56;
	vm11 =	vlt.f32 v53, v32;
	v32 =	vmin.f32 v32, v53  }
0x2b: {  	v33 =	vsel vm11, v14, v33;
	vm12 =	vlt.f32 v54, v32;
	v32 =	vmin.f32 v32, v54  }
0x2c: {  	v33 =	vsel vm12, v15, v33;
	vm13 =	vlt.f32 v55, v32;
	v32 =	vmin.f32 v32, v55  }
0x2d: {  	v33 =	vsel vm13, v16, v33;
	[tilespmem:$0x4180] =	vst v32  }
0x2e: {  	[tilespmem:$0x4300] =	vst v33  }
0x2f: {  	v32 =	vld [tilespmem:s16+$0x80]  }
0x30: {  	v33 =	vld [tilespmem:s16+$0x90]  }
0x31: {  	v57 =	vld [tilespmem:s16+$0xA0]  }
0x32: {  	v58 =	vld [tilespmem:s16+$0xB0]  }
0x33: {  	v59 =	vld [tilespmem:s16+$0xC0]  }
0x34: {  	v60 =	vld [tilespmem:s16+$0xD0]  }
0x35: {  	v61 =	vld [tilespmem:s16+$0xE0];
	vm14 =	vlt.f32 v33, v32;
	v32 =	vmin.f32 v32, v33  }
0x36: {  	v63 =	vld [tilespmem:s16+$0xF0];
	v62 =	vsel vm14, v1, v0;
	vm15 =	vlt.f32 v57, v32;
	v32 =	vmin.f32 v32, v57  }
0x37: {  	v40 =	vld [tilespmem:s16+$0x480];
	v38 =	vsel vm15, v2, v62;
	vm4 =	vlt.f32 v58, v32;
	v32 =	vmin.f32 v32, v58  }
0x38: {  	v41 =	vld [tilespmem:s16+$0x490];
	v38 =	vsel vm4, v3, v38;
	vm5 =	vlt.f32 v59, v32;
	v32 =	vmin.f32 v32, v59  }
0x39: {  	v42 =	vld [tilespmem:s16+$0x4A0];
	v38 =	vsel vm5, v4, v38;
	vm6 =	vlt.f32 v60, v32;
	v32 =	vmin.f32 v32, v60  }
0x3a: {  	v43 =	vld [tilespmem:s16+$0x4B0];
	v38 =	vsel vm6, v5, v38;
	vm7 =	vlt.f32 v61, v32;
	v32 =	vmin.f32 v32, v61  }
0x3b: {  	v44 =	vld [tilespmem:s16+$0x4C0];
	v38 =	vsel vm7, v6, v38;
	vm8 =	vlt.f32 v63, v32;
	v32 =	vmin.f32 v32, v63  }
0x3c: {  	v45 =	vld [tilespmem:s16+$0x4D0];
	v38 =	vsel vm8, v7, v38;
	vm9 =	vlt.f32 v40, v32;
	v32 =	vmin.f32 v32, v40  }
0x3d: {  	v46 =	vld [tilespmem:s16+$0x4E0];
	v38 =	vsel vm9, v8, v38;
	vm10 =	vlt.f32 v41, v32;
	v32 =	vmin.f32 v32, v41  }
0x3e: {  	v47 =	vld [tilespmem:s16+$0x4F0];
	v38 =	vsel vm10, v9, v38;
	vm11 =	vlt.f32 v42, v32;
	v32 =	vmin.f32 v32, v42  }
0x3f: {  	v38 =	vsel vm11, v10, v38;
	vm12 =	vlt.f32 v43, v32;
	v32 =	vmin.f32 v32, v43  }
0x40: {  	v48 =	vsel vm12, v11, v38;
	vm13 =	vlt.f32 v44, v32;
	v32 =	vmin.f32 v32, v44  }
0x41: {  	v33 =	vsel vm13, v12, v48;
	vm14 =	vlt.f32 v45, v32;
	v32 =	vmin.f32 v32, v45  }
0x42: {  	v33 =	vsel vm14, v14, v33;
	vm15 =	vlt.f32 v46, v32;
	v32 =	vmin.f32 v32, v46  }
0x43: {  	v33 =	vsel vm15, v15, v33;
	vm4 =	vlt.f32 v47, v32;
	v32 =	vmin.f32 v32, v47  }
0x44: {  	v33 =	vsel vm4, v16, v33;
	[tilespmem:$0x4191] =	vst v32  }
0x45: {  	[tilespmem:$0x4311] =	vst v33  }
0x46: {  	v32 =	vld [tilespmem:s16+$0x100]  }
0x47: {  	v33 =	vld [tilespmem:s16+$0x110]  }
0x48: {  	v49 =	vld [tilespmem:s16+$0x120]  }
0x49: {  	v50 =	vld [tilespmem:s16+$0x130]  }
0x4a: {  	v51 =	vld [tilespmem:s16+$0x140]  }
0x4b: {  	v52 =	vld [tilespmem:s16+$0x150]  }
0x4c: {  	v53 =	vld [tilespmem:s16+$0x160];
	vm5 =	vlt.f32 v33, v32;
	v32 =	vmin.f32 v32, v33  }
0x4d: {  	v55 =	vld [tilespmem:s16+$0x170];
	v54 =	vsel vm5, v1, v0;
	vm6 =	vlt.f32 v49, v32;
	v32 =	vmin.f32 v32, v49  }
0x4e: {  	v56 =	vld [tilespmem:s16+$0x500];
	v38 =	vsel vm6, v2, v54;
	vm7 =	vlt.f32 v50, v32;
	v32 =	vmin.f32 v32, v50  }
0x4f: {  	v57 =	vld [tilespmem:s16+$0x510];
	v38 =	vsel vm7, v3, v38;
	vm8 =	vlt.f32 v51, v32;
	v32 =	vmin.f32 v32, v51  }
0x50: {  	v58 =	vld [tilespmem:s16+$0x520];
	v38 =	vsel vm8, v4, v38;
	vm9 =	vlt.f32 v52, v32;
	v32 =	vmin.f32 v32, v52  }
0x51: {  	v59 =	vld [tilespmem:s16+$0x530];
	v38 =	vsel vm9, v5, v38;
	vm10 =	vlt.f32 v53, v32;
	v32 =	vmin.f32 v32, v53  }
0x52: {  	v60 =	vld [tilespmem:s16+$0x540];
	v38 =	vsel vm10, v6, v38;
	vm11 =	vlt.f32 v55, v32;
	v32 =	vmin.f32 v32, v55  }
0x53: {  	v61 =	vld [tilespmem:s16+$0x550];
	v38 =	vsel vm11, v7, v38;
	vm12 =	vlt.f32 v56, v32;
	v32 =	vmin.f32 v32, v56  }
0x54: {  	v62 =	vld [tilespmem:s16+$0x560];
	v38 =	vsel vm12, v8, v38;
	vm13 =	vlt.f32 v57, v32;
	v32 =	vmin.f32 v32, v57  }
0x55: {  	v63 =	vld [tilespmem:s16+$0x570];
	v38 =	vsel vm13, v9, v38;
	vm14 =	vlt.f32 v58, v32;
	v32 =	vmin.f32 v32, v58  }
0x56: {  	v38 =	vsel vm14, v10, v38;
	vm15 =	vlt.f32 v59, v32;
	v32 =	vmin.f32 v32, v59  }
0x57: {  	v40 =	vsel vm15, v11, v38;
	vm4 =	vlt.f32 v60, v32;
	v32 =	vmin.f32 v32, v60  }
0x58: {  	v33 =	vsel vm4, v12, v40;
	vm5 =	vlt.f32 v61, v32;
	v32 =	vmin.f32 v32, v61  }
0x59: {  	v33 =	vsel vm5, v14, v33;
	vm6 =	vlt.f32 v62, v32;
	v32 =	vmin.f32 v32, v62  }
0x5a: {  	v33 =	vsel vm6, v15, v33;
	vm7 =	vlt.f32 v63, v32;
	v32 =	vmin.f32 v32, v63  }
0x5b: {  	v33 =	vsel vm7, v16, v33;
	[tilespmem:$0x41A2] =	vst v32  }
0x5c: {  	[tilespmem:$0x4322] =	vst v33  }
0x5d: {  	v32 =	vld [tilespmem:s16+$0x180]  }
0x5e: {  	v33 =	vld [tilespmem:s16+$0x190]  }
0x5f: {  	v41 =	vld [tilespmem:s16+$0x1A0]  }
0x60: {  	v42 =	vld [tilespmem:s16+$0x1B0]  }
0x61: {  	v43 =	vld [tilespmem:s16+$0x1C0]  }
0x62: {  	v44 =	vld [tilespmem:s16+$0x1D0]  }
0x63: {  	v45 =	vld [tilespmem:s16+$0x1E0];
	vm8 =	vlt.f32 v33, v32;
	v32 =	vmin.f32 v32, v33  }
0x64: {  	v47 =	vld [tilespmem:s16+$0x1F0];
	v46 =	vsel vm8, v1, v0;
	vm9 =	vlt.f32 v41, v32;
	v32 =	vmin.f32 v32, v41  }
0x65: {  	v48 =	vld [tilespmem:s16+$0x580];
	v38 =	vsel vm9, v2, v46;
	vm10 =	vlt.f32 v42, v32;
	v32 =	vmin.f32 v32, v42  }
0x66: {  	v49 =	vld [tilespmem:s16+$0x590];
	v38 =	vsel vm10, v3, v38;
	vm11 =	vlt.f32 v43, v32;
	v32 =	vmin.f32 v32, v43  }
0x67: {  	v50 =	vld [tilespmem:s16+$0x5A0];
	v38 =	vsel vm11, v4, v38;
	vm12 =	vlt.f32 v44, v32;
	v32 =	vmin.f32 v32, v44  }
0x68: {  	v51 =	vld [tilespmem:s16+$0x5B0];
	v38 =	vsel vm12, v5, v38;
	vm13 =	vlt.f32 v45, v32;
	v32 =	vmin.f32 v32, v45  }
0x69: {  	v52 =	vld [tilespmem:s16+$0x5C0];
	v38 =	vsel vm13, v6, v38;
	vm14 =	vlt.f32 v47, v32;
	v32 =	vmin.f32 v32, v47  }
0x6a: {  	v53 =	vld [tilespmem:s16+$0x5D0];
	v38 =	vsel vm14, v7, v38;
	vm15 =	vlt.f32 v48, v32;
	v32 =	vmin.f32 v32, v48  }
0x6b: {  	v54 =	vld [tilespmem:s16+$0x5E0];
	v38 =	vsel vm15, v8, v38;
	vm4 =	vlt.f32 v49, v32;
	v32 =	vmin.f32 v32, v49  }
0x6c: {  	v55 =	vld [tilespmem:s16+$0x5F0];
	v38 =	vsel vm4, v9, v38;
	vm5 =	vlt.f32 v50, v32;
	v32 =	vmin.f32 v32, v50  }
0x6d: {  	v38 =	vsel vm5, v10, v38;
	vm6 =	vlt.f32 v51, v32;
	v32 =	vmin.f32 v32, v51  }
0x6e: {  	v56 =	vsel vm6, v11, v38;
	vm7 =	vlt.f32 v52, v32;
	v32 =	vmin.f32 v32, v52  }
0x6f: {  	v33 =	vsel vm7, v12, v56;
	vm8 =	vlt.f32 v53, v32;
	v32 =	vmin.f32 v32, v53  }
0x70: {  	v33 =	vsel vm8, v14, v33;
	vm9 =	vlt.f32 v54, v32;
	v32 =	vmin.f32 v32, v54  }
0x71: {  	v33 =	vsel vm9, v15, v33;
	vm10 =	vlt.f32 v55, v32;
	v32 =	vmin.f32 v32, v55  }
0x72: {  	v33 =	vsel vm10, v16, v33;
	[tilespmem:$0x41B3] =	vst v32  }
0x73: {  	[tilespmem:$0x4333] =	vst v33  }
0x74: {  	v32 =	vld [tilespmem:s16+$0x200]  }
0x75: {  	v33 =	vld [tilespmem:s16+$0x210]  }
0x76: {  	v57 =	vld [tilespmem:s16+$0x220]  }
0x77: {  	v58 =	vld [tilespmem:s16+$0x230]  }
0x78: {  	v59 =	vld [tilespmem:s16+$0x240]  }
0x79: {  	v60 =	vld [tilespmem:s16+$0x250]  }
0x7a: {  	v61 =	vld [tilespmem:s16+$0x260];
	vm11 =	vlt.f32 v33, v32;
	v32 =	vmin.f32 v32, v33  }
0x7b: {  	v63 =	vld [tilespmem:s16+$0x270];
	v62 =	vsel vm11, v1, v0;
	vm12 =	vlt.f32 v57, v32;
	v32 =	vmin.f32 v32, v57  }
0x7c: {  	v40 =	vld [tilespmem:s16+$0x600];
	v38 =	vsel vm12, v2, v62;
	vm13 =	vlt.f32 v58, v32;
	v32 =	vmin.f32 v32, v58  }
0x7d: {  	v41 =	vld [tilespmem:s16+$0x610];
	v38 =	vsel vm13, v3, v38;
	vm14 =	vlt.f32 v59, v32;
	v32 =	vmin.f32 v32, v59  }
0x7e: {  	v42 =	vld [tilespmem:s16+$0x620];
	v38 =	vsel vm14, v4, v38;
	vm15 =	vlt.f32 v60, v32;
	v32 =	vmin.f32 v32, v60  }
0x7f: {  	v43 =	vld [tilespmem:s16+$0x630];
	v38 =	vsel vm15, v5, v38;
	vm4 =	vlt.f32 v61, v32;
	v32 =	vmin.f32 v32, v61  }
0x80: {  	v44 =	vld [tilespmem:s16+$0x640];
	v38 =	vsel vm4, v6, v38;
	vm5 =	vlt.f32 v63, v32;
	v32 =	vmin.f32 v32, v63  }
0x81: {  	v45 =	vld [tilespmem:s16+$0x650];
	v38 =	vsel vm5, v7, v38;
	vm6 =	vlt.f32 v40, v32;
	v32 =	vmin.f32 v32, v40  }
0x82: {  	v46 =	vld [tilespmem:s16+$0x660];
	v38 =	vsel vm6, v8, v38;
	vm7 =	vlt.f32 v41, v32;
	v32 =	vmin.f32 v32, v41  }
0x83: {  	v47 =	vld [tilespmem:s16+$0x670];
	v38 =	vsel vm7, v9, v38;
	vm8 =	vlt.f32 v42, v32;
	v32 =	vmin.f32 v32, v42  }
0x84: {  	v38 =	vsel vm8, v10, v38;
	vm9 =	vlt.f32 v43, v32;
	v32 =	vmin.f32 v32, v43  }
0x85: {  	v48 =	vsel vm9, v11, v38;
	vm10 =	vlt.f32 v44, v32;
	v32 =	vmin.f32 v32, v44  }
0x86: {  	v33 =	vsel vm10, v12, v48;
	vm11 =	vlt.f32 v45, v32;
	v32 =	vmin.f32 v32, v45  }
0x87: {  	v33 =	vsel vm11, v14, v33;
	vm12 =	vlt.f32 v46, v32;
	v32 =	vmin.f32 v32, v46  }
0x88: {  	v33 =	vsel vm12, v15, v33;
	vm13 =	vlt.f32 v47, v32;
	v32 =	vmin.f32 v32, v47  }
0x89: {  	v33 =	vsel vm13, v16, v33;
	[tilespmem:$0x41C4] =	vst v32  }
0x8a: {  	[tilespmem:$0x4344] =	vst v33  }
0x8b: {  	v32 =	vld [tilespmem:s16+$0x280]  }
0x8c: {  	v33 =	vld [tilespmem:s16+$0x290]  }
0x8d: {  	v49 =	vld [tilespmem:s16+$0x2A0]  }
0x8e: {  	v50 =	vld [tilespmem:s16+$0x2B0]  }
0x8f: {  	v51 =	vld [tilespmem:s16+$0x2C0]  }
0x90: {  	v52 =	vld [tilespmem:s16+$0x2D0]  }
0x91: {  	v53 =	vld [tilespmem:s16+$0x2E0];
	vm14 =	vlt.f32 v33, v32;
	v32 =	vmin.f32 v32, v33  }
0x92: {  	v55 =	vld [tilespmem:s16+$0x2F0];
	v54 =	vsel vm14, v1, v0;
	vm15 =	vlt.f32 v49, v32;
	v32 =	vmin.f32 v32, v49  }
0x93: {  	v56 =	vld [tilespmem:s16+$0x680];
	v38 =	vsel vm15, v2, v54;
	vm4 =	vlt.f32 v50, v32;
	v32 =	vmin.f32 v32, v50  }
0x94: {  	v57 =	vld [tilespmem:s16+$0x690];
	v38 =	vsel vm4, v3, v38;
	vm5 =	vlt.f32 v51, v32;
	v32 =	vmin.f32 v32, v51  }
0x95: {  	v58 =	vld [tilespmem:s16+$0x6A0];
	v38 =	vsel vm5, v4, v38;
	vm6 =	vlt.f32 v52, v32;
	v32 =	vmin.f32 v32, v52  }
0x96: {  	v59 =	vld [tilespmem:s16+$0x6B0];
	v38 =	vsel vm6, v5, v38;
	vm7 =	vlt.f32 v53, v32;
	v32 =	vmin.f32 v32, v53  }
0x97: {  	v60 =	vld [tilespmem:s16+$0x6C0];
	v38 =	vsel vm7, v6, v38;
	vm8 =	vlt.f32 v55, v32;
	v32 =	vmin.f32 v32, v55  }
0x98: {  	v61 =	vld [tilespmem:s16+$0x6D0];
	v38 =	vsel vm8, v7, v38;
	vm9 =	vlt.f32 v56, v32;
	v32 =	vmin.f32 v32, v56  }
0x99: {  	v62 =	vld [tilespmem:s16+$0x6E0];
	v38 =	vsel vm9, v8, v38;
	vm10 =	vlt.f32 v57, v32;
	v32 =	vmin.f32 v32, v57  }
0x9a: {  	v63 =	vld [tilespmem:s16+$0x6F0];
	v38 =	vsel vm10, v9, v38;
	vm11 =	vlt.f32 v58, v32;
	v32 =	vmin.f32 v32, v58  }
0x9b: {  	v38 =	vsel vm11, v10, v38;
	vm12 =	vlt.f32 v59, v32;
	v32 =	vmin.f32 v32, v59  }
0x9c: {  	v40 =	vsel vm12, v11, v38;
	vm13 =	vlt.f32 v60, v32;
	v32 =	vmin.f32 v32, v60  }
0x9d: {  	v33 =	vsel vm13, v12, v40;
	vm14 =	vlt.f32 v61, v32;
	v32 =	vmin.f32 v32, v61  }
0x9e: {  	v33 =	vsel vm14, v14, v33;
	vm15 =	vlt.f32 v62, v32;
	v32 =	vmin.f32 v32, v62  }
0x9f: {  	v33 =	vsel vm15, v15, v33;
	vm4 =	vlt.f32 v63, v32;
	v32 =	vmin.f32 v32, v63  }
0xa0: {  	v33 =	vsel vm4, v16, v33;
	[tilespmem:$0x41D5] =	vst v32  }
0xa1: {  	[tilespmem:$0x4355] =	vst v33  }
0xa2: {  	v32 =	vld [tilespmem:s16+$0x300]  }
0xa3: {  	v33 =	vld [tilespmem:s16+$0x310]  }
0xa4: {  	v41 =	vld [tilespmem:s16+$0x320]  }
0xa5: {  	v42 =	vld [tilespmem:s16+$0x330]  }
0xa6: {  	v43 =	vld [tilespmem:s16+$0x340]  }
0xa7: {  	v44 =	vld [tilespmem:s16+$0x350]  }
0xa8: {  	v45 =	vld [tilespmem:s16+$0x360];
	vm5 =	vlt.f32 v33, v32;
	v32 =	vmin.f32 v32, v33  }
0xa9: {  	v47 =	vld [tilespmem:s16+$0x370];
	v46 =	vsel vm5, v1, v0;
	vm6 =	vlt.f32 v41, v32;
	v32 =	vmin.f32 v32, v41  }
0xaa: {  	v48 =	vld [tilespmem:s16+$0x700];
	v38 =	vsel vm6, v2, v46;
	vm7 =	vlt.f32 v42, v32;
	v32 =	vmin.f32 v32, v42  }
0xab: {  	v49 =	vld [tilespmem:s16+$0x710];
	v38 =	vsel vm7, v3, v38;
	vm8 =	vlt.f32 v43, v32;
	v32 =	vmin.f32 v32, v43  }
0xac: {  	v50 =	vld [tilespmem:s16+$0x720];
	v38 =	vsel vm8, v4, v38;
	vm9 =	vlt.f32 v44, v32;
	v32 =	vmin.f32 v32, v44  }
0xad: {  	v51 =	vld [tilespmem:s16+$0x730];
	v38 =	vsel vm9, v5, v38;
	vm10 =	vlt.f32 v45, v32;
	v32 =	vmin.f32 v32, v45  }
0xae: {  	v52 =	vld [tilespmem:s16+$0x740];
	v38 =	vsel vm10, v6, v38;
	vm11 =	vlt.f32 v47, v32;
	v32 =	vmin.f32 v32, v47  }
0xaf: {  	v53 =	vld [tilespmem:s16+$0x750];
	v38 =	vsel vm11, v7, v38;
	vm12 =	vlt.f32 v48, v32;
	v32 =	vmin.f32 v32, v48  }
0xb0: {  	v54 =	vld [tilespmem:s16+$0x760];
	v38 =	vsel vm12, v8, v38;
	vm13 =	vlt.f32 v49, v32;
	v32 =	vmin.f32 v32, v49  }
0xb1: {  	v55 =	vld [tilespmem:s16+$0x770];
	v38 =	vsel vm13, v9, v38;
	vm14 =	vlt.f32 v50, v32;
	v32 =	vmin.f32 v32, v50  }
0xb2: {  	v38 =	vsel vm14, v10, v38;
	vm15 =	vlt.f32 v51, v32;
	v32 =	vmin.f32 v32, v51  }
0xb3: {  	v56 =	vsel vm15, v11, v38;
	vm4 =	vlt.f32 v52, v32;
	v32 =	vmin.f32 v32, v52  }
0xb4: {  	v33 =	vsel vm4, v12, v56;
	vm5 =	vlt.f32 v53, v32;
	v32 =	vmin.f32 v32, v53  }
0xb5: {  	v33 =	vsel vm5, v14, v33;
	vm6 =	vlt.f32 v54, v32;
	v32 =	vmin.f32 v32, v54  }
0xb6: {  	v33 =	vsel vm6, v15, v33;
	vm7 =	vlt.f32 v55, v32;
	v32 =	vmin.f32 v32, v55  }
0xb7: {  	v33 =	vsel vm7, v16, v33;
	[tilespmem:$0x41E6] =	vst v32  }
0xb8: {  	[tilespmem:$0x4366] =	vst v33  }
0xb9: {  	v32 =	vld [tilespmem:s16+$0x380]  }
0xba: {  	v33 =	vld [tilespmem:s16+$0x390]  }
0xbb: {  	v57 =	vld [tilespmem:s16+$0x3A0]  }
0xbc: {  	v58 =	vld [tilespmem:s16+$0x3B0]  }
0xbd: {  	v59 =	vld [tilespmem:s16+$0x3C0]  }
0xbe: {  	v60 =	vld [tilespmem:s16+$0x3D0]  }
0xbf: {  	v61 =	vld [tilespmem:s16+$0x3E0];
	vm8 =	vlt.f32 v33, v32;
	v32 =	vmin.f32 v32, v33  }
0xc0: {  	v63 =	vld [tilespmem:s16+$0x3F0];
	v62 =	vsel vm8, v1, v0;
	vm9 =	vlt.f32 v57, v32;
	v32 =	vmin.f32 v32, v57  }
0xc1: {  	v40 =	vld [tilespmem:s16+$0x780];
	v38 =	vsel vm9, v2, v62;
	vm10 =	vlt.f32 v58, v32;
	v32 =	vmin.f32 v32, v58  }
0xc2: {  	v41 =	vld [tilespmem:s16+$0x790];
	v38 =	vsel vm10, v3, v38;
	vm11 =	vlt.f32 v59, v32;
	v32 =	vmin.f32 v32, v59  }
0xc3: {  	v42 =	vld [tilespmem:s16+$0x7A0];
	v38 =	vsel vm11, v4, v38;
	vm12 =	vlt.f32 v60, v32;
	v32 =	vmin.f32 v32, v60  }
0xc4: {  	v43 =	vld [tilespmem:s16+$0x7B0];
	v38 =	vsel vm12, v5, v38;
	vm13 =	vlt.f32 v61, v32;
	v32 =	vmin.f32 v32, v61  }
0xc5: {  	v44 =	vld [tilespmem:s16+$0x7C0];
	v38 =	vsel vm13, v6, v38;
	vm14 =	vlt.f32 v63, v32;
	v32 =	vmin.f32 v32, v63  }
0xc6: {  	v45 =	vld [tilespmem:s16+$0x7D0];
	v38 =	vsel vm14, v7, v38;
	vm15 =	vlt.f32 v40, v32;
	v32 =	vmin.f32 v32, v40  }
0xc7: {  	v46 =	vld [tilespmem:s16+$0x7E0];
	v38 =	vsel vm15, v8, v38;
	vm4 =	vlt.f32 v41, v32;
	v32 =	vmin.f32 v32, v41  }
0xc8: {  	v47 =	vld [tilespmem:s16+$0x7F0];
	v38 =	vsel vm4, v9, v38;
	vm5 =	vlt.f32 v42, v32;
	v32 =	vmin.f32 v32, v42  }
0xc9: {  	v38 =	vsel vm5, v10, v38;
	vm6 =	vlt.f32 v43, v32;
	v32 =	vmin.f32 v32, v43  }
0xca: {  	v48 =	vsel vm6, v11, v38;
	vm7 =	vlt.f32 v44, v32;
	v32 =	vmin.f32 v32, v44  }
0xcb: {  	v33 =	vsel vm7, v12, v48;
	vm8 =	vlt.f32 v45, v32;
	v32 =	vmin.f32 v32, v45  }
0xcc: {  	v33 =	vsel vm8, v14, v33;
	vm9 =	vlt.f32 v46, v32;
	v32 =	vmin.f32 v32, v46  }
0xcd: {  	v33 =	vsel vm9, v15, v33;
	vm10 =	vlt.f32 v47, v32;
	v32 =	vmin.f32 v32, v47  }
0xce: {  	v33 =	vsel vm10, v16, v33;
	[tilespmem:$0x41F7] =	vst v32  }
0xcf: {  	[tilespmem:$0x4377] =	vst v33  }
0xd0: {  	v32 =	vld [tilespmem:s16+$0x800]  }
0xd1: {  	v33 =	vld [tilespmem:s16+$0x810]  }
0xd2: {  	v49 =	vld [tilespmem:s16+$0x820]  }
0xd3: {  	v50 =	vld [tilespmem:s16+$0x830]  }
0xd4: {  	v51 =	vld [tilespmem:s16+$0x840]  }
0xd5: {  	v52 =	vld [tilespmem:s16+$0x850]  }
0xd6: {  	v53 =	vld [tilespmem:s16+$0x860];
	vm11 =	vlt.f32 v33, v32;
	v32 =	vmin.f32 v32, v33  }
0xd7: {  	v55 =	vld [tilespmem:s16+$0x870];
	v54 =	vsel vm11, v1, v0;
	vm12 =	vlt.f32 v49, v32;
	v32 =	vmin.f32 v32, v49  }
0xd8: {  	v56 =	vld [tilespmem:s16+$0xC00];
	v38 =	vsel vm12, v2, v54;
	vm13 =	vlt.f32 v50, v32;
	v32 =	vmin.f32 v32, v50  }
0xd9: {  	v57 =	vld [tilespmem:s16+$0xC10];
	v38 =	vsel vm13, v3, v38;
	vm14 =	vlt.f32 v51, v32;
	v32 =	vmin.f32 v32, v51  }
0xda: {  	v58 =	vld [tilespmem:s16+$0xC20];
	v38 =	vsel vm14, v4, v38;
	vm15 =	vlt.f32 v52, v32;
	v32 =	vmin.f32 v32, v52  }
0xdb: {  	v59 =	vld [tilespmem:s16+$0xC30];
	v38 =	vsel vm15, v5, v38;
	vm4 =	vlt.f32 v53, v32;
	v32 =	vmin.f32 v32, v53  }
0xdc: {  	v60 =	vld [tilespmem:s16+$0xC40];
	v38 =	vsel vm4, v6, v38;
	vm5 =	vlt.f32 v55, v32;
	v32 =	vmin.f32 v32, v55  }
0xdd: {  	v61 =	vld [tilespmem:s16+$0xC50];
	v38 =	vsel vm5, v7, v38;
	vm6 =	vlt.f32 v56, v32;
	v32 =	vmin.f32 v32, v56  }
0xde: {  	v62 =	vld [tilespmem:s16+$0xC60];
	v38 =	vsel vm6, v8, v38;
	vm7 =	vlt.f32 v57, v32;
	v32 =	vmin.f32 v32, v57  }
0xdf: {  	v63 =	vld [tilespmem:s16+$0xC70];
	v38 =	vsel vm7, v9, v38;
	vm8 =	vlt.f32 v58, v32;
	v32 =	vmin.f32 v32, v58  }
0xe0: {  	v38 =	vsel vm8, v10, v38;
	vm9 =	vlt.f32 v59, v32;
	v32 =	vmin.f32 v32, v59  }
0xe1: {  	v40 =	vsel vm9, v11, v38;
	vm10 =	vlt.f32 v60, v32;
	v32 =	vmin.f32 v32, v60  }
0xe2: {  	v33 =	vsel vm10, v12, v40;
	vm11 =	vlt.f32 v61, v32;
	v32 =	vmin.f32 v32, v61  }
0xe3: {  	v33 =	vsel vm11, v14, v33;
	vm12 =	vlt.f32 v62, v32;
	v32 =	vmin.f32 v32, v62  }
0xe4: {  	v33 =	vsel vm12, v15, v33;
	vm13 =	vlt.f32 v63, v32;
	v32 =	vmin.f32 v32, v63  }
0xe5: {  	v33 =	vsel vm13, v16, v33;
	[tilespmem:$0x4208] =	vst v32  }
0xe6: {  	[tilespmem:$0x4388] =	vst v33  }
0xe7: {  	v32 =	vld [tilespmem:s16+$0x880]  }
0xe8: {  	v33 =	vld [tilespmem:s16+$0x890]  }
0xe9: {  	v41 =	vld [tilespmem:s16+$0x8A0]  }
0xea: {  	v42 =	vld [tilespmem:s16+$0x8B0]  }
0xeb: {  	v43 =	vld [tilespmem:s16+$0x8C0]  }
0xec: {  	v44 =	vld [tilespmem:s16+$0x8D0]  }
0xed: {  	v45 =	vld [tilespmem:s16+$0x8E0];
	vm14 =	vlt.f32 v33, v32;
	v32 =	vmin.f32 v32, v33  }
0xee: {  	v47 =	vld [tilespmem:s16+$0x8F0];
	v46 =	vsel vm14, v1, v0;
	vm15 =	vlt.f32 v41, v32;
	v32 =	vmin.f32 v32, v41  }
0xef: {  	v48 =	vld [tilespmem:s16+$0xC80];
	v38 =	vsel vm15, v2, v46;
	vm4 =	vlt.f32 v42, v32;
	v32 =	vmin.f32 v32, v42  }
0xf0: {  	v49 =	vld [tilespmem:s16+$0xC90];
	v38 =	vsel vm4, v3, v38;
	vm5 =	vlt.f32 v43, v32;
	v32 =	vmin.f32 v32, v43  }
0xf1: {  	v50 =	vld [tilespmem:s16+$0xCA0];
	v38 =	vsel vm5, v4, v38;
	vm6 =	vlt.f32 v44, v32;
	v32 =	vmin.f32 v32, v44  }
0xf2: {  	v51 =	vld [tilespmem:s16+$0xCB0];
	v38 =	vsel vm6, v5, v38;
	vm7 =	vlt.f32 v45, v32;
	v32 =	vmin.f32 v32, v45  }
0xf3: {  	v52 =	vld [tilespmem:s16+$0xCC0];
	v38 =	vsel vm7, v6, v38;
	vm8 =	vlt.f32 v47, v32;
	v32 =	vmin.f32 v32, v47  }
0xf4: {  	v53 =	vld [tilespmem:s16+$0xCD0];
	v38 =	vsel vm8, v7, v38;
	vm9 =	vlt.f32 v48, v32;
	v32 =	vmin.f32 v32, v48  }
0xf5: {  	v54 =	vld [tilespmem:s16+$0xCE0];
	v38 =	vsel vm9, v8, v38;
	vm10 =	vlt.f32 v49, v32;
	v32 =	vmin.f32 v32, v49  }
0xf6: {  	v55 =	vld [tilespmem:s16+$0xCF0];
	v38 =	vsel vm10, v9, v38;
	vm11 =	vlt.f32 v50, v32;
	v32 =	vmin.f32 v32, v50  }
0xf7: {  	v38 =	vsel vm11, v10, v38;
	vm12 =	vlt.f32 v51, v32;
	v32 =	vmin.f32 v32, v51  }
0xf8: {  	v56 =	vsel vm12, v11, v38;
	vm13 =	vlt.f32 v52, v32;
	v32 =	vmin.f32 v32, v52  }
0xf9: {  	v33 =	vsel vm13, v12, v56;
	vm14 =	vlt.f32 v53, v32;
	v32 =	vmin.f32 v32, v53  }
0xfa: {  	v33 =	vsel vm14, v14, v33;
	vm15 =	vlt.f32 v54, v32;
	v32 =	vmin.f32 v32, v54  }
0xfb: {  	v33 =	vsel vm15, v15, v33;
	vm4 =	vlt.f32 v55, v32;
	v32 =	vmin.f32 v32, v55  }
0xfc: {  	v33 =	vsel vm4, v16, v33;
	[tilespmem:$0x4219] =	vst v32  }
0xfd: {  	[tilespmem:$0x4399] =	vst v33  }
0xfe: {  	v32 =	vld [tilespmem:s16+$0x900]  }
0xff: {  	v33 =	vld [tilespmem:s16+$0x910]  }
0x100: {  	v57 =	vld [tilespmem:s16+$0x920]  }
0x101: {  	v58 =	vld [tilespmem:s16+$0x930]  }
0x102: {  	v59 =	vld [tilespmem:s16+$0x940]  }
0x103: {  	v60 =	vld [tilespmem:s16+$0x950]  }
0x104: {  	v61 =	vld [tilespmem:s16+$0x960];
	vm5 =	vlt.f32 v33, v32;
	v32 =	vmin.f32 v32, v33  }
0x105: {  	v63 =	vld [tilespmem:s16+$0x970];
	v62 =	vsel vm5, v1, v0;
	vm6 =	vlt.f32 v57, v32;
	v32 =	vmin.f32 v32, v57  }
0x106: {  	v40 =	vld [tilespmem:s16+$0xD00];
	v38 =	vsel vm6, v2, v62;
	vm7 =	vlt.f32 v58, v32;
	v32 =	vmin.f32 v32, v58  }
0x107: {  	v41 =	vld [tilespmem:s16+$0xD10];
	v38 =	vsel vm7, v3, v38;
	vm8 =	vlt.f32 v59, v32;
	v32 =	vmin.f32 v32, v59  }
0x108: {  	v42 =	vld [tilespmem:s16+$0xD20];
	v38 =	vsel vm8, v4, v38;
	vm9 =	vlt.f32 v60, v32;
	v32 =	vmin.f32 v32, v60  }
0x109: {  	v43 =	vld [tilespmem:s16+$0xD30];
	v38 =	vsel vm9, v5, v38;
	vm10 =	vlt.f32 v61, v32;
	v32 =	vmin.f32 v32, v61  }
0x10a: {  	v44 =	vld [tilespmem:s16+$0xD40];
	v38 =	vsel vm10, v6, v38;
	vm11 =	vlt.f32 v63, v32;
	v32 =	vmin.f32 v32, v63  }
0x10b: {  	v45 =	vld [tilespmem:s16+$0xD50];
	v38 =	vsel vm11, v7, v38;
	vm12 =	vlt.f32 v40, v32;
	v32 =	vmin.f32 v32, v40  }
0x10c: {  	v46 =	vld [tilespmem:s16+$0xD60];
	v38 =	vsel vm12, v8, v38;
	vm13 =	vlt.f32 v41, v32;
	v32 =	vmin.f32 v32, v41  }
0x10d: {  	v47 =	vld [tilespmem:s16+$0xD70];
	v38 =	vsel vm13, v9, v38;
	vm14 =	vlt.f32 v42, v32;
	v32 =	vmin.f32 v32, v42  }
0x10e: {  	v38 =	vsel vm14, v10, v38;
	vm15 =	vlt.f32 v43, v32;
	v32 =	vmin.f32 v32, v43  }
0x10f: {  	v48 =	vsel vm15, v11, v38;
	vm4 =	vlt.f32 v44, v32;
	v32 =	vmin.f32 v32, v44  }
0x110: {  	v33 =	vsel vm4, v12, v48;
	vm5 =	vlt.f32 v45, v32;
	v32 =	vmin.f32 v32, v45  }
0x111: {  	v33 =	vsel vm5, v14, v33;
	vm6 =	vlt.f32 v46, v32;
	v32 =	vmin.f32 v32, v46  }
0x112: {  	v33 =	vsel vm6, v15, v33;
	vm7 =	vlt.f32 v47, v32;
	v32 =	vmin.f32 v32, v47  }
0x113: {  	v33 =	vsel vm7, v16, v33;
	[tilespmem:$0x422A] =	vst v32  }
0x114: {  	[tilespmem:$0x43AA] =	vst v33  }
0x115: {  	v32 =	vld [tilespmem:s16+$0x980]  }
0x116: {  	v33 =	vld [tilespmem:s16+$0x990]  }
0x117: {  	v49 =	vld [tilespmem:s16+$0x9A0]  }
0x118: {  	v50 =	vld [tilespmem:s16+$0x9B0]  }
0x119: {  	v51 =	vld [tilespmem:s16+$0x9C0]  }
0x11a: {  	v52 =	vld [tilespmem:s16+$0x9D0]  }
0x11b: {  	v53 =	vld [tilespmem:s16+$0x9E0];
	vm8 =	vlt.f32 v33, v32;
	v32 =	vmin.f32 v32, v33  }
0x11c: {  	v55 =	vld [tilespmem:s16+$0x9F0];
	v54 =	vsel vm8, v1, v0;
	vm9 =	vlt.f32 v49, v32;
	v32 =	vmin.f32 v32, v49  }
0x11d: {  	v56 =	vld [tilespmem:s16+$0xD80];
	v38 =	vsel vm9, v2, v54;
	vm10 =	vlt.f32 v50, v32;
	v32 =	vmin.f32 v32, v50  }
0x11e: {  	v57 =	vld [tilespmem:s16+$0xD90];
	v38 =	vsel vm10, v3, v38;
	vm11 =	vlt.f32 v51, v32;
	v32 =	vmin.f32 v32, v51  }
0x11f: {  	v58 =	vld [tilespmem:s16+$0xDA0];
	v38 =	vsel vm11, v4, v38;
	vm12 =	vlt.f32 v52, v32;
	v32 =	vmin.f32 v32, v52  }
0x120: {  	v59 =	vld [tilespmem:s16+$0xDB0];
	v38 =	vsel vm12, v5, v38;
	vm13 =	vlt.f32 v53, v32;
	v32 =	vmin.f32 v32, v53  }
0x121: {  	v60 =	vld [tilespmem:s16+$0xDC0];
	v38 =	vsel vm13, v6, v38;
	vm14 =	vlt.f32 v55, v32;
	v32 =	vmin.f32 v32, v55  }
0x122: {  	v61 =	vld [tilespmem:s16+$0xDD0];
	v38 =	vsel vm14, v7, v38;
	vm15 =	vlt.f32 v56, v32;
	v32 =	vmin.f32 v32, v56  }
0x123: {  	v62 =	vld [tilespmem:s16+$0xDE0];
	v38 =	vsel vm15, v8, v38;
	vm4 =	vlt.f32 v57, v32;
	v32 =	vmin.f32 v32, v57  }
0x124: {  	v63 =	vld [tilespmem:s16+$0xDF0];
	v38 =	vsel vm4, v9, v38;
	vm5 =	vlt.f32 v58, v32;
	v32 =	vmin.f32 v32, v58  }
0x125: {  	v38 =	vsel vm5, v10, v38;
	vm6 =	vlt.f32 v59, v32;
	v32 =	vmin.f32 v32, v59  }
0x126: {  	v40 =	vsel vm6, v11, v38;
	vm7 =	vlt.f32 v60, v32;
	v32 =	vmin.f32 v32, v60  }
0x127: {  	v33 =	vsel vm7, v12, v40;
	vm8 =	vlt.f32 v61, v32;
	v32 =	vmin.f32 v32, v61  }
0x128: {  	v33 =	vsel vm8, v14, v33;
	vm9 =	vlt.f32 v62, v32;
	v32 =	vmin.f32 v32, v62  }
0x129: {  	v33 =	vsel vm9, v15, v33;
	vm10 =	vlt.f32 v63, v32;
	v32 =	vmin.f32 v32, v63  }
0x12a: {  	v33 =	vsel vm10, v16, v33;
	[tilespmem:$0x423B] =	vst v32  }
0x12b: {  	[tilespmem:$0x43BB] =	vst v33  }
0x12c: {  	v32 =	vld [tilespmem:s16+$0xA00]  }
0x12d: {  	v33 =	vld [tilespmem:s16+$0xA10]  }
0x12e: {  	v41 =	vld [tilespmem:s16+$0xA20]  }
0x12f: {  	v42 =	vld [tilespmem:s16+$0xA30]  }
0x130: {  	v43 =	vld [tilespmem:s16+$0xA40]  }
0x131: {  	v44 =	vld [tilespmem:s16+$0xA50]  }
0x132: {  	v45 =	vld [tilespmem:s16+$0xA60];
	vm11 =	vlt.f32 v33, v32;
	v32 =	vmin.f32 v32, v33  }
0x133: {  	v47 =	vld [tilespmem:s16+$0xA70];
	v46 =	vsel vm11, v1, v0;
	vm12 =	vlt.f32 v41, v32;
	v32 =	vmin.f32 v32, v41  }
0x134: {  	v48 =	vld [tilespmem:s16+$0xE00];
	v38 =	vsel vm12, v2, v46;
	vm13 =	vlt.f32 v42, v32;
	v32 =	vmin.f32 v32, v42  }
0x135: {  	v49 =	vld [tilespmem:s16+$0xE10];
	v38 =	vsel vm13, v3, v38;
	vm14 =	vlt.f32 v43, v32;
	v32 =	vmin.f32 v32, v43  }
0x136: {  	v50 =	vld [tilespmem:s16+$0xE20];
	v38 =	vsel vm14, v4, v38;
	vm15 =	vlt.f32 v44, v32;
	v32 =	vmin.f32 v32, v44  }
0x137: {  	v51 =	vld [tilespmem:s16+$0xE30];
	v38 =	vsel vm15, v5, v38;
	vm4 =	vlt.f32 v45, v32;
	v32 =	vmin.f32 v32, v45  }
0x138: {  	v52 =	vld [tilespmem:s16+$0xE40];
	v38 =	vsel vm4, v6, v38;
	vm5 =	vlt.f32 v47, v32;
	v32 =	vmin.f32 v32, v47  }
0x139: {  	v53 =	vld [tilespmem:s16+$0xE50];
	v38 =	vsel vm5, v7, v38;
	vm6 =	vlt.f32 v48, v32;
	v32 =	vmin.f32 v32, v48  }
0x13a: {  	v54 =	vld [tilespmem:s16+$0xE60];
	v38 =	vsel vm6, v8, v38;
	vm7 =	vlt.f32 v49, v32;
	v32 =	vmin.f32 v32, v49  }
0x13b: {  	v55 =	vld [tilespmem:s16+$0xE70];
	v38 =	vsel vm7, v9, v38;
	vm8 =	vlt.f32 v50, v32;
	v32 =	vmin.f32 v32, v50  }
0x13c: {  	v38 =	vsel vm8, v10, v38;
	vm9 =	vlt.f32 v51, v32;
	v32 =	vmin.f32 v32, v51  }
0x13d: {  	v56 =	vsel vm9, v11, v38;
	vm10 =	vlt.f32 v52, v32;
	v32 =	vmin.f32 v32, v52  }
0x13e: {  	v33 =	vsel vm10, v12, v56;
	vm11 =	vlt.f32 v53, v32;
	v32 =	vmin.f32 v32, v53  }
0x13f: {  	v33 =	vsel vm11, v14, v33;
	vm12 =	vlt.f32 v54, v32;
	v32 =	vmin.f32 v32, v54  }
0x140: {  	v33 =	vsel vm12, v15, v33;
	vm13 =	vlt.f32 v55, v32;
	v32 =	vmin.f32 v32, v55  }
0x141: {  	v33 =	vsel vm13, v16, v33;
	[tilespmem:$0x424C] =	vst v32  }
0x142: {  	[tilespmem:$0x43CC] =	vst v33  }
0x143: {  	v32 =	vld [tilespmem:s16+$0xA80]  }
0x144: {  	v33 =	vld [tilespmem:s16+$0xA90]  }
0x145: {  	v57 =	vld [tilespmem:s16+$0xAA0]  }
0x146: {  	v58 =	vld [tilespmem:s16+$0xAB0]  }
0x147: {  	v59 =	vld [tilespmem:s16+$0xAC0]  }
0x148: {  	v60 =	vld [tilespmem:s16+$0xAD0]  }
0x149: {  	v61 =	vld [tilespmem:s16+$0xAE0];
	vm14 =	vlt.f32 v33, v32;
	v32 =	vmin.f32 v32, v33  }
0x14a: {  	v63 =	vld [tilespmem:s16+$0xAF0];
	v62 =	vsel vm14, v1, v0;
	vm15 =	vlt.f32 v57, v32;
	v32 =	vmin.f32 v32, v57  }
0x14b: {  	v40 =	vld [tilespmem:s16+$0xE80];
	v38 =	vsel vm15, v2, v62;
	vm4 =	vlt.f32 v58, v32;
	v32 =	vmin.f32 v32, v58  }
0x14c: {  	v41 =	vld [tilespmem:s16+$0xE90];
	v38 =	vsel vm4, v3, v38;
	vm5 =	vlt.f32 v59, v32;
	v32 =	vmin.f32 v32, v59  }
0x14d: {  	v42 =	vld [tilespmem:s16+$0xEA0];
	v38 =	vsel vm5, v4, v38;
	vm6 =	vlt.f32 v60, v32;
	v32 =	vmin.f32 v32, v60  }
0x14e: {  	v43 =	vld [tilespmem:s16+$0xEB0];
	v38 =	vsel vm6, v5, v38;
	vm7 =	vlt.f32 v61, v32;
	v32 =	vmin.f32 v32, v61  }
0x14f: {  	v44 =	vld [tilespmem:s16+$0xEC0];
	v38 =	vsel vm7, v6, v38;
	vm8 =	vlt.f32 v63, v32;
	v32 =	vmin.f32 v32, v63  }
0x150: {  	v45 =	vld [tilespmem:s16+$0xED0];
	v38 =	vsel vm8, v7, v38;
	vm9 =	vlt.f32 v40, v32;
	v32 =	vmin.f32 v32, v40  }
0x151: {  	v46 =	vld [tilespmem:s16+$0xEE0];
	v38 =	vsel vm9, v8, v38;
	vm10 =	vlt.f32 v41, v32;
	v32 =	vmin.f32 v32, v41  }
0x152: {  	v47 =	vld [tilespmem:s16+$0xEF0];
	v38 =	vsel vm10, v9, v38;
	vm11 =	vlt.f32 v42, v32;
	v32 =	vmin.f32 v32, v42  }
0x153: {  	v38 =	vsel vm11, v10, v38;
	vm12 =	vlt.f32 v43, v32;
	v32 =	vmin.f32 v32, v43  }
0x154: {  	v48 =	vsel vm12, v11, v38;
	vm13 =	vlt.f32 v44, v32;
	v32 =	vmin.f32 v32, v44  }
0x155: {  	v33 =	vsel vm13, v12, v48;
	vm14 =	vlt.f32 v45, v32;
	v32 =	vmin.f32 v32, v45  }
0x156: {  	v33 =	vsel vm14, v14, v33;
	vm15 =	vlt.f32 v46, v32;
	v32 =	vmin.f32 v32, v46  }
0x157: {  	v33 =	vsel vm15, v15, v33;
	vm4 =	vlt.f32 v47, v32;
	v32 =	vmin.f32 v32, v47  }
0x158: {  	v33 =	vsel vm4, v16, v33;
	[tilespmem:$0x425D] =	vst v32  }
0x159: {  	[tilespmem:$0x43DD] =	vst v33  }
0x15a: {  	v32 =	vld [tilespmem:s16+$0xB00]  }
0x15b: {  	v33 =	vld [tilespmem:s16+$0xB10]  }
0x15c: {  	v49 =	vld [tilespmem:s16+$0xB20]  }
0x15d: {  	v50 =	vld [tilespmem:s16+$0xB30]  }
0x15e: {  	v51 =	vld [tilespmem:s16+$0xB40]  }
0x15f: {  	v52 =	vld [tilespmem:s16+$0xB50]  }
0x160: {  	v53 =	vld [tilespmem:s16+$0xB60];
	vm5 =	vlt.f32 v33, v32;
	v32 =	vmin.f32 v32, v33  }
0x161: {  	v55 =	vld [tilespmem:s16+$0xB70];
	v54 =	vsel vm5, v1, v0;
	vm6 =	vlt.f32 v49, v32;
	v32 =	vmin.f32 v32, v49  }
0x162: {  	v56 =	vld [tilespmem:s16+$0xF00];
	v38 =	vsel vm6, v2, v54;
	vm7 =	vlt.f32 v50, v32;
	v32 =	vmin.f32 v32, v50  }
0x163: {  	v57 =	vld [tilespmem:s16+$0xF10];
	v38 =	vsel vm7, v3, v38;
	vm8 =	vlt.f32 v51, v32;
	v32 =	vmin.f32 v32, v51  }
0x164: {  	v58 =	vld [tilespmem:s16+$0xF20];
	v38 =	vsel vm8, v4, v38;
	vm9 =	vlt.f32 v52, v32;
	v32 =	vmin.f32 v32, v52  }
0x165: {  	v59 =	vld [tilespmem:s16+$0xF30];
	v38 =	vsel vm9, v5, v38;
	vm10 =	vlt.f32 v53, v32;
	v32 =	vmin.f32 v32, v53  }
0x166: {  	v60 =	vld [tilespmem:s16+$0xF40];
	v38 =	vsel vm10, v6, v38;
	vm11 =	vlt.f32 v55, v32;
	v32 =	vmin.f32 v32, v55  }
0x167: {  	v61 =	vld [tilespmem:s16+$0xF50];
	v38 =	vsel vm11, v7, v38;
	vm12 =	vlt.f32 v56, v32;
	v32 =	vmin.f32 v32, v56  }
0x168: {  	v62 =	vld [tilespmem:s16+$0xF60];
	v38 =	vsel vm12, v8, v38;
	vm13 =	vlt.f32 v57, v32;
	v32 =	vmin.f32 v32, v57  }
0x169: {  	v63 =	vld [tilespmem:s16+$0xF70];
	v38 =	vsel vm13, v9, v38;
	vm14 =	vlt.f32 v58, v32;
	v32 =	vmin.f32 v32, v58  }
0x16a: {  	v38 =	vsel vm14, v10, v38;
	vm15 =	vlt.f32 v59, v32;
	v32 =	vmin.f32 v32, v59  }
0x16b: {  	v40 =	vsel vm15, v11, v38;
	vm4 =	vlt.f32 v60, v32;
	v32 =	vmin.f32 v32, v60  }
0x16c: {  	v33 =	vsel vm4, v12, v40;
	vm5 =	vlt.f32 v61, v32;
	v32 =	vmin.f32 v32, v61  }
0x16d: {  	v33 =	vsel vm5, v14, v33;
	vm6 =	vlt.f32 v62, v32;
	v32 =	vmin.f32 v32, v62  }
0x16e: {  	v33 =	vsel vm6, v15, v33;
	vm7 =	vlt.f32 v63, v32;
	v32 =	vmin.f32 v32, v63  }
0x16f: {  	v33 =	vsel vm7, v16, v33;
	[tilespmem:$0x426E] =	vst v32  }
0x170: {  	[tilespmem:$0x43EE] =	vst v33  }
0x171: {  	v32 =	vld [tilespmem:s16+$0xB80]  }
0x172: {  	v33 =	vld [tilespmem:s16+$0xB90]  }
0x173: {  	v41 =	vld [tilespmem:s16+$0xBA0]  }
0x174: {  	v42 =	vld [tilespmem:s16+$0xBB0]  }
0x175: {  	v43 =	vld [tilespmem:s16+$0xBC0]  }
0x176: {  	v44 =	vld [tilespmem:s16+$0xBD0]  }
0x177: {  	v45 =	vld [tilespmem:s16+$0xBE0];
	vm8 =	vlt.f32 v33, v32;
	v32 =	vmin.f32 v32, v33  }
0x178: {  	v47 =	vld [tilespmem:s16+$0xBF0];
	v46 =	vsel vm8, v1, v0;
	vm9 =	vlt.f32 v41, v32;
	v32 =	vmin.f32 v32, v41  }
0x179: {  	v48 =	vld [tilespmem:s16+$0xF80];
	v38 =	vsel vm9, v2, v46;
	vm10 =	vlt.f32 v42, v32;
	v32 =	vmin.f32 v32, v42  }
0x17a: {  	v49 =	vld [tilespmem:s16+$0xF90];
	v38 =	vsel vm10, v3, v38;
	vm11 =	vlt.f32 v43, v32;
	v32 =	vmin.f32 v32, v43  }
0x17b: {  	v50 =	vld [tilespmem:s16+$0xFA0];
	v38 =	vsel vm11, v4, v38;
	vm12 =	vlt.f32 v44, v32;
	v32 =	vmin.f32 v32, v44  }
0x17c: {  	v51 =	vld [tilespmem:s16+$0xFB0];
	v38 =	vsel vm12, v5, v38;
	vm13 =	vlt.f32 v45, v32;
	v32 =	vmin.f32 v32, v45  }
0x17d: {  	v52 =	vld [tilespmem:s16+$0xFC0];
	v38 =	vsel vm13, v6, v38;
	vm14 =	vlt.f32 v47, v32;
	v32 =	vmin.f32 v32, v47  }
0x17e: {  	v53 =	vld [tilespmem:s16+$0xFD0];
	v38 =	vsel vm14, v7, v38;
	vm15 =	vlt.f32 v48, v32;
	v32 =	vmin.f32 v32, v48  }
0x17f: {  	v54 =	vld [tilespmem:s16+$0xFE0];
	v38 =	vsel vm15, v8, v38;
	vm4 =	vlt.f32 v49, v32;
	v32 =	vmin.f32 v32, v49  }
0x180: {  	v55 =	vld [tilespmem:s16+$0xFF0];
	v38 =	vsel vm4, v9, v38;
	vm5 =	vlt.f32 v50, v32;
	v32 =	vmin.f32 v32, v50  }
0x181: {  	v38 =	vsel vm5, v10, v38;
	vm6 =	vlt.f32 v51, v32;
	v32 =	vmin.f32 v32, v51  }
0x182: {  	v56 =	vsel vm6, v11, v38;
	vm7 =	vlt.f32 v52, v32;
	v32 =	vmin.f32 v32, v52  }
0x183: {  	v33 =	vsel vm7, v12, v56;
	vm8 =	vlt.f32 v53, v32;
	v32 =	vmin.f32 v32, v53  }
0x184: {  	v33 =	vsel vm8, v14, v33;
	vm9 =	vlt.f32 v54, v32;
	v32 =	vmin.f32 v32, v54  }
0x185: {  	v33 =	vsel vm9, v15, v33;
	vm10 =	vlt.f32 v55, v32;
	v32 =	vmin.f32 v32, v55  }
0x186: {  	v33 =	vsel vm10, v16, v33;
	[tilespmem:$0x427F] =	vst v32  }
0x187: {  	[tilespmem:$0x43FF] =	vst v33  }
0x188: {  	v32 =	vld.idx.msk [tilespmem:v13+s10+$0x0], $0xffff  }
0x189: {  	v33 =	vld.idx.msk [tilespmem:v17+s10+$0x0], $0xffff  }
0x18a: {  	v57 =	vld.idx.msk [tilespmem:v18+s10+$0x0], $0xffff  }
0x18b: {  	v58 =	vld.idx.msk [tilespmem:v19+s10+$0x0], $0xffff  }
0x18c: {  	v59 =	vld.idx.msk [tilespmem:v20+s10+$0x0], $0xffff  }
0x18d: {  	v60 =	vld.idx.msk [tilespmem:v21+s10+$0x0], $0xffff  }
0x18e: {  	v61 =	vld.idx.msk [tilespmem:v22+s10+$0x0], $0xffff  }
0x18f: {  	v39 =	vld.idx.msk [tilespmem:v23+s10+$0x0], $0xffff;
	v40 =	vmin.f32 v32, v33  }
0x190: {  	v41 =	vld.idx.msk [tilespmem:v24+s10+$0x0], $0xffff;
	v40 =	vmin.f32 v40, v57  }
0x191: {  	v42 =	vld.idx.msk [tilespmem:v25+s10+$0x0], $0xffff;
	v40 =	vmin.f32 v40, v58  }
0x192: {  	v43 =	vld.idx.msk [tilespmem:v26+s10+$0x0], $0xffff;
	v40 =	vmin.f32 v40, v59  }
0x193: {  	v44 =	vld.idx.msk [tilespmem:v27+s10+$0x0], $0xffff;
	v40 =	vmin.f32 v40, v60  }
0x194: {  	v45 =	vld.idx.msk [tilespmem:v28+s10+$0x0], $0xffff;
	v40 =	vmin.f32 v40, v61  }
0x195: {  	v46 =	vld.idx.msk [tilespmem:v29+s10+$0x0], $0xffff;
	v40 =	vmin.f32 v40, v39  }
0x196: {  	v47 =	vld.idx.msk [tilespmem:v30+s10+$0x0], $0xffff;
	v40 =	vmin.f32 v40, v41  }
0x197: {  	v48 =	vld.idx.msk [tilespmem:v31+s10+$0x0], $0xffff;
	v40 =	vmin.f32 v40, v42  }
0x198: {  	v49 =	vld.idx.msk [tilespmem:v13+s11+$0x0], $0xffff;
	v40 =	vmin.f32 v40, v43  }
0x199: {  	v40 =	vmin.f32 v40, v44  }
0x19a: {  	v40 =	vmin.f32 v40, v45  }
0x19b: {  	v50 =	vld.idx.msk [tilespmem:v17+s11+$0x0], $0xffff;
	v40 =	vmin.f32 v40, v46  }
0x19c: {  	v40 =	vmin.f32 v40, v47  }
0x19d: {  	v51 =	vld.idx.msk [tilespmem:v18+s11+$0x0], $0xffff;
	vm11 =	vlt.s32 v49, $0x40000000;
	v40 =	vmin.f32 v40, v48  }
0x19e: {  	v62 =	vnsel vm11, $0x40000000, v49;
	vm1 =	veq.f32 v32, v40  }
0x19f: {  	v63 =	vld.idx.msk [tilespmem:v19+s11+$0x0], $0xffff;
	v32 =	vnsel vm1, $0x40000000, v62  }
0x1a0: {  	vm12 =	vlt.s32 v32, v50  }
0x1a1: {  	v53 =	vld.idx.msk [tilespmem:v20+s11+$0x0], $0xffff;
	vm13 =	veq.f32 v33, v40;
	vm14 =	veq.f32 v57, v40;
	v52 =	vsel vm12, v32, v50  }
0x1a2: {  	v54 =	vnsel vm14, $0x40000000, v51;
	v32 =	vsel vm13, v52, v32  }
0x1a3: {  	v55 =	vld.idx.msk [tilespmem:v21+s11+$0x0], $0xffff;
	vm15 =	veq.f32 v58, v40;
	vm0 =	vlt.s32 v32, v54  }
0x1a4: {  	v56 =	vnsel vm15, $0x40000000, v63;
	v32 =	vsel vm0, v32, v54  }
0x1a5: {  	vm4 =	veq.f32 v59, v40;
	v57 =	vld.idx.msk [tilespmem:v22+s11+$0x0], $0xffff;
	vm0 =	vlt.s32 v32, v56  }
0x1a6: {  	v58 =	vnsel vm4, $0x40000000, v53;
	v32 =	vsel vm0, v32, v56  }
0x1a7: {  	vm5 =	veq.f32 v60, v40;
	v59 =	vld.idx.msk [tilespmem:v23+s11+$0x0], $0xffff;
	vm0 =	vlt.s32 v32, v58  }
0x1a8: {  	v60 =	vnsel vm5, $0x40000000, v55;
	v32 =	vsel vm0, v32, v58  }
0x1a9: {  	vm6 =	veq.f32 v61, v40;
	v61 =	vld.idx.msk [tilespmem:v24+s11+$0x0], $0xffff;
	vm0 =	vlt.s32 v32, v60  }
0x1aa: {  	v62 =	vnsel vm6, $0x40000000, v57;
	v32 =	vsel vm0, v32, v60  }
0x1ab: {  	vm7 =	veq.f32 v39, v40;
	v63 =	vld.idx.msk [tilespmem:v25+s11+$0x0], $0xffff;
	vm0 =	vlt.s32 v32, v62  }
0x1ac: {  	v49 =	vnsel vm7, $0x40000000, v59;
	v32 =	vsel vm0, v32, v62  }
0x1ad: {  	vm8 =	veq.f32 v41, v40;
	v50 =	vld.idx.msk [tilespmem:v26+s11+$0x0], $0xffff;
	vm0 =	vlt.s32 v32, v49  }
0x1ae: {  	v51 =	vnsel vm8, $0x40000000, v61;
	v32 =	vsel vm0, v32, v49  }
0x1af: {  	vm9 =	veq.f32 v42, v40;
	v52 =	vld.idx.msk [tilespmem:v27+s11+$0x0], $0xffff;
	vm0 =	vlt.s32 v32, v51  }
0x1b0: {  	v53 =	vnsel vm9, $0x40000000, v63;
	v32 =	vsel vm0, v32, v51  }
0x1b1: {  	vm10 =	veq.f32 v43, v40;
	v54 =	vld.idx.msk [tilespmem:v28+s11+$0x0], $0xffff;
	vm0 =	vlt.s32 v32, v53  }
0x1b2: {  	v55 =	vnsel vm10, $0x40000000, v50;
	v32 =	vsel vm0, v32, v53  }
0x1b3: {  	vm11 =	veq.f32 v44, v40;
	v56 =	vld.idx.msk [tilespmem:v29+s11+$0x0], $0xffff;
	vm0 =	vlt.s32 v32, v55  }
0x1b4: {  	v57 =	vnsel vm11, $0x40000000, v52;
	v32 =	vsel vm0, v32, v55  }
0x1b5: {  	vm12 =	veq.f32 v45, v40;
	v58 =	vld.idx.msk [tilespmem:v30+s11+$0x0], $0xffff;
	vm0 =	vlt.s32 v32, v57  }
0x1b6: {  	v59 =	vnsel vm12, $0x40000000, v54;
	v32 =	vsel vm0, v32, v57  }
0x1b7: {  	vm13 =	veq.f32 v46, v40;
	v60 =	vld.idx.msk [tilespmem:v31+s11+$0x0], $0xffff;
	vm0 =	vlt.s32 v32, v59  }
0x1b8: {  	v61 =	vnsel vm13, $0x40000000, v56;
	v32 =	vsel vm0, v32, v59  }
0x1b9: {  	vm14 =	veq.f32 v47, v40;
	vm0 =	vlt.s32 v32, v61  }
0x1ba: {  	v62 =	vnsel vm14, $0x40000000, v58;
	v32 =	vsel vm0, v32, v61  }
0x1bb: {  	vm15 =	veq.f32 v48, v40;
	vm0 =	vlt.s32 v32, v62  }
0x1bc: {  	v63 =	vnsel vm15, $0x40000000, v60;
	v32 =	vsel vm0, v32, v62  }
0x1bd: {  	vm0 =	vlt.s32 v32, v63  }
0x1be: {  	v32 =	vsel vm0, v32, v63;
	_ =	sdelay $0x4  }
0x1bf: {  	p0 =	sne.s32 s15, $0x3;
	v32 =	vld.idx.msk [tilespmem:v32+s7+$0x0], $0xffff  }
.Ltmp0:
0x1c0: {  	_ = 	snop;
	(pc) =	sbr.rel @p0 .LBB2_2-.Ltmp0, $4  }
0x1c1: {  	_ = 	snop  }
0x1c2: {  	s31 =	sshll.u32 s15, $0x4  }
0x1c3: {  	s16 =	sand.u32 $0x3FFFFFF0, s31  }
0x1c4: {  	s15 =	sadd.s32 $0x1, s15;
	[tilespmem:s16+$0x4100] =	vst v32  }
0x1c5: {  	s14 =	sadd.s32 $0x1, s14  }
0x1c6: {  	p0 =	sne.s32 s14, s6  }
.Ltmp1:
0x1c7: {  	_ = 	snop;
	(pc) =	sbr.rel @p0 .LBB2_1-.Ltmp1, $4  }
0x1c8: {  	[hbm4b:s5+s3] =	stream.linear.scatter [tilespmem:s12], [sflag:$0x2], $0x40, $0x38;
	[tilespmem:$0x4480] =	vst v63  }
0x1c9: {  	_ =	swait.ge [sflag:s13], $0x40  }
0x1ca: {  	[sflag:s13] =	ssyncset.done $0x0  }
0x1cb: {  	[sflag:s13] =	ssyncadd.s32 $0xFFFFFFC0  }
0x1cc: {  	_ =	sfence.sel $0x180000  }
0x1cd: {  	[bflag:$0x0] =	sbarrier.arrive $0xFFFF  }
0x1ce: {  	p0 =	sne.s32 s2, $0x0;
	_ =	strace $0x90000047  }
0x1cf: {  	s0 =	sadd.s32 @!p0 $0x100000, s0;
	[bflag:$0x2] =	sbarrier.arrive $0xFFFF  }
0x1d0: {  	[sflag:s0] =	ssyncadd.tile.s32 @!p0 $0x1;
	_ =	shalt  }
.Lfunc_end2:
_tile_overlayer_lowered:
.L_overlay_start_2:
0x1d1: {  	(tag) =	ssettag $0x2  }
0x1d2: {  	s0 =	rddreg [dreg:$0x0];
	s2 =	stileid.u32  }
0x1d3: {  	s1 =	rddreg [dreg:$0x1];
	p0 =	sne.s32 s2, $0x0  }
0x1d4: {  	s3 =	rddreg [dreg:$0x2];
	[bflag:$0x3] =	sbarrier.arrive $0xFFFF;
	s2 =	simm.s32 @!p0 $0x1C03  }
0x1d5: {  	[timem:s3], [sflag:s2] =	dma.local @!p0 [hbm:s0], s1  }
0x1d6: {  	s0 =	simm.s32 @!p0 $0x3  }
0x1d7: {  	_ =	swait.ge @!p0 [sflag:s0], s1  }
0x1d8: {  	s1 =	ssub.s32 @!p0 $0x0, s1;
	[sflag:s0] =	ssyncset.done @!p0 $0x0  }
0x1d9: {  	[sflag:s0] =	ssyncadd.s32 @!p0 s1  }
0x1da: {  	[bflag:$0x3] =	sbarrier.arrive $0xFFFF  }
0x1db: {  	_ =	shalt  }

</sc_bundles>
